<compile_context>
chip_gen: v7x
topology: tpu7x:2x2x1
jax: 0.10.2.dev20260603
libtpu: 0.0.44.dev20260713+nightly
codegen_flags: <defaults>
</compile_context>

<pallas_src>
import functools

import jax
import jax.numpy as jnp
import numpy as np
from jax import lax
from jax.experimental import pallas as pl
from jax.experimental.pallas import tpu as pltpu
from jax.experimental.pallas import tpu_sc as plsc

N_NODES = 10000
TIMESTEPS = 50
HIDDEN = 64
HORIZON = 5

NC = 2
NS = 16
NW = NC * NS

N_PAD = 10240
RPT = N_PAD // NS

N_SUB = 6
H_STEP = 1.25 / N_SUB
SQH = float(np.sqrt(H_STEP))
N_STEPS = (HORIZON - 1) * N_SUB


NBUF = 3


def _make_agg(F, K, n_chunks):
  assert n_chunks % NBUF == 0
  mesh = plsc.VectorSubcoreMesh(core_axis_name="c", subcore_axis_name="s")

  params = None if F == 128 else pltpu.CompilerParams(use_tc_tiling_on_sc=False)

  @functools.partial(
      pl.kernel,
      out_type=jax.ShapeDtypeStruct((NC, N_PAD, F), jnp.float32),
      mesh=mesh,
      compiler_params=params,
      scratch_types=[
          pltpu.VMEM((n_chunks, 2, K), jnp.int32),
          [pltpu.VMEM((K, F), jnp.float32)] * NBUF,
          pltpu.VMEM_SHARED((N_PAD, F), jnp.float32),
          [pltpu.SemaphoreType.DMA] * NBUF,
          [pltpu.SemaphoreType.DMA] * NBUF,
      ],
  )
  def agg(v_hbm, sd_hbm, zeros_hbm, out_hbm,
          slab_v, bufs, accum_sh, gsems, ssems):
    c = lax.axis_index("c")
    sid = lax.axis_index("s")
    wid = sid * NC + c
    row0 = sid * RPT

    pltpu.sync_copy(sd_hbm.at[wid], slab_v)
    for b in range(NBUF):
      pltpu.async_copy(v_hbm.at[slab_v.at[b, 0]], bufs[b], gsems[b])
    pltpu.sync_copy(zeros_hbm, accum_sh.at[pl.ds(row0, RPT)])
    plsc.subcore_barrier()

    @pl.loop(0, n_chunks, step=NBUF)
    def _(j0):
      for b in range(NBUF):
        j = j0 + b
        bp = (b - 1) % NBUF
        pltpu.make_async_copy(
            v_hbm.at[slab_v.at[j, 0]], bufs[b], gsems[b]).wait()
        pltpu.make_async_copy(
            bufs[b], accum_sh.at[slab_v.at[j, 1]], ssems[b]).start(add=True)
        @pl.when(jnp.logical_and(j >= 1, j - 1 + NBUF < n_chunks))
        def _():
          pltpu.make_async_copy(
              bufs[bp], accum_sh.at[slab_v.at[j - 1, 1]], ssems[bp]).wait()
          pltpu.async_copy(
              v_hbm.at[slab_v.at[j - 1 + NBUF, 0]], bufs[bp], gsems[bp])

    for b in range(NBUF):
      pltpu.make_async_copy(
          bufs[b], accum_sh.at[slab_v.at[n_chunks - NBUF + b, 1]],
          ssems[b]).wait()
    plsc.subcore_barrier()
    pltpu.sync_copy(accum_sh.at[pl.ds(row0, RPT)],
                    out_hbm.at[c, pl.ds(row0, RPT)])

  return agg


def _tc_prep_body(degp_ref, x0_ref, dis_ref, v0_ref):
  deg = degp_ref[0, :, 0:1] + degp_ref[1, :, 0:1]
  dis = jnp.where(deg > 0, 1.0 / jnp.sqrt(deg), 0.0)
  dis_ref[...] = dis
  v0_ref[:, 0:1] = dis * x0_ref[...]
  v0_ref[:, 1:] = jnp.zeros_like(v0_ref[:, 1:])


def _tc_a_body(p_ref, dis_ref, wd1_ref, bd1_ref, wg1_ref, bg1_ref,
               wd2_ref, wg2_ref, out_ref):
  dis = dis_ref[...]
  a = (p_ref[0, :, 0:1] + p_ref[1, :, 0:1]) * dis
  h1d = jnp.tanh(a * wd1_ref[...] + bd1_ref[...])
  h1g = jnp.tanh(a * wg1_ref[...] + bg1_ref[...])
  ud = jnp.dot(h1d, wd2_ref[...], preferred_element_type=jnp.float32)
  ug = jnp.dot(h1g, wg2_ref[...], preferred_element_type=jnp.float32)
  out_ref[:, :HIDDEN] = dis * ud
  out_ref[:, HIDDEN:] = dis * ug


def _tc_b_body(p_ref, dis_ref, bd2_ref, bg2_ref, wd3_ref, wg3_ref, out_ref):
  dis = dis_ref[...]
  agg = (p_ref[0] + p_ref[1]) * dis
  h2d = jnp.tanh(agg[:, :HIDDEN] + bd2_ref[...])
  h2g = jnp.tanh(agg[:, HIDDEN:] + bg2_ref[...])
  zd = jnp.dot(h2d, wd3_ref[...], preferred_element_type=jnp.float32)
  zg = jnp.dot(h2g, wg3_ref[...], preferred_element_type=jnp.float32)
  out_ref[:, 0:1] = dis * zd
  out_ref[:, 1:2] = dis * zg
  out_ref[:, 2:] = jnp.zeros_like(out_ref[:, 2:])


def _tc_c_body(p_ref, s_ref, dis_ref, dw_ref, bd3_ref, bg3_ref,
               snew_ref, v0_ref):
  dis = dis_ref[...]
  drift = (p_ref[0, :, 0:1] + p_ref[1, :, 0:1]) * dis + bd3_ref[...]
  diffv = jnp.abs((p_ref[0, :, 1:2] + p_ref[1, :, 1:2]) * dis + bg3_ref[...])
  sn = s_ref[...] + drift * H_STEP + diffv * SQH * dw_ref[...]
  snew_ref[...] = sn
  v0_ref[:, 0:1] = dis * sn
  v0_ref[:, 1:] = jnp.zeros_like(v0_ref[:, 1:])


def _tc_call(body, out_shapes, *args, interpret=False):
  return pl.pallas_call(
      body,
      out_shape=out_shapes,
      interpret=interpret,
  )(*args)


def kernel(x, edge_index, Wd1, bd1, Wd2, bd2, Wd3, bd3,
           Wg1, bg1, Wg2, bg2, Wg3, bg3):
  n = x.shape[1]
  x0 = x[0, :, -1:]

  e = edge_index.shape[1]
  loops = jnp.arange(n, dtype=jnp.int32)
  src = jnp.concatenate([edge_index[0].astype(jnp.int32), loops])
  dst = jnp.concatenate([edge_index[1].astype(jnp.int32), loops])
  e_tot = e + n
  k16, k128 = 128, 64
  per_w = NW * k16 * NBUF
  n_chunks16 = -(-e_tot // (NW * k16))
  n_chunks16 = -(-n_chunks16 // NBUF) * NBUF
  e_pad = NW * k16 * n_chunks16
  n_chunks128 = e_pad // (NW * k128)
  src = jnp.concatenate([src, jnp.full((e_pad - e_tot,), n, jnp.int32)])
  dst = jnp.concatenate([dst, jnp.full((e_pad - e_tot,), n, jnp.int32)])
  sd16 = jnp.stack([src.reshape(NW, n_chunks16, k16),
                    dst.reshape(NW, n_chunks16, k16)], axis=2)
  sd128 = jnp.stack([src.reshape(NW, n_chunks128, k128),
                     dst.reshape(NW, n_chunks128, k128)], axis=2)

  zeros16 = jnp.zeros((RPT, 16), jnp.float32)
  zeros128 = jnp.zeros((RPT, 128), jnp.float32)
  ones_tbl = jnp.zeros((N_PAD, 16), jnp.float32).at[:n, 0].set(1.0)
  x0p = jnp.zeros((N_PAD, 1), jnp.float32).at[:n].set(x0)

  nkey = jax.random.key(1234)
  dws = jnp.stack([
      jax.random.normal(jax.random.fold_in(nkey, s), (n, 1), jnp.float32)
      for s in range(N_STEPS)
  ])
  dws = jnp.concatenate(
      [dws, jnp.zeros((N_STEPS, N_PAD - n, 1), jnp.float32)], axis=1)

  agg16 = _make_agg(16, k16, n_chunks16)
  agg128 = _make_agg(128, k128, n_chunks128)

  b1d = bd1.reshape(1, HIDDEN)
  b1g = bg1.reshape(1, HIDDEN)
  b2d = bd2.reshape(1, HIDDEN)
  b2g = bg2.reshape(1, HIDDEN)
  b3d = bd3.reshape(1, 1)
  b3g = bg3.reshape(1, 1)

  degp = agg16(ones_tbl, sd16, zeros16)
  dis, v0 = _tc_call(
      _tc_prep_body,
      (jax.ShapeDtypeStruct((N_PAD, 1), jnp.float32),
       jax.ShapeDtypeStruct((N_PAD, 16), jnp.float32)),
      degp, x0p)

  def step(carry, dw):
    s, v0 = carry
    p0 = agg16(v0, sd16, zeros16)
    v1 = _tc_call(
        _tc_a_body,
        jax.ShapeDtypeStruct((N_PAD, 2 * HIDDEN), jnp.float32),
        p0, dis, Wd1, b1d, Wg1, b1g, Wd2, Wg2)
    p1 = agg128(v1, sd128, zeros128)
    v2 = _tc_call(
        _tc_b_body,
        jax.ShapeDtypeStruct((N_PAD, 16), jnp.float32),
        p1, dis, b2d, b2g, Wd3, Wg3)
    p2 = agg16(v2, sd16, zeros16)
    sn, v0n = _tc_call(
        _tc_c_body,
        (jax.ShapeDtypeStruct((N_PAD, 1), jnp.float32),
         jax.ShapeDtypeStruct((N_PAD, 16), jnp.float32)),
        p2, s, dis, dw, b3d, b3g)
    return (sn, v0n), sn

  (_, _), ys = lax.scan(step, (x0p, v0), dws)

  keep = ys[jnp.array([N_SUB - 1, 2 * N_SUB - 1, 3 * N_SUB - 1,
                       4 * N_SUB - 1])]
  preds = jnp.concatenate([x0p[None], keep], axis=0)[:, :n, 0]
  return preds.T[None]

# --- scband reference (transcript-rebuilt; emitter-appended) ---
"""Pipeline reference for scband-graph-neural-sde-72078141161484 (READ-ONLY COPY).

The authoritative reference and input builder live on the scoring server;
editing this copy changes nothing except your own understanding.
"""

import jax, jax.numpy as jnp
import numpy as np

N_NODES = 10000
N_EDGES = 160000
BATCH = 1
TIMESTEPS = 50
NODE_FEATURES = 1
HIDDEN_DIM = 64
HORIZON = 5


def setup_inputs(seed: int = 0) -> dict:
    key = jax.random.key(seed)
    ks = jax.random.split(key, 16)
    inp = {}
    inp["x"] = jax.random.normal(ks[0], (BATCH, N_NODES, TIMESTEPS), dtype=jnp.float32)
    inp["edge_index"] = jax.random.randint(ks[1], (2, N_EDGES), 0, N_NODES, dtype=jnp.int32)
    dims = [(NODE_FEATURES, HIDDEN_DIM), (HIDDEN_DIM, HIDDEN_DIM), (HIDDEN_DIM, NODE_FEATURES)]
    # drift GCN stack weights
    for li, (din, dout) in enumerate(dims, start=1):
        inp["Wd%d" % li] = jax.random.normal(ks[1 + li], (din, dout), dtype=jnp.float32) * (1.0 / np.sqrt(din))
        inp["bd%d" % li] = jnp.zeros((dout,), dtype=jnp.float32)
    # diffusion GCN stack weights
    for li, (din, dout) in enumerate(dims, start=1):
        inp["Wg%d" % li] = jax.random.normal(ks[7 + li], (din, dout), dtype=jnp.float32) * (1.0 / np.sqrt(din))
        inp["bg%d" % li] = jnp.zeros((dout,), dtype=jnp.float32)
    return inp


def _gcn(h, src, dst, norm, W, b, n):
    # PyG GCNConv: x' = D^{-1/2}(A+I)D^{-1/2} X W + b  (self-loops already in src/dst)
    xw = h @ W
    msg = xw[src] * norm[:, None]
    out = jnp.zeros((n, W.shape[1]), dtype=h.dtype).at[dst].add(msg)
    return out + b


def _forward(x, edge_index, Wd1, bd1, Wd2, bd2, Wd3, bd3, Wg1, bg1, Wg2, bg2, Wg3, bg3):
    B, N, T = x.shape
    total = B * N
    # create_graph_batch: take last timestep per node, batch graphs with node offsets
    x0 = x[:, :, -1].reshape(total, NODE_FEATURES)
    ei = jnp.concatenate([edge_index + b * N for b in range(B)], axis=1)
    loops = jnp.arange(total, dtype=ei.dtype)
    src = jnp.concatenate([ei[0], loops])
    dst = jnp.concatenate([ei[1], loops])
    deg = jnp.zeros((total,), jnp.float32).at[dst].add(1.0)
    dis = jnp.where(deg > 0, 1.0 / jnp.sqrt(deg), 0.0)
    norm = dis[src] * dis[dst]

    def drift(hh):
        hh = jnp.tanh(_gcn(hh, src, dst, norm, Wd1, bd1, total))
        hh = jnp.tanh(_gcn(hh, src, dst, norm, Wd2, bd2, total))
        return _gcn(hh, src, dst, norm, Wd3, bd3, total)

    def diffusion(hh):
        hh = jnp.tanh(_gcn(hh, src, dst, norm, Wg1, bg1, total))
        hh = jnp.tanh(_gcn(hh, src, dst, norm, Wg2, bg2, total))
        return jnp.abs(_gcn(hh, src, dst, norm, Wg3, bg3, total))

    # sdeint over ts = linspace(0, H, H), diagonal noise, fixed internal dt = 1/H
    ts = np.linspace(0.0, float(HORIZON), HORIZON)
    dt = 1.0 / HORIZON
    nkey = jax.random.key(1234)
    state = x0
    outs = [state]
    step = 0
    for i in range(HORIZON - 1):
        delta = float(ts[i + 1] - ts[i])
        n_sub = max(1, int(round(delta / dt)))
        h = delta / n_sub
        sqh = float(np.sqrt(h))
        for _ in range(n_sub):
            dw = jax.random.normal(jax.random.fold_in(nkey, step), (total, NODE_FEATURES), dtype=jnp.float32)
            state = state + drift(state) * h + diffusion(state) * sqh * dw
            step += 1
        outs.append(state)
    preds = jnp.stack(outs, axis=0)  # (H, total, F)
    preds = preds.reshape(HORIZON, B, N, NODE_FEATURES).transpose(1, 2, 0, 3)  # (B, N, H, F)
    all_samples = jnp.stack([preds], axis=0)  # n_samples = 1
    predictions = all_samples.mean(axis=0)
    return predictions.squeeze(-1)  # (B, N, H)


def reference(x, edge_index, Wd1, bd1, Wd2, bd2, Wd3, bd3, Wg1, bg1, Wg2, bg2, Wg3, bg3):
    return _forward(x, edge_index, Wd1, bd1, Wd2, bd2, Wd3, bd3, Wg1, bg1, Wg2, bg2, Wg3, bg3)

if __name__ == "__main__":
    import jax
    _d = setup_inputs()
    print(jax.jit(kernel)(*tuple(_d.values())))

</pallas_src>

<mosaic_0001>
#map = affine_map<(d0, d1) -> (0, 0)>
#map1 = affine_map<(d0, d1) -> (0, 0, 0, 0)>
#map2 = affine_map<(d0, d1) -> (0, 0, 0)>
module attributes {stable_mosaic.version = 14 : i64} {
  func.func @agg(%arg0: i32, %arg1: i32, %arg2: memref<10240x16xf32, #tpu.memory_space<hbm>>, %arg3: memref<32x42x2x128xi32, #tpu.memory_space<hbm>>, %arg4: memref<640x16xf32, #tpu.memory_space<hbm>>, %arg5: memref<2x10240x16xf32, #tpu.memory_space<hbm>>, %arg6: memref<42x2x128xi32, #tpu.memory_space<vmem>>, %arg7: memref<128x16xf32, #tpu.memory_space<vmem>>, %arg8: memref<128x16xf32, #tpu.memory_space<vmem>>, %arg9: memref<128x16xf32, #tpu.memory_space<vmem>>, %arg10: memref<10240x16xf32, #tpu.memory_space<vmem_shared>>, %arg11: memref<!tpu.dma_semaphore, #tpu.memory_space<semaphore_mem>>, %arg12: memref<!tpu.dma_semaphore, #tpu.memory_space<semaphore_mem>>, %arg13: memref<!tpu.dma_semaphore, #tpu.memory_space<semaphore_mem>>, %arg14: memref<!tpu.dma_semaphore, #tpu.memory_space<semaphore_mem>>, %arg15: memref<!tpu.dma_semaphore, #tpu.memory_space<semaphore_mem>>, %arg16: memref<!tpu.dma_semaphore, #tpu.memory_space<semaphore_mem>>) attributes {dimension_semantics = [#tpu.dimension_semantics<core_parallel>, #tpu.dimension_semantics<subcore_parallel>], iteration_bounds = array<i64: 2, 16>, scalar_prefetch = 0 : i64, scratch_operands = 11 : i64, tpu.core_type = #tpu.core_type<sc_vector_subcore>, window_params = [{transform_indices = #map}, {transform_indices = #map1}, {transform_indices = #map}, {transform_indices = #map2}]} {
    %mul3A = arith.constant 2 : i32
    %mul3A_0 = arith.muli %arg1, %mul3A : i32
    %add3A = arith.addi %mul3A_0, %arg0 : i32
    %mul3A_1 = arith.constant 640 : i32
    %mul3A_2 = arith.muli %arg1, %mul3A_1 : i32
    "tpu.region"() ({
      %run_scoped3A = tpu.sem_alloc : memref<!tpu.dma_semaphore, #tpu.memory_space<semaphore_mem>>
      %dma_start3A_54 = arith.constant 0 : i32
      %dma_start3A_55 = arith.constant 0 : i32
      %dma_start3A_56 = arith.constant 0 : i32
      %dma_start3A_57 = tpu.memref_slice %arg3[%add3A, %dma_start3A_54, %dma_start3A_55, %dma_start3A_56] : memref<32x42x2x128xi32, #tpu.memory_space<hbm>> -> memref<1x42x2x128xi32, #tpu.memory_space<hbm>>
      %dma_start3A_58 = tpu.memref_squeeze %dma_start3A_57 : memref<1x42x2x128xi32, #tpu.memory_space<hbm>> -> memref<42x2x128xi32, #tpu.memory_space<hbm>>
      %dma_start3A_59 = arith.constant 0 : i32
      %dma_start3A_60 = arith.constant 0 : i32
      %dma_start3A_61 = arith.constant 0 : i32
      %dma_start3A_62 = tpu.memref_slice %arg3[%add3A, %dma_start3A_59, %dma_start3A_60, %dma_start3A_61] : memref<32x42x2x128xi32, #tpu.memory_space<hbm>> -> memref<1x42x2x128xi32, #tpu.memory_space<hbm>>
      %dma_start3A_63 = tpu.memref_squeeze %dma_start3A_62 : memref<1x42x2x128xi32, #tpu.memory_space<hbm>> -> memref<42x2x128xi32, #tpu.memory_space<hbm>>
      tpu.enqueue_dma source(%dma_start3A_63 : memref<42x2x128xi32, #tpu.memory_space<hbm>>) target(%arg6 : memref<42x2x128xi32, #tpu.memory_space<vmem>>) target_semaphore(%run_scoped3A : memref<!tpu.dma_semaphore, #tpu.memory_space<semaphore_mem>>)
      %dma_wait3A_64 = arith.constant 0 : i32
      %dma_wait3A_65 = arith.constant 0 : i32
      %dma_wait3A_66 = arith.constant 0 : i32
      %dma_wait3A_67 = tpu.memref_slice %arg3[%add3A, %dma_wait3A_64, %dma_wait3A_65, %dma_wait3A_66] : memref<32x42x2x128xi32, #tpu.memory_space<hbm>> -> memref<1x42x2x128xi32, #tpu.memory_space<hbm>>
      %dma_wait3A_68 = tpu.memref_squeeze %dma_wait3A_67 : memref<1x42x2x128xi32, #tpu.memory_space<hbm>> -> memref<42x2x128xi32, #tpu.memory_space<hbm>>
      %dma_wait3A_69 = arith.constant 0 : i32
      %dma_wait3A_70 = arith.constant 0 : i32
      %dma_wait3A_71 = arith.constant 0 : i32
      %dma_wait3A_72 = tpu.memref_slice %arg3[%add3A, %dma_wait3A_69, %dma_wait3A_70, %dma_wait3A_71] : memref<32x42x2x128xi32, #tpu.memory_space<hbm>> -> memref<1x42x2x128xi32, #tpu.memory_space<hbm>>
      %dma_wait3A_73 = tpu.memref_squeeze %dma_wait3A_72 : memref<1x42x2x128xi32, #tpu.memory_space<hbm>> -> memref<42x2x128xi32, #tpu.memory_space<hbm>>
      tpu.wait_dma2 semaphore(%run_scoped3A : memref<!tpu.dma_semaphore, #tpu.memory_space<semaphore_mem>>) src(%dma_wait3A_73 : memref<42x2x128xi32, #tpu.memory_space<hbm>>) dst(%arg6 : memref<42x2x128xi32, #tpu.memory_space<vmem>>)
      tpu.yield
    }) : () -> ()
    %dma_start3A = arith.constant 0 : i32
    %dma_start3A_3 = arith.constant 0 : i32
    %dma_start3A_4 = arith.constant 0 : i32
    %dma_start3A_5 = tpu.memref_slice %arg6[%dma_start3A, %dma_start3A_3, %dma_start3A_4] : memref<42x2x128xi32, #tpu.memory_space<vmem>> -> memref<1x1x128xi32, #tpu.memory_space<vmem>>
    %dma_start3A_6 = tpu.memref_squeeze %dma_start3A_5 : memref<1x1x128xi32, #tpu.memory_space<vmem>> -> memref<128xi32, #tpu.memory_space<vmem>>
    %dma_start3A_7 = arith.constant 0 : i32
    %dma_start3A_8 = arith.constant 0 : i32
    %dma_start3A_9 = tpu.memref_slice %arg2[%dma_start3A_7, %dma_start3A_8] : memref<10240x16xf32, #tpu.memory_space<hbm>> -> memref<10240x16xf32, #tpu.memory_space<hbm>>
    tpu.enqueue_indirect_dma source(%dma_start3A_9 : memref<10240x16xf32, #tpu.memory_space<hbm>>) target(%arg7 : memref<128x16xf32, #tpu.memory_space<vmem>>) offsets(%dma_start3A_6 : memref<128xi32, #tpu.memory_space<vmem>>) semaphore(%arg11 : memref<!tpu.dma_semaphore, #tpu.memory_space<semaphore_mem>>)
    %dma_start3A_10 = arith.constant 1 : i32
    %dma_start3A_11 = arith.constant 0 : i32
    %dma_start3A_12 = arith.constant 0 : i32
    %dma_start3A_13 = tpu.memref_slice %arg6[%dma_start3A_10, %dma_start3A_11, %dma_start3A_12] : memref<42x2x128xi32, #tpu.memory_space<vmem>> -> memref<1x1x128xi32, #tpu.memory_space<vmem>>
    %dma_start3A_14 = tpu.memref_squeeze %dma_start3A_13 : memref<1x1x128xi32, #tpu.memory_space<vmem>> -> memref<128xi32, #tpu.memory_space<vmem>>
    %dma_start3A_15 = arith.constant 0 : i32
    %dma_start3A_16 = arith.constant 0 : i32
    %dma_start3A_17 = tpu.memref_slice %arg2[%dma_start3A_15, %dma_start3A_16] : memref<10240x16xf32, #tpu.memory_space<hbm>> -> memref<10240x16xf32, #tpu.memory_space<hbm>>
    tpu.enqueue_indirect_dma source(%dma_start3A_17 : memref<10240x16xf32, #tpu.memory_space<hbm>>) target(%arg8 : memref<128x16xf32, #tpu.memory_space<vmem>>) offsets(%dma_start3A_14 : memref<128xi32, #tpu.memory_space<vmem>>) semaphore(%arg12 : memref<!tpu.dma_semaphore, #tpu.memory_space<semaphore_mem>>)
    %dma_start3A_18 = arith.constant 2 : i32
    %dma_start3A_19 = arith.constant 0 : i32
    %dma_start3A_20 = arith.constant 0 : i32
    %dma_start3A_21 = tpu.memref_slice %arg6[%dma_start3A_18, %dma_start3A_19, %dma_start3A_20] : memref<42x2x128xi32, #tpu.memory_space<vmem>> -> memref<1x1x128xi32, #tpu.memory_space<vmem>>
    %dma_start3A_22 = tpu.memref_squeeze %dma_start3A_21 : memref<1x1x128xi32, #tpu.memory_space<vmem>> -> memref<128xi32, #tpu.memory_space<vmem>>
    %dma_start3A_23 = arith.constant 0 : i32
    %dma_start3A_24 = arith.constant 0 : i32
    %dma_start3A_25 = tpu.memref_slice %arg2[%dma_start3A_23, %dma_start3A_24] : memref<10240x16xf32, #tpu.memory_space<hbm>> -> memref<10240x16xf32, #tpu.memory_space<hbm>>
    tpu.enqueue_indirect_dma source(%dma_start3A_25 : memref<10240x16xf32, #tpu.memory_space<hbm>>) target(%arg9 : memref<128x16xf32, #tpu.memory_space<vmem>>) offsets(%dma_start3A_22 : memref<128xi32, #tpu.memory_space<vmem>>) semaphore(%arg13 : memref<!tpu.dma_semaphore, #tpu.memory_space<semaphore_mem>>)
    "tpu.region"() ({
      %run_scoped3A = tpu.sem_alloc : memref<!tpu.dma_semaphore, #tpu.memory_space<semaphore_mem>>
      %dma_start3A_54 = arith.constant 0 : i32
      %dma_start3A_55 = tpu.memref_slice %arg10[%mul3A_2, %dma_start3A_54] : memref<10240x16xf32, #tpu.memory_space<vmem_shared>> -> memref<640x16xf32, #tpu.memory_space<vmem_shared>>
      tpu.enqueue_dma source(%arg4 : memref<640x16xf32, #tpu.memory_space<hbm>>) target(%dma_start3A_55 : memref<640x16xf32, #tpu.memory_space<vmem_shared>>) target_semaphore(%run_scoped3A : memref<!tpu.dma_semaphore, #tpu.memory_space<semaphore_mem>>)
      %dma_wait3A_56 = arith.constant 0 : i32
      %dma_wait3A_57 = tpu.memref_slice %arg10[%mul3A_2, %dma_wait3A_56] : memref<10240x16xf32, #tpu.memory_space<vmem_shared>> -> memref<640x16xf32, #tpu.memory_space<vmem_shared>>
      tpu.wait_dma2 semaphore(%run_scoped3A : memref<!tpu.dma_semaphore, #tpu.memory_space<semaphore_mem>>) src(%arg4 : memref<640x16xf32, #tpu.memory_space<hbm>>) dst(%dma_wait3A_57 : memref<640x16xf32, #tpu.memory_space<vmem_shared>>)
      tpu.yield
    }) : () -> ()
    %barrier3A = arith.constant 0 : index
    tpu.barrier barrier_id(%barrier3A)
    %scan3A = arith.constant 0 : i32
    %scan3A_26 = arith.constant 14 : i32
    %scan3A_27 = arith.addi %scan3A, %scan3A_26 : i32
    %scan3A_28 = arith.constant 1 : i32
    scf.for %scan3A_54 = %scan3A to %scan3A_27 step %scan3A_28  : i32 {
      %mul3A_55 = arith.constant 3 : i32
      %mul3A_56 = arith.muli %scan3A_54, %mul3A_55 : i32
      %add3A_57 = arith.constant 0 : i32
      %add3A_58 = arith.addi %add3A_57, %mul3A_56 : i32
      %add3A_59 = arith.constant 0 : i32
      %add3A_60 = arith.addi %add3A_58, %add3A_59 : i32
      %dma_wait3A_61 = arith.constant 0 : i32
      %dma_wait3A_62 = arith.constant 0 : i32
      %dma_wait3A_63 = tpu.memref_slice %arg6[%add3A_60, %dma_wait3A_61, %dma_wait3A_62] : memref<42x2x128xi32, #tpu.memory_space<vmem>> -> memref<1x1x128xi32, #tpu.memory_space<vmem>>
      %dma_wait3A_64 = tpu.memref_squeeze %dma_wait3A_63 : memref<1x1x128xi32, #tpu.memory_space<vmem>> -> memref<128xi32, #tpu.memory_space<vmem>>
      %dma_wait3A_65 = arith.constant 0 : i32
      %dma_wait3A_66 = arith.constant 0 : i32
      %dma_wait3A_67 = tpu.memref_slice %arg2[%dma_wait3A_65, %dma_wait3A_66] : memref<10240x16xf32, #tpu.memory_space<hbm>> -> memref<10240x16xf32, #tpu.memory_space<hbm>>
      tpu.wait_indirect_dma semaphore(%arg11 : memref<!tpu.dma_semaphore, #tpu.memory_space<semaphore_mem>>) src(%dma_wait3A_67 : memref<10240x16xf32, #tpu.memory_space<hbm>>) dst(%arg7 : memref<128x16xf32, #tpu.memory_space<vmem>>)
      %dma_start3A_68 = arith.constant 1 : i32
      %dma_start3A_69 = arith.constant 0 : i32
      %dma_start3A_70 = tpu.memref_slice %arg6[%add3A_60, %dma_start3A_68, %dma_start3A_69] : memref<42x2x128xi32, #tpu.memory_space<vmem>> -> memref<1x1x128xi32, #tpu.memory_space<vmem>>
      %dma_start3A_71 = tpu.memref_squeeze %dma_start3A_70 : memref<1x1x128xi32, #tpu.memory_space<vmem>> -> memref<128xi32, #tpu.memory_space<vmem>>
      %dma_start3A_72 = arith.constant 0 : i32
      %dma_start3A_73 = arith.constant 0 : i32
      %dma_start3A_74 = tpu.memref_slice %arg10[%dma_start3A_72, %dma_start3A_73] : memref<10240x16xf32, #tpu.memory_space<vmem_shared>> -> memref<10240x16xf32, #tpu.memory_space<vmem_shared>>
      tpu.enqueue_indirect_dma source(%arg7 : memref<128x16xf32, #tpu.memory_space<vmem>>) target(%dma_start3A_74 : memref<10240x16xf32, #tpu.memory_space<vmem_shared>>) offsets(%dma_start3A_71 : memref<128xi32, #tpu.memory_space<vmem>>) semaphore(%arg14 : memref<!tpu.dma_semaphore, #tpu.memory_space<semaphore_mem>>) {add = true}
      %ge3A = arith.constant 1 : i32
      %ge3A_75 = arith.cmpi sge, %add3A_60, %ge3A : i32
      %sub3A = arith.constant 1 : i32
      %sub3A_76 = arith.subi %add3A_60, %sub3A : i32
      %add3A_77 = arith.constant 3 : i32
      %add3A_78 = arith.addi %sub3A_76, %add3A_77 : i32
      %lt3A = arith.constant 42 : i32
      %lt3A_79 = arith.cmpi slt, %add3A_78, %lt3A : i32
      %and3A = arith.andi %ge3A_75, %lt3A_79 : i1
      %convert_element_type3A = arith.extui %and3A : i1 to i32
      %cond3A = arith.constant 0 : i32
      %cond3A_80 = arith.cmpi ne, %convert_element_type3A, %cond3A : i32
      scf.if %cond3A_80 {
        %sub3A_137 = arith.constant 1 : i32
        %sub3A_138 = arith.subi %add3A_60, %sub3A_137 : i32
        %dma_wait3A_139 = arith.constant 1 : i32
        %dma_wait3A_140 = arith.constant 0 : i32
        %dma_wait3A_141 = tpu.memref_slice %arg6[%sub3A_138, %dma_wait3A_139, %dma_wait3A_140] : memref<42x2x128xi32, #tpu.memory_space<vmem>> -> memref<1x1x128xi32, #tpu.memory_space<vmem>>
        %dma_wait3A_142 = tpu.memref_squeeze %dma_wait3A_141 : memref<1x1x128xi32, #tpu.memory_space<vmem>> -> memref<128xi32, #tpu.memory_space<vmem>>
        %dma_wait3A_143 = arith.constant 0 : i32
        %dma_wait3A_144 = arith.constant 0 : i32
        %dma_wait3A_145 = tpu.memref_slice %arg10[%dma_wait3A_143, %dma_wait3A_144] : memref<10240x16xf32, #tpu.memory_space<vmem_shared>> -> memref<10240x16xf32, #tpu.memory_space<vmem_shared>>
        tpu.wait_indirect_dma semaphore(%arg16 : memref<!tpu.dma_semaphore, #tpu.memory_space<semaphore_mem>>) src(%arg9 : memref<128x16xf32, #tpu.memory_space<vmem>>) dst(%dma_wait3A_145 : memref<10240x16xf32, #tpu.memory_space<vmem_shared>>)
        %sub3A_146 = arith.constant 1 : i32
        %sub3A_147 = arith.subi %add3A_60, %sub3A_146 : i32
        %add3A_148 = arith.constant 3 : i32
        %add3A_149 = arith.addi %sub3A_147, %add3A_148 : i32
        %dma_start3A_150 = arith.constant 0 : i32
        %dma_start3A_151 = arith.constant 0 : i32
        %dma_start3A_152 = tpu.memref_slice %arg6[%add3A_149, %dma_start3A_150, %dma_start3A_151] : memref<42x2x128xi32, #tpu.memory_space<vmem>> -> memref<1x1x128xi32, #tpu.memory_space<vmem>>
        %dma_start3A_153 = tpu.memref_squeeze %dma_start3A_152 : memref<1x1x128xi32, #tpu.memory_space<vmem>> -> memref<128xi32, #tpu.memory_space<vmem>>
        %dma_start3A_154 = arith.constant 0 : i32
        %dma_start3A_155 = arith.constant 0 : i32
        %dma_start3A_156 = tpu.memref_slice %arg2[%dma_start3A_154, %dma_start3A_155] : memref<10240x16xf32, #tpu.memory_space<hbm>> -> memref<10240x16xf32, #tpu.memory_space<hbm>>
        tpu.enqueue_indirect_dma source(%dma_start3A_156 : memref<10240x16xf32, #tpu.memory_space<hbm>>) target(%arg9 : memref<128x16xf32, #tpu.memory_space<vmem>>) offsets(%dma_start3A_153 : memref<128xi32, #tpu.memory_space<vmem>>) semaphore(%arg13 : memref<!tpu.dma_semaphore, #tpu.memory_space<semaphore_mem>>)
      } else {
      }
      %add3A_81 = arith.constant 1 : i32
      %add3A_82 = arith.addi %add3A_58, %add3A_81 : i32
      %dma_wait3A_83 = arith.constant 0 : i32
      %dma_wait3A_84 = arith.constant 0 : i32
      %dma_wait3A_85 = tpu.memref_slice %arg6[%add3A_82, %dma_wait3A_83, %dma_wait3A_84] : memref<42x2x128xi32, #tpu.memory_space<vmem>> -> memref<1x1x128xi32, #tpu.memory_space<vmem>>
      %dma_wait3A_86 = tpu.memref_squeeze %dma_wait3A_85 : memref<1x1x128xi32, #tpu.memory_space<vmem>> -> memref<128xi32, #tpu.memory_space<vmem>>
      %dma_wait3A_87 = arith.constant 0 : i32
      %dma_wait3A_88 = arith.constant 0 : i32
      %dma_wait3A_89 = tpu.memref_slice %arg2[%dma_wait3A_87, %dma_wait3A_88] : memref<10240x16xf32, #tpu.memory_space<hbm>> -> memref<10240x16xf32, #tpu.memory_space<hbm>>
      tpu.wait_indirect_dma semaphore(%arg12 : memref<!tpu.dma_semaphore, #tpu.memory_space<semaphore_mem>>) src(%dma_wait3A_89 : memref<10240x16xf32, #tpu.memory_space<hbm>>) dst(%arg8 : memref<128x16xf32, #tpu.memory_space<vmem>>)
      %dma_start3A_90 = arith.constant 1 : i32
      %dma_start3A_91 = arith.constant 0 : i32
      %dma_start3A_92 = tpu.memref_slice %arg6[%add3A_82, %dma_start3A_90, %dma_start3A_91] : memref<42x2x128xi32, #tpu.memory_space<vmem>> -> memref<1x1x128xi32, #tpu.memory_space<vmem>>
      %dma_start3A_93 = tpu.memref_squeeze %dma_start3A_92 : memref<1x1x128xi32, #tpu.memory_space<vmem>> -> memref<128xi32, #tpu.memory_space<vmem>>
      %dma_start3A_94 = arith.constant 0 : i32
      %dma_start3A_95 = arith.constant 0 : i32
      %dma_start3A_96 = tpu.memref_slice %arg10[%dma_start3A_94, %dma_start3A_95] : memref<10240x16xf32, #tpu.memory_space<vmem_shared>> -> memref<10240x16xf32, #tpu.memory_space<vmem_shared>>
      tpu.enqueue_indirect_dma source(%arg8 : memref<128x16xf32, #tpu.memory_space<vmem>>) target(%dma_start3A_96 : memref<10240x16xf32, #tpu.memory_space<vmem_shared>>) offsets(%dma_start3A_93 : memref<128xi32, #tpu.memory_space<vmem>>) semaphore(%arg15 : memref<!tpu.dma_semaphore, #tpu.memory_space<semaphore_mem>>) {add = true}
      %ge3A_97 = arith.constant 1 : i32
      %ge3A_98 = arith.cmpi sge, %add3A_82, %ge3A_97 : i32
      %sub3A_99 = arith.constant 1 : i32
      %sub3A_100 = arith.subi %add3A_82, %sub3A_99 : i32
      %add3A_101 = arith.constant 3 : i32
      %add3A_102 = arith.addi %sub3A_100, %add3A_101 : i32
      %lt3A_103 = arith.constant 42 : i32
      %lt3A_104 = arith.cmpi slt, %add3A_102, %lt3A_103 : i32
      %and3A_105 = arith.andi %ge3A_98, %lt3A_104 : i1
      %convert_element_type3A_106 = arith.extui %and3A_105 : i1 to i32
      %cond3A_107 = arith.constant 0 : i32
      %cond3A_108 = arith.cmpi ne, %convert_element_type3A_106, %cond3A_107 : i32
      scf.if %cond3A_108 {
        %sub3A_137 = arith.constant 1 : i32
        %sub3A_138 = arith.subi %add3A_82, %sub3A_137 : i32
        %dma_wait3A_139 = arith.constant 1 : i32
        %dma_wait3A_140 = arith.constant 0 : i32
        %dma_wait3A_141 = tpu.memref_slice %arg6[%sub3A_138, %dma_wait3A_139, %dma_wait3A_140] : memref<42x2x128xi32, #tpu.memory_space<vmem>> -> memref<1x1x128xi32, #tpu.memory_space<vmem>>
        %dma_wait3A_142 = tpu.memref_squeeze %dma_wait3A_141 : memref<1x1x128xi32, #tpu.memory_space<vmem>> -> memref<128xi32, #tpu.memory_space<vmem>>
        %dma_wait3A_143 = arith.constant 0 : i32
        %dma_wait3A_144 = arith.constant 0 : i32
        %dma_wait3A_145 = tpu.memref_slice %arg10[%dma_wait3A_143, %dma_wait3A_144] : memref<10240x16xf32, #tpu.memory_space<vmem_shared>> -> memref<10240x16xf32, #tpu.memory_space<vmem_shared>>
        tpu.wait_indirect_dma semaphore(%arg14 : memref<!tpu.dma_semaphore, #tpu.memory_space<semaphore_mem>>) src(%arg7 : memref<128x16xf32, #tpu.memory_space<vmem>>) dst(%dma_wait3A_145 : memref<10240x16xf32, #tpu.memory_space<vmem_shared>>)
        %sub3A_146 = arith.constant 1 : i32
        %sub3A_147 = arith.subi %add3A_82, %sub3A_146 : i32
        %add3A_148 = arith.constant 3 : i32
        %add3A_149 = arith.addi %sub3A_147, %add3A_148 : i32
        %dma_start3A_150 = arith.constant 0 : i32
        %dma_start3A_151 = arith.constant 0 : i32
        %dma_start3A_152 = tpu.memref_slice %arg6[%add3A_149, %dma_start3A_150, %dma_start3A_151] : memref<42x2x128xi32, #tpu.memory_space<vmem>> -> memref<1x1x128xi32, #tpu.memory_space<vmem>>
        %dma_start3A_153 = tpu.memref_squeeze %dma_start3A_152 : memref<1x1x128xi32, #tpu.memory_space<vmem>> -> memref<128xi32, #tpu.memory_space<vmem>>
        %dma_start3A_154 = arith.constant 0 : i32
        %dma_start3A_155 = arith.constant 0 : i32
        %dma_start3A_156 = tpu.memref_slice %arg2[%dma_start3A_154, %dma_start3A_155] : memref<10240x16xf32, #tpu.memory_space<hbm>> -> memref<10240x16xf32, #tpu.memory_space<hbm>>
        tpu.enqueue_indirect_dma source(%dma_start3A_156 : memref<10240x16xf32, #tpu.memory_space<hbm>>) target(%arg7 : memref<128x16xf32, #tpu.memory_space<vmem>>) offsets(%dma_start3A_153 : memref<128xi32, #tpu.memory_space<vmem>>) semaphore(%arg11 : memref<!tpu.dma_semaphore, #tpu.memory_space<semaphore_mem>>)
      } else {
      }
      %add3A_109 = arith.constant 2 : i32
      %add3A_110 = arith.addi %add3A_58, %add3A_109 : i32
      %dma_wait3A_111 = arith.constant 0 : i32
      %dma_wait3A_112 = arith.constant 0 : i32
      %dma_wait3A_113 = tpu.memref_slice %arg6[%add3A_110, %dma_wait3A_111, %dma_wait3A_112] : memref<42x2x128xi32, #tpu.memory_space<vmem>> -> memref<1x1x128xi32, #tpu.memory_space<vmem>>
      %dma_wait3A_114 = tpu.memref_squeeze %dma_wait3A_113 : memref<1x1x128xi32, #tpu.memory_space<vmem>> -> memref<128xi32, #tpu.memory_space<vmem>>
      %dma_wait3A_115 = arith.constant 0 : i32
      %dma_wait3A_116 = arith.constant 0 : i32
      %dma_wait3A_117 = tpu.memref_slice %arg2[%dma_wait3A_115, %dma_wait3A_116] : memref<10240x16xf32, #tpu.memory_space<hbm>> -> memref<10240x16xf32, #tpu.memory_space<hbm>>
      tpu.wait_indirect_dma semaphore(%arg13 : memref<!tpu.dma_semaphore, #tpu.memory_space<semaphore_mem>>) src(%dma_wait3A_117 : memref<10240x16xf32, #tpu.memory_space<hbm>>) dst(%arg9 : memref<128x16xf32, #tpu.memory_space<vmem>>)
      %dma_start3A_118 = arith.constant 1 : i32
      %dma_start3A_119 = arith.constant 0 : i32
      %dma_start3A_120 = tpu.memref_slice %arg6[%add3A_110, %dma_start3A_118, %dma_start3A_119] : memref<42x2x128xi32, #tpu.memory_space<vmem>> -> memref<1x1x128xi32, #tpu.memory_space<vmem>>
      %dma_start3A_121 = tpu.memref_squeeze %dma_start3A_120 : memref<1x1x128xi32, #tpu.memory_space<vmem>> -> memref<128xi32, #tpu.memory_space<vmem>>
      %dma_start3A_122 = arith.constant 0 : i32
      %dma_start3A_123 = arith.constant 0 : i32
      %dma_start3A_124 = tpu.memref_slice %arg10[%dma_start3A_122, %dma_start3A_123] : memref<10240x16xf32, #tpu.memory_space<vmem_shared>> -> memref<10240x16xf32, #tpu.memory_space<vmem_shared>>
      tpu.enqueue_indirect_dma source(%arg9 : memref<128x16xf32, #tpu.memory_space<vmem>>) target(%dma_start3A_124 : memref<10240x16xf32, #tpu.memory_space<vmem_shared>>) offsets(%dma_start3A_121 : memref<128xi32, #tpu.memory_space<vmem>>) semaphore(%arg16 : memref<!tpu.dma_semaphore, #tpu.memory_space<semaphore_mem>>) {add = true}
      %ge3A_125 = arith.constant 1 : i32
      %ge3A_126 = arith.cmpi sge, %add3A_110, %ge3A_125 : i32
      %sub3A_127 = arith.constant 1 : i32
      %sub3A_128 = arith.subi %add3A_110, %sub3A_127 : i32
      %add3A_129 = arith.constant 3 : i32
      %add3A_130 = arith.addi %sub3A_128, %add3A_129 : i32
      %lt3A_131 = arith.constant 42 : i32
      %lt3A_132 = arith.cmpi slt, %add3A_130, %lt3A_131 : i32
      %and3A_133 = arith.andi %ge3A_126, %lt3A_132 : i1
      %convert_element_type3A_134 = arith.extui %and3A_133 : i1 to i32
      %cond3A_135 = arith.constant 0 : i32
      %cond3A_136 = arith.cmpi ne, %convert_element_type3A_134, %cond3A_135 : i32
      scf.if %cond3A_136 {
        %sub3A_137 = arith.constant 1 : i32
        %sub3A_138 = arith.subi %add3A_110, %sub3A_137 : i32
        %dma_wait3A_139 = arith.constant 1 : i32
        %dma_wait3A_140 = arith.constant 0 : i32
        %dma_wait3A_141 = tpu.memref_slice %arg6[%sub3A_138, %dma_wait3A_139, %dma_wait3A_140] : memref<42x2x128xi32, #tpu.memory_space<vmem>> -> memref<1x1x128xi32, #tpu.memory_space<vmem>>
        %dma_wait3A_142 = tpu.memref_squeeze %dma_wait3A_141 : memref<1x1x128xi32, #tpu.memory_space<vmem>> -> memref<128xi32, #tpu.memory_space<vmem>>
        %dma_wait3A_143 = arith.constant 0 : i32
        %dma_wait3A_144 = arith.constant 0 : i32
        %dma_wait3A_145 = tpu.memref_slice %arg10[%dma_wait3A_143, %dma_wait3A_144] : memref<10240x16xf32, #tpu.memory_space<vmem_shared>> -> memref<10240x16xf32, #tpu.memory_space<vmem_shared>>
        tpu.wait_indirect_dma semaphore(%arg15 : memref<!tpu.dma_semaphore, #tpu.memory_space<semaphore_mem>>) src(%arg8 : memref<128x16xf32, #tpu.memory_space<vmem>>) dst(%dma_wait3A_145 : memref<10240x16xf32, #tpu.memory_space<vmem_shared>>)
        %sub3A_146 = arith.constant 1 : i32
        %sub3A_147 = arith.subi %add3A_110, %sub3A_146 : i32
        %add3A_148 = arith.constant 3 : i32
        %add3A_149 = arith.addi %sub3A_147, %add3A_148 : i32
        %dma_start3A_150 = arith.constant 0 : i32
        %dma_start3A_151 = arith.constant 0 : i32
        %dma_start3A_152 = tpu.memref_slice %arg6[%add3A_149, %dma_start3A_150, %dma_start3A_151] : memref<42x2x128xi32, #tpu.memory_space<vmem>> -> memref<1x1x128xi32, #tpu.memory_space<vmem>>
        %dma_start3A_153 = tpu.memref_squeeze %dma_start3A_152 : memref<1x1x128xi32, #tpu.memory_space<vmem>> -> memref<128xi32, #tpu.memory_space<vmem>>
        %dma_start3A_154 = arith.constant 0 : i32
        %dma_start3A_155 = arith.constant 0 : i32
        %dma_start3A_156 = tpu.memref_slice %arg2[%dma_start3A_154, %dma_start3A_155] : memref<10240x16xf32, #tpu.memory_space<hbm>> -> memref<10240x16xf32, #tpu.memory_space<hbm>>
        tpu.enqueue_indirect_dma source(%dma_start3A_156 : memref<10240x16xf32, #tpu.memory_space<hbm>>) target(%arg8 : memref<128x16xf32, #tpu.memory_space<vmem>>) offsets(%dma_start3A_153 : memref<128xi32, #tpu.memory_space<vmem>>) semaphore(%arg12 : memref<!tpu.dma_semaphore, #tpu.memory_space<semaphore_mem>>)
      } else {
      }
    }
    %scan3A_29 = arith.constant 14 : i32
    %dma_wait3A = arith.constant 39 : i32
    %dma_wait3A_30 = arith.constant 1 : i32
    %dma_wait3A_31 = arith.constant 0 : i32
    %dma_wait3A_32 = tpu.memref_slice %arg6[%dma_wait3A, %dma_wait3A_30, %dma_wait3A_31] : memref<42x2x128xi32, #tpu.memory_space<vmem>> -> memref<1x1x128xi32, #tpu.memory_space<vmem>>
    %dma_wait3A_33 = tpu.memref_squeeze %dma_wait3A_32 : memref<1x1x128xi32, #tpu.memory_space<vmem>> -> memref<128xi32, #tpu.memory_space<vmem>>
    %dma_wait3A_34 = arith.constant 0 : i32
    %dma_wait3A_35 = arith.constant 0 : i32
    %dma_wait3A_36 = tpu.memref_slice %arg10[%dma_wait3A_34, %dma_wait3A_35] : memref<10240x16xf32, #tpu.memory_space<vmem_shared>> -> memref<10240x16xf32, #tpu.memory_space<vmem_shared>>
    tpu.wait_indirect_dma semaphore(%arg14 : memref<!tpu.dma_semaphore, #tpu.memory_space<semaphore_mem>>) src(%arg7 : memref<128x16xf32, #tpu.memory_space<vmem>>) dst(%dma_wait3A_36 : memref<10240x16xf32, #tpu.memory_space<vmem_shared>>)
    %dma_wait3A_37 = arith.constant 40 : i32
    %dma_wait3A_38 = arith.constant 1 : i32
    %dma_wait3A_39 = arith.constant 0 : i32
    %dma_wait3A_40 = tpu.memref_slice %arg6[%dma_wait3A_37, %dma_wait3A_38, %dma_wait3A_39] : memref<42x2x128xi32, #tpu.memory_space<vmem>> -> memref<1x1x128xi32, #tpu.memory_space<vmem>>
    %dma_wait3A_41 = tpu.memref_squeeze %dma_wait3A_40 : memref<1x1x128xi32, #tpu.memory_space<vmem>> -> memref<128xi32, #tpu.memory_space<vmem>>
    %dma_wait3A_42 = arith.constant 0 : i32
    %dma_wait3A_43 = arith.constant 0 : i32
    %dma_wait3A_44 = tpu.memref_slice %arg10[%dma_wait3A_42, %dma_wait3A_43] : memref<10240x16xf32, #tpu.memory_space<vmem_shared>> -> memref<10240x16xf32, #tpu.memory_space<vmem_shared>>
    tpu.wait_indirect_dma semaphore(%arg15 : memref<!tpu.dma_semaphore, #tpu.memory_space<semaphore_mem>>) src(%arg8 : memref<128x16xf32, #tpu.memory_space<vmem>>) dst(%dma_wait3A_44 : memref<10240x16xf32, #tpu.memory_space<vmem_shared>>)
    %dma_wait3A_45 = arith.constant 41 : i32
    %dma_wait3A_46 = arith.constant 1 : i32
    %dma_wait3A_47 = arith.constant 0 : i32
    %dma_wait3A_48 = tpu.memref_slice %arg6[%dma_wait3A_45, %dma_wait3A_46, %dma_wait3A_47] : memref<42x2x128xi32, #tpu.memory_space<vmem>> -> memref<1x1x128xi32, #tpu.memory_space<vmem>>
    %dma_wait3A_49 = tpu.memref_squeeze %dma_wait3A_48 : memref<1x1x128xi32, #tpu.memory_space<vmem>> -> memref<128xi32, #tpu.memory_space<vmem>>
    %dma_wait3A_50 = arith.constant 0 : i32
    %dma_wait3A_51 = arith.constant 0 : i32
    %dma_wait3A_52 = tpu.memref_slice %arg10[%dma_wait3A_50, %dma_wait3A_51] : memref<10240x16xf32, #tpu.memory_space<vmem_shared>> -> memref<10240x16xf32, #tpu.memory_space<vmem_shared>>
    tpu.wait_indirect_dma semaphore(%arg16 : memref<!tpu.dma_semaphore, #tpu.memory_space<semaphore_mem>>) src(%arg9 : memref<128x16xf32, #tpu.memory_space<vmem>>) dst(%dma_wait3A_52 : memref<10240x16xf32, #tpu.memory_space<vmem_shared>>)
    %barrier3A_53 = arith.constant 0 : index
    tpu.barrier barrier_id(%barrier3A_53)
    "tpu.region"() ({
      %run_scoped3A = tpu.sem_alloc : memref<!tpu.dma_semaphore, #tpu.memory_space<semaphore_mem>>
      %dma_start3A_54 = arith.constant 0 : i32
      %dma_start3A_55 = tpu.memref_slice %arg5[%arg0, %mul3A_2, %dma_start3A_54] : memref<2x10240x16xf32, #tpu.memory_space<hbm>> -> memref<1x640x16xf32, #tpu.memory_space<hbm>>
      %dma_start3A_56 = tpu.memref_squeeze %dma_start3A_55 : memref<1x640x16xf32, #tpu.memory_space<hbm>> -> memref<640x16xf32, #tpu.memory_space<hbm>>
      %dma_start3A_57 = arith.constant 0 : i32
      %dma_start3A_58 = tpu.memref_slice %arg10[%mul3A_2, %dma_start3A_57] : memref<10240x16xf32, #tpu.memory_space<vmem_shared>> -> memref<640x16xf32, #tpu.memory_space<vmem_shared>>
      tpu.enqueue_dma source(%dma_start3A_58 : memref<640x16xf32, #tpu.memory_space<vmem_shared>>) target(%dma_start3A_56 : memref<640x16xf32, #tpu.memory_space<hbm>>) target_semaphore(%run_scoped3A : memref<!tpu.dma_semaphore, #tpu.memory_space<semaphore_mem>>)
      %dma_wait3A_59 = arith.constant 0 : i32
      %dma_wait3A_60 = tpu.memref_slice %arg5[%arg0, %mul3A_2, %dma_wait3A_59] : memref<2x10240x16xf32, #tpu.memory_space<hbm>> -> memref<1x640x16xf32, #tpu.memory_space<hbm>>
      %dma_wait3A_61 = tpu.memref_squeeze %dma_wait3A_60 : memref<1x640x16xf32, #tpu.memory_space<hbm>> -> memref<640x16xf32, #tpu.memory_space<hbm>>
      %dma_wait3A_62 = arith.constant 0 : i32
      %dma_wait3A_63 = tpu.memref_slice %arg10[%mul3A_2, %dma_wait3A_62] : memref<10240x16xf32, #tpu.memory_space<vmem_shared>> -> memref<640x16xf32, #tpu.memory_space<vmem_shared>>
      tpu.wait_dma2 semaphore(%run_scoped3A : memref<!tpu.dma_semaphore, #tpu.memory_space<semaphore_mem>>) src(%dma_wait3A_63 : memref<640x16xf32, #tpu.memory_space<vmem_shared>>) dst(%dma_wait3A_61 : memref<640x16xf32, #tpu.memory_space<hbm>>)
      tpu.yield
    }) : () -> ()
    return
  }
}

#map = affine_map<(d0, d1) -> (0, 0)>
#map1 = affine_map<(d0, d1) -> (0, 0, 0, 0)>
#map2 = affine_map<(d0, d1) -> (0, 0, 0)>
module attributes {stable_mosaic.version = 14 : i64} {
  func.func @agg(%arg0: i32, %arg1: i32, %arg2: memref<10240x16xf32, #tpu.memory_space<hbm>>, %arg3: memref<32x42x2x128xi32, #tpu.memory_space<hbm>>, %arg4: memref<640x16xf32, #tpu.memory_space<hbm>>, %arg5: memref<2x10240x16xf32, #tpu.memory_space<hbm>>, %arg6: memref<42x2x128xi32, #tpu.memory_space<vmem>>, %arg7: memref<128x16xf32, #tpu.memory_space<vmem>>, %arg8: memref<128x16xf32, #tpu.memory_space<vmem>>, %arg9: memref<128x16xf32, #tpu.memory_space<vmem>>, %arg10: memref<10240x16xf32, #tpu.memory_space<vmem_shared>>, %arg11: memref<!tpu.dma_semaphore, #tpu.memory_space<semaphore_mem>>, %arg12: memref<!tpu.dma_semaphore, #tpu.memory_space<semaphore_mem>>, %arg13: memref<!tpu.dma_semaphore, #tpu.memory_space<semaphore_mem>>, %arg14: memref<!tpu.dma_semaphore, #tpu.memory_space<semaphore_mem>>, %arg15: memref<!tpu.dma_semaphore, #tpu.memory_space<semaphore_mem>>, %arg16: memref<!tpu.dma_semaphore, #tpu.memory_space<semaphore_mem>>) attributes {dimension_semantics = [#tpu.dimension_semantics<core_parallel>, #tpu.dimension_semantics<subcore_parallel>], iteration_bounds = array<i64: 2, 16>, scalar_prefetch = 0 : i64, scratch_operands = 11 : i64, tpu.core_type = #tpu.core_type<sc_vector_subcore>, window_params = [{transform_indices = #map}, {transform_indices = #map1}, {transform_indices = #map}, {transform_indices = #map2}]} {
    %mul3A = arith.constant 2 : i32
    %mul3A_0 = arith.muli %arg1, %mul3A : i32
    %add3A = arith.addi %mul3A_0, %arg0 : i32
    %mul3A_1 = arith.constant 640 : i32
    %mul3A_2 = arith.muli %arg1, %mul3A_1 : i32
    "tpu.region"() ({
      %run_scoped3A = tpu.sem_alloc : memref<!tpu.dma_semaphore, #tpu.memory_space<semaphore_mem>>
      %dma_start3A_54 = arith.constant 0 : i32
      %dma_start3A_55 = arith.constant 0 : i32
      %dma_start3A_56 = arith.constant 0 : i32
      %dma_start3A_57 = tpu.memref_slice %arg3[%add3A, %dma_start3A_54, %dma_start3A_55, %dma_start3A_56] : memref<32x42x2x128xi32, #tpu.memory_space<hbm>> -> memref<1x42x2x128xi32, #tpu.memory_space<hbm>>
      %dma_start3A_58 = tpu.memref_squeeze %dma_start3A_57 : memref<1x42x2x128xi32, #tpu.memory_space<hbm>> -> memref<42x2x128xi32, #tpu.memory_space<hbm>>
      %dma_start3A_59 = arith.constant 0 : i32
      %dma_start3A_60 = arith.constant 0 : i32
      %dma_start3A_61 = arith.constant 0 : i32
      %dma_start3A_62 = tpu.memref_slice %arg3[%add3A, %dma_start3A_59, %dma_start3A_60, %dma_start3A_61] : memref<32x42x2x128xi32, #tpu.memory_space<hbm>> -> memref<1x42x2x128xi32, #tpu.memory_space<hbm>>
      %dma_start3A_63 = tpu.memref_squeeze %dma_start3A_62 : memref<1x42x2x128xi32, #tpu.memory_space<hbm>> -> memref<42x2x128xi32, #tpu.memory_space<hbm>>
      tpu.enqueue_dma source(%dma_start3A_63 : memref<42x2x128xi32, #tpu.memory_space<hbm>>) target(%arg6 : memref<42x2x128xi32, #tpu.memory_space<vmem>>) target_semaphore(%run_scoped3A : memref<!tpu.dma_semaphore, #tpu.memory_space<semaphore_mem>>)
      %dma_wait3A_64 = arith.constant 0 : i32
      %dma_wait3A_65 = arith.constant 0 : i32
      %dma_wait3A_66 = arith.constant 0 : i32
      %dma_wait3A_67 = tpu.memref_slice %arg3[%add3A, %dma_wait3A_64, %dma_wait3A_65, %dma_wait3A_66] : memref<32x42x2x128xi32, #tpu.memory_space<hbm>> -> memref<1x42x2x128xi32, #tpu.memory_space<hbm>>
      %dma_wait3A_68 = tpu.memref_squeeze %dma_wait3A_67 : memref<1x42x2x128xi32, #tpu.memory_space<hbm>> -> memref<42x2x128xi32, #tpu.memory_space<hbm>>
      %dma_wait3A_69 = arith.constant 0 : i32
      %dma_wait3A_70 = arith.constant 0 : i32
      %dma_wait3A_71 = arith.constant 0 : i32
      %dma_wait3A_72 = tpu.memref_slice %arg3[%add3A, %dma_wait3A_69, %dma_wait3A_70, %dma_wait3A_71] : memref<32x42x2x128xi32, #tpu.memory_space<hbm>> -> memref<1x42x2x128xi32, #tpu.memory_space<hbm>>
      %dma_wait3A_73 = tpu.memref_squeeze %dma_wait3A_72 : memref<1x42x2x128xi32, #tpu.memory_space<hbm>> -> memref<42x2x128xi32, #tpu.memory_space<hbm>>
      tpu.wait_dma2 semaphore(%run_scoped3A : memref<!tpu.dma_semaphore, #tpu.memory_space<semaphore_mem>>) src(%dma_wait3A_73 : memref<42x2x128xi32, #tpu.memory_space<hbm>>) dst(%arg6 : memref<42x2x128xi32, #tpu.memory_space<vmem>>)
      tpu.yield
    }) : () -> ()
    %dma_start3A = arith.constant 0 : i32
    %dma_start3A_3 = arith.constant 0 : i32
    %dma_start3A_4 = arith.constant 0 : i32
    %dma_start3A_5 = tpu.memref_slice %arg6[%dma_start3A, %dma_start3A_3, %dma_start3A_4] : memref<42x2x128xi32, #tpu.memory_space<vmem>> -> memref<1x1x128xi32, #tpu.memory_space<vmem>>
    %dma_start3A_6 = tpu.memref_squeeze %dma_start3A_5 : memref<1x1x128xi32, #tpu.memory_space<vmem>> -> memref<128xi32, #tpu.memory_space<vmem>>
    %dma_start3A_7 = arith.constant 0 : i32
    %dma_start3A_8 = arith.constant 0 : i32
    %dma_start3A_9 = tpu.memref_slice %arg2[%dma_start3A_7, %dma_start3A_8] : memref<10240x16xf32, #tpu.memory_space<hbm>> -> memref<10240x16xf32, #tpu.memory_space<hbm>>
    tpu.enqueue_indirect_dma source(%dma_start3A_9 : memref<10240x16xf32, #tpu.memory_space<hbm>>) target(%arg7 : memref<128x16xf32, #tpu.memory_space<vmem>>) offsets(%dma_start3A_6 : memref<128xi32, #tpu.memory_space<vmem>>) semaphore(%arg11 : memref<!tpu.dma_semaphore, #tpu.memory_space<semaphore_mem>>)
    %dma_start3A_10 = arith.constant 1 : i32
    %dma_start3A_11 = arith.constant 0 : i32
    %dma_start3A_12 = arith.constant 0 : i32
    %dma_start3A_13 = tpu.memref_slice %arg6[%dma_start3A_10, %dma_start3A_11, %dma_start3A_12] : memref<42x2x128xi32, #tpu.memory_space<vmem>> -> memref<1x1x128xi32, #tpu.memory_space<vmem>>
    %dma_start3A_14 = tpu.memref_squeeze %dma_start3A_13 : memref<1x1x128xi32, #tpu.memory_space<vmem>> -> memref<128xi32, #tpu.memory_space<vmem>>
    %dma_start3A_15 = arith.constant 0 : i32
    %dma_start3A_16 = arith.constant 0 : i32
    %dma_start3A_17 = tpu.memref_slice %arg2[%dma_start3A_15, %dma_start3A_16] : memref<10240x16xf32, #tpu.memory_space<hbm>> -> memref<10240x16xf32, #tpu.memory_space<hbm>>
    tpu.enqueue_indirect_dma source(%dma_start3A_17 : memref<10240x16xf32, #tpu.memory_space<hbm>>) target(%arg8 : memref<128x16xf32, #tpu.memory_space<vmem>>) offsets(%dma_start3A_14 : memref<128xi32, #tpu.memory_space<vmem>>) semaphore(%arg12 : memref<!tpu.dma_semaphore, #tpu.memory_space<semaphore_mem>>)
    %dma_start3A_18 = arith.constant 2 : i32
    %dma_start3A_19 = arith.constant 0 : i32
    %dma_start3A_20 = arith.constant 0 : i32
    %dma_start3A_21 = tpu.memref_slice %arg6[%dma_start3A_18, %dma_start3A_19, %dma_start3A_20] : memref<42x2x128xi32, #tpu.memory_space<vmem>> -> memref<1x1x128xi32, #tpu.memory_space<vmem>>
    %dma_start3A_22 = tpu.memref_squeeze %dma_start3A_21 : memref<1x1x128xi32, #tpu.memory_space<vmem>> -> memref<128xi32, #tpu.memory_space<vmem>>
    %dma_start3A_23 = arith.constant 0 : i32
    %dma_start3A_24 = arith.constant 0 : i32
    %dma_start3A_25 = tpu.memref_slice %arg2[%dma_start3A_23, %dma_start3A_24] : memref<10240x16xf32, #tpu.memory_space<hbm>> -> memref<10240x16xf32, #tpu.memory_space<hbm>>
    tpu.enqueue_indirect_dma source(%dma_start3A_25 : memref<10240x16xf32, #tpu.memory_space<hbm>>) target(%arg9 : memref<128x16xf32, #tpu.memory_space<vmem>>) offsets(%dma_start3A_22 : memref<128xi32, #tpu.memory_space<vmem>>) semaphore(%arg13 : memref<!tpu.dma_semaphore, #tpu.memory_space<semaphore_mem>>)
    "tpu.region"() ({
      %run_scoped3A = tpu.sem_alloc : memref<!tpu.dma_semaphore, #tpu.memory_space<semaphore_mem>>
      %dma_start3A_54 = arith.constant 0 : i32
      %dma_start3A_55 = tpu.memref_slice %arg10[%mul3A_2, %dma_start3A_54] : memref<10240x16xf32, #tpu.memory_space<vmem_shared>> -> memref<640x16xf32, #tpu.memory_space<vmem_shared>>
      tpu.enqueue_dma source(%arg4 : memref<640x16xf32, #tpu.memory_space<hbm>>) target(%dma_start3A_55 : memref<640x16xf32, #tpu.memory_space<vmem_shared>>) target_semaphore(%run_scoped3A : memref<!tpu.dma_semaphore, #tpu.memory_space<semaphore_mem>>)
      %dma_wait3A_56 = arith.constant 0 : i32
      %dma_wait3A_57 = tpu.memref_slice %arg10[%mul3A_2, %dma_wait3A_56] : memref<10240x16xf32, #tpu.memory_space<vmem_shared>> -> memref<640x16xf32, #tpu.memory_space<vmem_shared>>
      tpu.wait_dma2 semaphore(%run_scoped3A : memref<!tpu.dma_semaphore, #tpu.memory_space<semaphore_mem>>) src(%arg4 : memref<640x16xf32, #tpu.memory_space<hbm>>) dst(%dma_wait3A_57 : memref<640x16xf32, #tpu.memory_space<vmem_shared>>)
      tpu.yield
    }) : () -> ()
    %barrier3A = arith.constant 0 : index
    tpu.barrier barrier_id(%barrier3A)
    %scan3A = arith.constant 0 : i32
    %scan3A_26 = arith.constant 14 : i32
    %scan3A_27 = arith.addi %scan3A, %scan3A_26 : i32
    %scan3A_28 = arith.constant 1 : i32
    scf.for %scan3A_54 = %scan3A to %scan3A_27 step %scan3A_28  : i32 {
      %mul3A_55 = arith.constant 3 : i32
      %mul3A_56 = arith.muli %scan3A_54, %mul3A_55 : i32
      %add3A_57 = arith.constant 0 : i32
      %add3A_58 = arith.addi %add3A_57, %mul3A_56 : i32
      %add3A_59 = arith.constant 0 : i32
      %add3A_60 = arith.addi %add3A_58, %add3A_59 : i32
      %dma_wait3A_61 = arith.constant 0 : i32
      %dma_wait3A_62 = arith.constant 0 : i32
      %dma_wait3A_63 = tpu.memref_slice %arg6[%add3A_60, %dma_wait3A_61, %dma_wait3A_62] : memref<42x2x128xi32, #tpu.memory_space<vmem>> -> memref<1x1x128xi32, #tpu.memory_space<vmem>>
      %dma_wait3A_64 = tpu.memref_squeeze %dma_wait3A_63 : memref<1x1x128xi32, #tpu.memory_space<vmem>> -> memref<128xi32, #tpu.memory_space<vmem>>
      %dma_wait3A_65 = arith.constant 0 : i32
      %dma_wait3A_66 = arith.constant 0 : i32
      %dma_wait3A_67 = tpu.memref_slice %arg2[%dma_wait3A_65, %dma_wait3A_66] : memref<10240x16xf32, #tpu.memory_space<hbm>> -> memref<10240x16xf32, #tpu.memory_space<hbm>>
      tpu.wait_indirect_dma semaphore(%arg11 : memref<!tpu.dma_semaphore, #tpu.memory_space<semaphore_mem>>) src(%dma_wait3A_67 : memref<10240x16xf32, #tpu.memory_space<hbm>>) dst(%arg7 : memref<128x16xf32, #tpu.memory_space<vmem>>)
      %dma_start3A_68 = arith.constant 1 : i32
      %dma_start3A_69 = arith.constant 0 : i32
      %dma_start3A_70 = tpu.memref_slice %arg6[%add3A_60, %dma_start3A_68, %dma_start3A_69] : memref<42x2x128xi32, #tpu.memory_space<vmem>> -> memref<1x1x128xi32, #tpu.memory_space<vmem>>
      %dma_start3A_71 = tpu.memref_squeeze %dma_start3A_70 : memref<1x1x128xi32, #tpu.memory_space<vmem>> -> memref<128xi32, #tpu.memory_space<vmem>>
      %dma_start3A_72 = arith.constant 0 : i32
      %dma_start3A_73 = arith.constant 0 : i32
      %dma_start3A_74 = tpu.memref_slice %arg10[%dma_start3A_72, %dma_start3A_73] : memref<10240x16xf32, #tpu.memory_space<vmem_shared>> -> memref<10240x16xf32, #tpu.memory_space<vmem_shared>>
      tpu.enqueue_indirect_dma source(%arg7 : memref<128x16xf32, #tpu.memory_space<vmem>>) target(%dma_start3A_74 : memref<10240x16xf32, #tpu.memory_space<vmem_shared>>) offsets(%dma_start3A_71 : memref<128xi32, #tpu.memory_space<vmem>>) semaphore(%arg14 : memref<!tpu.dma_semaphore, #tpu.memory_space<semaphore_mem>>) {add = true}
      %ge3A = arith.constant 1 : i32
      %ge3A_75 = arith.cmpi sge, %add3A_60, %ge3A : i32
      %sub3A = arith.constant 1 : i32
      %sub3A_76 = arith.subi %add3A_60, %sub3A : i32
      %add3A_77 = arith.constant 3 : i32
      %add3A_78 = arith.addi %sub3A_76, %add3A_77 : i32
      %lt3A = arith.constant 42 : i32
      %lt3A_79 = arith.cmpi slt, %add3A_78, %lt3A : i32
      %and3A = arith.andi %ge3A_75, %lt3A_79 : i1
      %convert_element_type3A = arith.extui %and3A : i1 to i32
      %cond3A = arith.constant 0 : i32
      %cond3A_80 = arith.cmpi ne, %convert_element_type3A, %cond3A : i32
      scf.if %cond3A_80 {
        %sub3A_137 = arith.constant 1 : i32
        %sub3A_138 = arith.subi %add3A_60, %sub3A_137 : i32
        %dma_wait3A_139 = arith.constant 1 : i32
        %dma_wait3A_140 = arith.constant 0 : i32
        %dma_wait3A_141 = tpu.memref_slice %arg6[%sub3A_138, %dma_wait3A_139, %dma_wait3A_140] : memref<42x2x128xi32, #tpu.memory_space<vmem>> -> memref<1x1x128xi32, #tpu.memory_space<vmem>>
        %dma_wait3A_142 = tpu.memref_squeeze %dma_wait3A_141 : memref<1x1x128xi32, #tpu.memory_space<vmem>> -> memref<128xi32, #tpu.memory_space<vmem>>
        %dma_wait3A_143 = arith.constant 0 : i32
        %dma_wait3A_144 = arith.constant 0 : i32
        %dma_wait3A_145 = tpu.memref_slice %arg10[%dma_wait3A_143, %dma_wait3A_144] : memref<10240x16xf32, #tpu.memory_space<vmem_shared>> -> memref<10240x16xf32, #tpu.memory_space<vmem_shared>>
        tpu.wait_indirect_dma semaphore(%arg16 : memref<!tpu.dma_semaphore, #tpu.memory_space<semaphore_mem>>) src(%arg9 : memref<128x16xf32, #tpu.memory_space<vmem>>) dst(%dma_wait3A_145 : memref<10240x16xf32, #tpu.memory_space<vmem_shared>>)
        %sub3A_146 = arith.constant 1 : i32
        %sub3A_147 = arith.subi %add3A_60, %sub3A_146 : i32
        %add3A_148 = arith.constant 3 : i32
        %add3A_149 = arith.addi %sub3A_147, %add3A_148 : i32
        %dma_start3A_150 = arith.constant 0 : i32
        %dma_start3A_151 = arith.constant 0 : i32
        %dma_start3A_152 = tpu.memref_slice %arg6[%add3A_149, %dma_start3A_150, %dma_start3A_151] : memref<42x2x128xi32, #tpu.memory_space<vmem>> -> memref<1x1x128xi32, #tpu.memory_space<vmem>>
        %dma_start3A_153 = tpu.memref_squeeze %dma_start3A_152 : memref<1x1x128xi32, #tpu.memory_space<vmem>> -> memref<128xi32, #tpu.memory_space<vmem>>
        %dma_start3A_154 = arith.constant 0 : i32
        %dma_start3A_155 = arith.constant 0 : i32
        %dma_start3A_156 = tpu.memref_slice %arg2[%dma_start3A_154, %dma_start3A_155] : memref<10240x16xf32, #tpu.memory_space<hbm>> -> memref<10240x16xf32, #tpu.memory_space<hbm>>
        tpu.enqueue_indirect_dma source(%dma_start3A_156 : memref<10240x16xf32, #tpu.memory_space<hbm>>) target(%arg9 : memref<128x16xf32, #tpu.memory_space<vmem>>) offsets(%dma_start3A_153 : memref<128xi32, #tpu.memory_space<vmem>>) semaphore(%arg13 : memref<!tpu.dma_semaphore, #tpu.memory_space<semaphore_mem>>)
      } else {
      }
      %add3A_81 = arith.constant 1 : i32
      %add3A_82 = arith.addi %add3A_58, %add3A_81 : i32
      %dma_wait3A_83 = arith.constant 0 : i32
      %dma_wait3A_84 = arith.constant 0 : i32
      %dma_wait3A_85 = tpu.memref_slice %arg6[%add3A_82, %dma_wait3A_83, %dma_wait3A_84] : memref<42x2x128xi32, #tpu.memory_space<vmem>> -> memref<1x1x128xi32, #tpu.memory_space<vmem>>
      %dma_wait3A_86 = tpu.memref_squeeze %dma_wait3A_85 : memref<1x1x128xi32, #tpu.memory_space<vmem>> -> memref<128xi32, #tpu.memory_space<vmem>>
      %dma_wait3A_87 = arith.constant 0 : i32
      %dma_wait3A_88 = arith.constant 0 : i32
      %dma_wait3A_89 = tpu.memref_slice %arg2[%dma_wait3A_87, %dma_wait3A_88] : memref<10240x16xf32, #tpu.memory_space<hbm>> -> memref<10240x16xf32, #tpu.memory_space<hbm>>
      tpu.wait_indirect_dma semaphore(%arg12 : memref<!tpu.dma_semaphore, #tpu.memory_space<semaphore_mem>>) src(%dma_wait3A_89 : memref<10240x16xf32, #tpu.memory_space<hbm>>) dst(%arg8 : memref<128x16xf32, #tpu.memory_space<vmem>>)
      %dma_start3A_90 = arith.constant 1 : i32
      %dma_start3A_91 = arith.constant 0 : i32
      %dma_start3A_92 = tpu.memref_slice %arg6[%add3A_82, %dma_start3A_90, %dma_start3A_91] : memref<42x2x128xi32, #tpu.memory_space<vmem>> -> memref<1x1x128xi32, #tpu.memory_space<vmem>>
      %dma_start3A_93 = tpu.memref_squeeze %dma_start3A_92 : memref<1x1x128xi32, #tpu.memory_space<vmem>> -> memref<128xi32, #tpu.memory_space<vmem>>
      %dma_start3A_94 = arith.constant 0 : i32
      %dma_start3A_95 = arith.constant 0 : i32
      %dma_start3A_96 = tpu.memref_slice %arg10[%dma_start3A_94, %dma_start3A_95] : memref<10240x16xf32, #tpu.memory_space<vmem_shared>> -> memref<10240x16xf32, #tpu.memory_space<vmem_shared>>
      tpu.enqueue_indirect_dma source(%arg8 : memref<128x16xf32, #tpu.memory_space<vmem>>) target(%dma_start3A_96 : memref<10240x16xf32, #tpu.memory_space<vmem_shared>>) offsets(%dma_start3A_93 : memref<128xi32, #tpu.memory_space<vmem>>) semaphore(%arg15 : memref<!tpu.dma_semaphore, #tpu.memory_space<semaphore_mem>>) {add = true}
      %ge3A_97 = arith.constant 1 : i32
      %ge3A_98 = arith.cmpi sge, %add3A_82, %ge3A_97 : i32
      %sub3A_99 = arith.constant 1 : i32
      %sub3A_100 = arith.subi %add3A_82, %sub3A_99 : i32
      %add3A_101 = arith.constant 3 : i32
      %add3A_102 = arith.addi %sub3A_100, %add3A_101 : i32
      %lt3A_103 = arith.constant 42 : i32
      %lt3A_104 = arith.cmpi slt, %add3A_102, %lt3A_103 : i32
      %and3A_105 = arith.andi %ge3A_98, %lt3A_104 : i1
      %convert_element_type3A_106 = arith.extui %and3A_105 : i1 to i32
      %cond3A_107 = arith.constant 0 : i32
      %cond3A_108 = arith.cmpi ne, %convert_element_type3A_106, %cond3A_107 : i32
      scf.if %cond3A_108 {
        %sub3A_137 = arith.constant 1 : i32
        %sub3A_138 = arith.subi %add3A_82, %sub3A_137 : i32
        %dma_wait3A_139 = arith.constant 1 : i32
        %dma_wait3A_140 = arith.constant 0 : i32
        %dma_wait3A_141 = tpu.memref_slice %arg6[%sub3A_138, %dma_wait3A_139, %dma_wait3A_140] : memref<42x2x128xi32, #tpu.memory_space<vmem>> -> memref<1x1x128xi32, #tpu.memory_space<vmem>>
        %dma_wait3A_142 = tpu.memref_squeeze %dma_wait3A_141 : memref<1x1x128xi32, #tpu.memory_space<vmem>> -> memref<128xi32, #tpu.memory_space<vmem>>
        %dma_wait3A_143 = arith.constant 0 : i32
        %dma_wait3A_144 = arith.constant 0 : i32
        %dma_wait3A_145 = tpu.memref_slice %arg10[%dma_wait3A_143, %dma_wait3A_144] : memref<10240x16xf32, #tpu.memory_space<vmem_shared>> -> memref<10240x16xf32, #tpu.memory_space<vmem_shared>>
        tpu.wait_indirect_dma semaphore(%arg14 : memref<!tpu.dma_semaphore, #tpu.memory_space<semaphore_mem>>) src(%arg7 : memref<128x16xf32, #tpu.memory_space<vmem>>) dst(%dma_wait3A_145 : memref<10240x16xf32, #tpu.memory_space<vmem_shared>>)
        %sub3A_146 = arith.constant 1 : i32
        %sub3A_147 = arith.subi %add3A_82, %sub3A_146 : i32
        %add3A_148 = arith.constant 3 : i32
        %add3A_149 = arith.addi %sub3A_147, %add3A_148 : i32
        %dma_start3A_150 = arith.constant 0 : i32
        %dma_start3A_151 = arith.constant 0 : i32
        %dma_start3A_152 = tpu.memref_slice %arg6[%add3A_149, %dma_start3A_150, %dma_start3A_151] : memref<42x2x128xi32, #tpu.memory_space<vmem>> -> memref<1x1x128xi32, #tpu.memory_space<vmem>>
        %dma_start3A_153 = tpu.memref_squeeze %dma_start3A_152 : memref<1x1x128xi32, #tpu.memory_space<vmem>> -> memref<128xi32, #tpu.memory_space<vmem>>
        %dma_start3A_154 = arith.constant 0 : i32
        %dma_start3A_155 = arith.constant 0 : i32
        %dma_start3A_156 = tpu.memref_slice %arg2[%dma_start3A_154, %dma_start3A_155] : memref<10240x16xf32, #tpu.memory_space<hbm>> -> memref<10240x16xf32, #tpu.memory_space<hbm>>
        tpu.enqueue_indirect_dma source(%dma_start3A_156 : memref<10240x16xf32, #tpu.memory_space<hbm>>) target(%arg7 : memref<128x16xf32, #tpu.memory_space<vmem>>) offsets(%dma_start3A_153 : memref<128xi32, #tpu.memory_space<vmem>>) semaphore(%arg11 : memref<!tpu.dma_semaphore, #tpu.memory_space<semaphore_mem>>)
      } else {
      }
      %add3A_109 = arith.constant 2 : i32
      %add3A_110 = arith.addi %add3A_58, %add3A_109 : i32
      %dma_wait3A_111 = arith.constant 0 : i32
      %dma_wait3A_112 = arith.constant 0 : i32
      %dma_wait3A_113 = tpu.memref_slice %arg6[%add3A_110, %dma_wait3A_111, %dma_wait3A_112] : memref<42x2x128xi32, #tpu.memory_space<vmem>> -> memref<1x1x128xi32, #tpu.memory_space<vmem>>
      %dma_wait3A_114 = tpu.memref_squeeze %dma_wait3A_113 : memref<1x1x128xi32, #tpu.memory_space<vmem>> -> memref<128xi32, #tpu.memory_space<vmem>>
      %dma_wait3A_115 = arith.constant 0 : i32
      %dma_wait3A_116 = arith.constant 0 : i32
      %dma_wait3A_117 = tpu.memref_slice %arg2[%dma_wait3A_115, %dma_wait3A_116] : memref<10240x16xf32, #tpu.memory_space<hbm>> -> memref<10240x16xf32, #tpu.memory_space<hbm>>
      tpu.wait_indirect_dma semaphore(%arg13 : memref<!tpu.dma_semaphore, #tpu.memory_space<semaphore_mem>>) src(%dma_wait3A_117 : memref<10240x16xf32, #tpu.memory_space<hbm>>) dst(%arg9 : memref<128x16xf32, #tpu.memory_space<vmem>>)
      %dma_start3A_118 = arith.constant 1 : i32
      %dma_start3A_119 = arith.constant 0 : i32
      %dma_start3A_120 = tpu.memref_slice %arg6[%add3A_110, %dma_start3A_118, %dma_start3A_119] : memref<42x2x128xi32, #tpu.memory_space<vmem>> -> memref<1x1x128xi32, #tpu.memory_space<vmem>>
      %dma_start3A_121 = tpu.memref_squeeze %dma_start3A_120 : memref<1x1x128xi32, #tpu.memory_space<vmem>> -> memref<128xi32, #tpu.memory_space<vmem>>
      %dma_start3A_122 = arith.constant 0 : i32
      %dma_start3A_123 = arith.constant 0 : i32
      %dma_start3A_124 = tpu.memref_slice %arg10[%dma_start3A_122, %dma_start3A_123] : memref<10240x16xf32, #tpu.memory_space<vmem_shared>> -> memref<10240x16xf32, #tpu.memory_space<vmem_shared>>
      tpu.enqueue_indirect_dma source(%arg9 : memref<128x16xf32, #tpu.memory_space<vmem>>) target(%dma_start3A_124 : memref<10240x16xf32, #tpu.memory_space<vmem_shared>>) offsets(%dma_start3A_121 : memref<128xi32, #tpu.memory_space<vmem>>) semaphore(%arg16 : memref<!tpu.dma_semaphore, #tpu.memory_space<semaphore_mem>>) {add = true}
      %ge3A_125 = arith.constant 1 : i32
      %ge3A_126 = arith.cmpi sge, %add3A_110, %ge3A_125 : i32
      %sub3A_127 = arith.constant 1 : i32
      %sub3A_128 = arith.subi %add3A_110, %sub3A_127 : i32
      %add3A_129 = arith.constant 3 : i32
      %add3A_130 = arith.addi %sub3A_128, %add3A_129 : i32
      %lt3A_131 = arith.constant 42 : i32
      %lt3A_132 = arith.cmpi slt, %add3A_130, %lt3A_131 : i32
      %and3A_133 = arith.andi %ge3A_126, %lt3A_132 : i1
      %convert_element_type3A_134 = arith.extui %and3A_133 : i1 to i32
      %cond3A_135 = arith.constant 0 : i32
      %cond3A_136 = arith.cmpi ne, %convert_element_type3A_134, %cond3A_135 : i32
      scf.if %cond3A_136 {
        %sub3A_137 = arith.constant 1 : i32
        %sub3A_138 = arith.subi %add3A_110, %sub3A_137 : i32
        %dma_wait3A_139 = arith.constant 1 : i32
        %dma_wait3A_140 = arith.constant 0 : i32
        %dma_wait3A_141 = tpu.memref_slice %arg6[%sub3A_138, %dma_wait3A_139, %dma_wait3A_140] : memref<42x2x128xi32, #tpu.memory_space<vmem>> -> memref<1x1x128xi32, #tpu.memory_space<vmem>>
        %dma_wait3A_142 = tpu.memref_squeeze %dma_wait3A_141 : memref<1x1x128xi32, #tpu.memory_space<vmem>> -> memref<128xi32, #tpu.memory_space<vmem>>
        %dma_wait3A_143 = arith.constant 0 : i32
        %dma_wait3A_144 = arith.constant 0 : i32
        %dma_wait3A_145 = tpu.memref_slice %arg10[%dma_wait3A_143, %dma_wait3A_144] : memref<10240x16xf32, #tpu.memory_space<vmem_shared>> -> memref<10240x16xf32, #tpu.memory_space<vmem_shared>>
        tpu.wait_indirect_dma semaphore(%arg15 : memref<!tpu.dma_semaphore, #tpu.memory_space<semaphore_mem>>) src(%arg8 : memref<128x16xf32, #tpu.memory_space<vmem>>) dst(%dma_wait3A_145 : memref<10240x16xf32, #tpu.memory_space<vmem_shared>>)
        %sub3A_146 = arith.constant 1 : i32
        %sub3A_147 = arith.subi %add3A_110, %sub3A_146 : i32
        %add3A_148 = arith.constant 3 : i32
        %add3A_149 = arith.addi %sub3A_147, %add3A_148 : i32
        %dma_start3A_150 = arith.constant 0 : i32
        %dma_start3A_151 = arith.constant 0 : i32
        %dma_start3A_152 = tpu.memref_slice %arg6[%add3A_149, %dma_start3A_150, %dma_start3A_151] : memref<42x2x128xi32, #tpu.memory_space<vmem>> -> memref<1x1x128xi32, #tpu.memory_space<vmem>>
        %dma_start3A_153 = tpu.memref_squeeze %dma_start3A_152 : memref<1x1x128xi32, #tpu.memory_space<vmem>> -> memref<128xi32, #tpu.memory_space<vmem>>
        %dma_start3A_154 = arith.constant 0 : i32
        %dma_start3A_155 = arith.constant 0 : i32
        %dma_start3A_156 = tpu.memref_slice %arg2[%dma_start3A_154, %dma_start3A_155] : memref<10240x16xf32, #tpu.memory_space<hbm>> -> memref<10240x16xf32, #tpu.memory_space<hbm>>
        tpu.enqueue_indirect_dma source(%dma_start3A_156 : memref<10240x16xf32, #tpu.memory_space<hbm>>) target(%arg8 : memref<128x16xf32, #tpu.memory_space<vmem>>) offsets(%dma_start3A_153 : memref<128xi32, #tpu.memory_space<vmem>>) semaphore(%arg12 : memref<!tpu.dma_semaphore, #tpu.memory_space<semaphore_mem>>)
      } else {
      }
    }
    %scan3A_29 = arith.constant 14 : i32
    %dma_wait3A = arith.constant 39 : i32
    %dma_wait3A_30 = arith.constant 1 : i32
    %dma_wait3A_31 = arith.constant 0 : i32
    %dma_wait3A_32 = tpu.memref_slice %arg6[%dma_wait3A, %dma_wait3A_30, %dma_wait3A_31] : memref<42x2x128xi32, #tpu.memory_space<vmem>> -> memref<1x1x128xi32, #tpu.memory_space<vmem>>
    %dma_wait3A_33 = tpu.memref_squeeze %dma_wait3A_32 : memref<1x1x128xi32, #tpu.memory_space<vmem>> -> memref<128xi32, #tpu.memory_space<vmem>>
    %dma_wait3A_34 = arith.constant 0 : i32
    %dma_wait3A_35 = arith.constant 0 : i32
    %dma_wait3A_36 = tpu.memref_slice %arg10[%dma_wait3A_34, %dma_wait3A_35] : memref<10240x16xf32, #tpu.memory_space<vmem_shared>> -> memref<10240x16xf32, #tpu.memory_space<vmem_shared>>
    tpu.wait_indirect_dma semaphore(%arg14 : memref<!tpu.dma_semaphore, #tpu.memory_space<semaphore_mem>>) src(%arg7 : memref<128x16xf32, #tpu.memory_space<vmem>>) dst(%dma_wait3A_36 : memref<10240x16xf32, #tpu.memory_space<vmem_shared>>)
    %dma_wait3A_37 = arith.constant 40 : i32
    %dma_wait3A_38 = arith.constant 1 : i32
    %dma_wait3A_39 = arith.constant 0 : i32
    %dma_wait3A_40 = tpu.memref_slice %arg6[%dma_wait3A_37, %dma_wait3A_38, %dma_wait3A_39] : memref<42x2x128xi32, #tpu.memory_space<vmem>> -> memref<1x1x128xi32, #tpu.memory_space<vmem>>
    %dma_wait3A_41 = tpu.memref_squeeze %dma_wait3A_40 : memref<1x1x128xi32, #tpu.memory_space<vmem>> -> memref<128xi32, #tpu.memory_space<vmem>>
    %dma_wait3A_42 = arith.constant 0 : i32
    %dma_wait3A_43 = arith.constant 0 : i32
    %dma_wait3A_44 = tpu.memref_slice %arg10[%dma_wait3A_42, %dma_wait3A_43] : memref<10240x16xf32, #tpu.memory_space<vmem_shared>> -> memref<10240x16xf32, #tpu.memory_space<vmem_shared>>
    tpu.wait_indirect_dma semaphore(%arg15 : memref<!tpu.dma_semaphore, #tpu.memory_space<semaphore_mem>>) src(%arg8 : memref<128x16xf32, #tpu.memory_space<vmem>>) dst(%dma_wait3A_44 : memref<10240x16xf32, #tpu.memory_space<vmem_shared>>)
    %dma_wait3A_45 = arith.constant 41 : i32
    %dma_wait3A_46 = arith.constant 1 : i32
    %dma_wait3A_47 = arith.constant 0 : i32
    %dma_wait3A_48 = tpu.memref_slice %arg6[%dma_wait3A_45, %dma_wait3A_46, %dma_wait3A_47] : memref<42x2x128xi32, #tpu.memory_space<vmem>> -> memref<1x1x128xi32, #tpu.memory_space<vmem>>
    %dma_wait3A_49 = tpu.memref_squeeze %dma_wait3A_48 : memref<1x1x128xi32, #tpu.memory_space<vmem>> -> memref<128xi32, #tpu.memory_space<vmem>>
    %dma_wait3A_50 = arith.constant 0 : i32
    %dma_wait3A_51 = arith.constant 0 : i32
    %dma_wait3A_52 = tpu.memref_slice %arg10[%dma_wait3A_50, %dma_wait3A_51] : memref<10240x16xf32, #tpu.memory_space<vmem_shared>> -> memref<10240x16xf32, #tpu.memory_space<vmem_shared>>
    tpu.wait_indirect_dma semaphore(%arg16 : memref<!tpu.dma_semaphore, #tpu.memory_space<semaphore_mem>>) src(%arg9 : memref<128x16xf32, #tpu.memory_space<vmem>>) dst(%dma_wait3A_52 : memref<10240x16xf32, #tpu.memory_space<vmem_shared>>)
    %barrier3A_53 = arith.constant 0 : index
    tpu.barrier barrier_id(%barrier3A_53)
    "tpu.region"() ({
      %run_scoped3A = tpu.sem_alloc : memref<!tpu.dma_semaphore, #tpu.memory_space<semaphore_mem>>
      %dma_start3A_54 = arith.constant 0 : i32
      %dma_start3A_55 = tpu.memref_slice %arg5[%arg0, %mul3A_2, %dma_start3A_54] : memref<2x10240x16xf32, #tpu.memory_space<hbm>> -> memref<1x640x16xf32, #tpu.memory_space<hbm>>
      %dma_start3A_56 = tpu.memref_squeeze %dma_start3A_55 : memref<1x640x16xf32, #tpu.memory_space<hbm>> -> memref<640x16xf32, #tpu.memory_space<hbm>>
      %dma_start3A_57 = arith.constant 0 : i32
      %dma_start3A_58 = tpu.memref_slice %arg10[%mul3A_2, %dma_start3A_57] : memref<10240x16xf32, #tpu.memory_space<vmem_shared>> -> memref<640x16xf32, #tpu.memory_space<vmem_shared>>
      tpu.enqueue_dma source(%dma_start3A_58 : memref<640x16xf32, #tpu.memory_space<vmem_shared>>) target(%dma_start3A_56 : memref<640x16xf32, #tpu.memory_space<hbm>>) target_semaphore(%run_scoped3A : memref<!tpu.dma_semaphore, #tpu.memory_space<semaphore_mem>>)
      %dma_wait3A_59 = arith.constant 0 : i32
      %dma_wait3A_60 = tpu.memref_slice %arg5[%arg0, %mul3A_2, %dma_wait3A_59] : memref<2x10240x16xf32, #tpu.memory_space<hbm>> -> memref<1x640x16xf32, #tpu.memory_space<hbm>>
      %dma_wait3A_61 = tpu.memref_squeeze %dma_wait3A_60 : memref<1x640x16xf32, #tpu.memory_space<hbm>> -> memref<640x16xf32, #tpu.memory_space<hbm>>
      %dma_wait3A_62 = arith.constant 0 : i32
      %dma_wait3A_63 = tpu.memref_slice %arg10[%mul3A_2, %dma_wait3A_62] : memref<10240x16xf32, #tpu.memory_space<vmem_shared>> -> memref<640x16xf32, #tpu.memory_space<vmem_shared>>
      tpu.wait_dma2 semaphore(%run_scoped3A : memref<!tpu.dma_semaphore, #tpu.memory_space<semaphore_mem>>) src(%dma_wait3A_63 : memref<640x16xf32, #tpu.memory_space<vmem_shared>>) dst(%dma_wait3A_61 : memref<640x16xf32, #tpu.memory_space<hbm>>)
      tpu.yield
    }) : () -> ()
    return
  }
}

#map = affine_map<(d0, d1) -> (0, 0)>
#map1 = affine_map<(d0, d1) -> (0, 0, 0, 0)>
#map2 = affine_map<(d0, d1) -> (0, 0, 0)>
module attributes {stable_mosaic.version = 14 : i64} {
  func.func @agg(%arg0: i32, %arg1: i32, %arg2: memref<10240x16xf32, #tpu.memory_space<hbm>>, %arg3: memref<32x42x2x128xi32, #tpu.memory_space<hbm>>, %arg4: memref<640x16xf32, #tpu.memory_space<hbm>>, %arg5: memref<2x10240x16xf32, #tpu.memory_space<hbm>>, %arg6: memref<42x2x128xi32, #tpu.memory_space<vmem>>, %arg7: memref<128x16xf32, #tpu.memory_space<vmem>>, %arg8: memref<128x16xf32, #tpu.memory_space<vmem>>, %arg9: memref<128x16xf32, #tpu.memory_space<vmem>>, %arg10: memref<10240x16xf32, #tpu.memory_space<vmem_shared>>, %arg11: memref<!tpu.dma_semaphore, #tpu.memory_space<semaphore_mem>>, %arg12: memref<!tpu.dma_semaphore, #tpu.memory_space<semaphore_mem>>, %arg13: memref<!tpu.dma_semaphore, #tpu.memory_space<semaphore_mem>>, %arg14: memref<!tpu.dma_semaphore, #tpu.memory_space<semaphore_mem>>, %arg15: memref<!tpu.dma_semaphore, #tpu.memory_space<semaphore_mem>>, %arg16: memref<!tpu.dma_semaphore, #tpu.memory_space<semaphore_mem>>) attributes {dimension_semantics = [#tpu.dimension_semantics<core_parallel>, #tpu.dimension_semantics<subcore_parallel>], iteration_bounds = array<i64: 2, 16>, scalar_prefetch = 0 : i64, scratch_operands = 11 : i64, tpu.core_type = #tpu.core_type<sc_vector_subcore>, window_params = [{transform_indices = #map}, {transform_indices = #map1}, {transform_indices = #map}, {transform_indices = #map2}]} {
    %mul3A = arith.constant 2 : i32
    %mul3A_0 = arith.muli %arg1, %mul3A : i32
    %add3A = arith.addi %mul3A_0, %arg0 : i32
    %mul3A_1 = arith.constant 640 : i32
    %mul3A_2 = arith.muli %arg1, %mul3A_1 : i32
    "tpu.region"() ({
      %run_scoped3A = tpu.sem_alloc : memref<!tpu.dma_semaphore, #tpu.memory_space<semaphore_mem>>
      %dma_start3A_54 = arith.constant 0 : i32
      %dma_start3A_55 = arith.constant 0 : i32
      %dma_start3A_56 = arith.constant 0 : i32
      %dma_start3A_57 = tpu.memref_slice %arg3[%add3A, %dma_start3A_54, %dma_start3A_55, %dma_start3A_56] : memref<32x42x2x128xi32, #tpu.memory_space<hbm>> -> memref<1x42x2x128xi32, #tpu.memory_space<hbm>>
      %dma_start3A_58 = tpu.memref_squeeze %dma_start3A_57 : memref<1x42x2x128xi32, #tpu.memory_space<hbm>> -> memref<42x2x128xi32, #tpu.memory_space<hbm>>
      %dma_start3A_59 = arith.constant 0 : i32
      %dma_start3A_60 = arith.constant 0 : i32
      %dma_start3A_61 = arith.constant 0 : i32
      %dma_start3A_62 = tpu.memref_slice %arg3[%add3A, %dma_start3A_59, %dma_start3A_60, %dma_start3A_61] : memref<32x42x2x128xi32, #tpu.memory_space<hbm>> -> memref<1x42x2x128xi32, #tpu.memory_space<hbm>>
      %dma_start3A_63 = tpu.memref_squeeze %dma_start3A_62 : memref<1x42x2x128xi32, #tpu.memory_space<hbm>> -> memref<42x2x128xi32, #tpu.memory_space<hbm>>
      tpu.enqueue_dma source(%dma_start3A_63 : memref<42x2x128xi32, #tpu.memory_space<hbm>>) target(%arg6 : memref<42x2x128xi32, #tpu.memory_space<vmem>>) target_semaphore(%run_scoped3A : memref<!tpu.dma_semaphore, #tpu.memory_space<semaphore_mem>>)
      %dma_wait3A_64 = arith.constant 0 : i32
      %dma_wait3A_65 = arith.constant 0 : i32
      %dma_wait3A_66 = arith.constant 0 : i32
      %dma_wait3A_67 = tpu.memref_slice %arg3[%add3A, %dma_wait3A_64, %dma_wait3A_65, %dma_wait3A_66] : memref<32x42x2x128xi32, #tpu.memory_space<hbm>> -> memref<1x42x2x128xi32, #tpu.memory_space<hbm>>
      %dma_wait3A_68 = tpu.memref_squeeze %dma_wait3A_67 : memref<1x42x2x128xi32, #tpu.memory_space<hbm>> -> memref<42x2x128xi32, #tpu.memory_space<hbm>>
      %dma_wait3A_69 = arith.constant 0 : i32
      %dma_wait3A_70 = arith.constant 0 : i32
      %dma_wait3A_71 = arith.constant 0 : i32
      %dma_wait3A_72 = tpu.memref_slice %arg3[%add3A, %dma_wait3A_69, %dma_wait3A_70, %dma_wait3A_71] : memref<32x42x2x128xi32, #tpu.memory_space<hbm>> -> memref<1x42x2x128xi32, #tpu.memory_space<hbm>>
      %dma_wait3A_73 = tpu.memref_squeeze %dma_wait3A_72 : memref<1x42x2x128xi32, #tpu.memory_space<hbm>> -> memref<42x2x128xi32, #tpu.memory_space<hbm>>
      tpu.wait_dma2 semaphore(%run_scoped3A : memref<!tpu.dma_semaphore, #tpu.memory_space<semaphore_mem>>) src(%dma_wait3A_73 : memref<42x2x128xi32, #tpu.memory_space<hbm>>) dst(%arg6 : memref<42x2x128xi32, #tpu.memory_space<vmem>>)
      tpu.yield
    }) : () -> ()
    %dma_start3A = arith.constant 0 : i32
    %dma_start3A_3 = arith.constant 0 : i32
    %dma_start3A_4 = arith.constant 0 : i32
    %dma_start3A_5 = tpu.memref_slice %arg6[%dma_start3A, %dma_start3A_3, %dma_start3A_4] : memref<42x2x128xi32, #tpu.memory_space<vmem>> -> memref<1x1x128xi32, #tpu.memory_space<vmem>>
    %dma_start3A_6 = tpu.memref_squeeze %dma_start3A_5 : memref<1x1x128xi32, #tpu.memory_space<vmem>> -> memref<128xi32, #tpu.memory_space<vmem>>
    %dma_start3A_7 = arith.constant 0 : i32
    %dma_start3A_8 = arith.constant 0 : i32
    %dma_start3A_9 = tpu.memref_slice %arg2[%dma_start3A_7, %dma_start3A_8] : memref<10240x16xf32, #tpu.memory_space<hbm>> -> memref<10240x16xf32, #tpu.memory_space<hbm>>
    tpu.enqueue_indirect_dma source(%dma_start3A_9 : memref<10240x16xf32, #tpu.memory_space<hbm>>) target(%arg7 : memref<128x16xf32, #tpu.memory_space<vmem>>) offsets(%dma_start3A_6 : memref<128xi32, #tpu.memory_space<vmem>>) semaphore(%arg11 : memref<!tpu.dma_semaphore, #tpu.memory_space<semaphore_mem>>)
    %dma_start3A_10 = arith.constant 1 : i32
    %dma_start3A_11 = arith.constant 0 : i32
    %dma_start3A_12 = arith.constant 0 : i32
    %dma_start3A_13 = tpu.memref_slice %arg6[%dma_start3A_10, %dma_start3A_11, %dma_start3A_12] : memref<42x2x128xi32, #tpu.memory_space<vmem>> -> memref<1x1x128xi32, #tpu.memory_space<vmem>>
    %dma_start3A_14 = tpu.memref_squeeze %dma_start3A_13 : memref<1x1x128xi32, #tpu.memory_space<vmem>> -> memref<128xi32, #tpu.memory_space<vmem>>
    %dma_start3A_15 = arith.constant 0 : i32
    %dma_start3A_16 = arith.constant 0 : i32
    %dma_start3A_17 = tpu.memref_slice %arg2[%dma_start3A_15, %dma_start3A_16] : memref<10240x16xf32, #tpu.memory_space<hbm>> -> memref<10240x16xf32, #tpu.memory_space<hbm>>
    tpu.enqueue_indirect_dma source(%dma_start3A_17 : memref<10240x16xf32, #tpu.memory_space<hbm>>) target(%arg8 : memref<128x16xf32, #tpu.memory_space<vmem>>) offsets(%dma_start3A_14 : memref<128xi32, #tpu.memory_space<vmem>>) semaphore(%arg12 : memref<!tpu.dma_semaphore, #tpu.memory_space<semaphore_mem>>)
    %dma_start3A_18 = arith.constant 2 : i32
    %dma_start3A_19 = arith.constant 0 : i32
    %dma_start3A_20 = arith.constant 0 : i32
    %dma_start3A_21 = tpu.memref_slice %arg6[%dma_start3A_18, %dma_start3A_19, %dma_start3A_20] : memref<42x2x128xi32, #tpu.memory_space<vmem>> -> memref<1x1x128xi32, #tpu.memory_space<vmem>>
    %dma_start3A_22 = tpu.memref_squeeze %dma_start3A_21 : memref<1x1x128xi32, #tpu.memory_space<vmem>> -> memref<128xi32, #tpu.memory_space<vmem>>
    %dma_start3A_23 = arith.constant 0 : i32
    %dma_start3A_24 = arith.constant 0 : i32
    %dma_start3A_25 = tpu.memref_slice %arg2[%dma_start3A_23, %dma_start3A_24] : memref<10240x16xf32, #tpu.memory_space<hbm>> -> memref<10240x16xf32, #tpu.memory_space<hbm>>
    tpu.enqueue_indirect_dma source(%dma_start3A_25 : memref<10240x16xf32, #tpu.memory_space<hbm>>) target(%arg9 : memref<128x16xf32, #tpu.memory_space<vmem>>) offsets(%dma_start3A_22 : memref<128xi32, #tpu.memory_space<vmem>>) semaphore(%arg13 : memref<!tpu.dma_semaphore, #tpu.memory_space<semaphore_mem>>)
    "tpu.region"() ({
      %run_scoped3A = tpu.sem_alloc : memref<!tpu.dma_semaphore, #tpu.memory_space<semaphore_mem>>
      %dma_start3A_54 = arith.constant 0 : i32
      %dma_start3A_55 = tpu.memref_slice %arg10[%mul3A_2, %dma_start3A_54] : memref<10240x16xf32, #tpu.memory_space<vmem_shared>> -> memref<640x16xf32, #tpu.memory_space<vmem_shared>>
      tpu.enqueue_dma source(%arg4 : memref<640x16xf32, #tpu.memory_space<hbm>>) target(%dma_start3A_55 : memref<640x16xf32, #tpu.memory_space<vmem_shared>>) target_semaphore(%run_scoped3A : memref<!tpu.dma_semaphore, #tpu.memory_space<semaphore_mem>>)
      %dma_wait3A_56 = arith.constant 0 : i32
      %dma_wait3A_57 = tpu.memref_slice %arg10[%mul3A_2, %dma_wait3A_56] : memref<10240x16xf32, #tpu.memory_space<vmem_shared>> -> memref<640x16xf32, #tpu.memory_space<vmem_shared>>
      tpu.wait_dma2 semaphore(%run_scoped3A : memref<!tpu.dma_semaphore, #tpu.memory_space<semaphore_mem>>) src(%arg4 : memref<640x16xf32, #tpu.memory_space<hbm>>) dst(%dma_wait3A_57 : memref<640x16xf32, #tpu.memory_space<vmem_shared>>)
      tpu.yield
    }) : () -> ()
    %barrier3A = arith.constant 0 : index
    tpu.barrier barrier_id(%barrier3A)
    %scan3A = arith.constant 0 : i32
    %scan3A_26 = arith.constant 14 : i32
    %scan3A_27 = arith.addi %scan3A, %scan3A_26 : i32
    %scan3A_28 = arith.constant 1 : i32
    scf.for %scan3A_54 = %scan3A to %scan3A_27 step %scan3A_28  : i32 {
      %mul3A_55 = arith.constant 3 : i32
      %mul3A_56 = arith.muli %scan3A_54, %mul3A_55 : i32
      %add3A_57 = arith.constant 0 : i32
      %add3A_58 = arith.addi %add3A_57, %mul3A_56 : i32
      %add3A_59 = arith.constant 0 : i32
      %add3A_60 = arith.addi %add3A_58, %add3A_59 : i32
      %dma_wait3A_61 = arith.constant 0 : i32
      %dma_wait3A_62 = arith.constant 0 : i32
      %dma_wait3A_63 = tpu.memref_slice %arg6[%add3A_60, %dma_wait3A_61, %dma_wait3A_62] : memref<42x2x128xi32, #tpu.memory_space<vmem>> -> memref<1x1x128xi32, #tpu.memory_space<vmem>>
      %dma_wait3A_64 = tpu.memref_squeeze %dma_wait3A_63 : memref<1x1x128xi32, #tpu.memory_space<vmem>> -> memref<128xi32, #tpu.memory_space<vmem>>
      %dma_wait3A_65 = arith.constant 0 : i32
      %dma_wait3A_66 = arith.constant 0 : i32
      %dma_wait3A_67 = tpu.memref_slice %arg2[%dma_wait3A_65, %dma_wait3A_66] : memref<10240x16xf32, #tpu.memory_space<hbm>> -> memref<10240x16xf32, #tpu.memory_space<hbm>>
      tpu.wait_indirect_dma semaphore(%arg11 : memref<!tpu.dma_semaphore, #tpu.memory_space<semaphore_mem>>) src(%dma_wait3A_67 : memref<10240x16xf32, #tpu.memory_space<hbm>>) dst(%arg7 : memref<128x16xf32, #tpu.memory_space<vmem>>)
      %dma_start3A_68 = arith.constant 1 : i32
      %dma_start3A_69 = arith.constant 0 : i32
      %dma_start3A_70 = tpu.memref_slice %arg6[%add3A_60, %dma_start3A_68, %dma_start3A_69] : memref<42x2x128xi32, #tpu.memory_space<vmem>> -> memref<1x1x128xi32, #tpu.memory_space<vmem>>
      %dma_start3A_71 = tpu.memref_squeeze %dma_start3A_70 : memref<1x1x128xi32, #tpu.memory_space<vmem>> -> memref<128xi32, #tpu.memory_space<vmem>>
      %dma_start3A_72 = arith.constant 0 : i32
      %dma_start3A_73 = arith.constant 0 : i32
      %dma_start3A_74 = tpu.memref_slice %arg10[%dma_start3A_72, %dma_start3A_73] : memref<10240x16xf32, #tpu.memory_space<vmem_shared>> -> memref<10240x16xf32, #tpu.memory_space<vmem_shared>>
      tpu.enqueue_indirect_dma source(%arg7 : memref<128x16xf32, #tpu.memory_space<vmem>>) target(%dma_start3A_74 : memref<10240x16xf32, #tpu.memory_space<vmem_shared>>) offsets(%dma_start3A_71 : memref<128xi32, #tpu.memory_space<vmem>>) semaphore(%arg14 : memref<!tpu.dma_semaphore, #tpu.memory_space<semaphore_mem>>) {add = true}
      %ge3A = arith.constant 1 : i32
      %ge3A_75 = arith.cmpi sge, %add3A_60, %ge3A : i32
      %sub3A = arith.constant 1 : i32
      %sub3A_76 = arith.subi %add3A_60, %sub3A : i32
      %add3A_77 = arith.constant 3 : i32
      %add3A_78 = arith.addi %sub3A_76, %add3A_77 : i32
      %lt3A = arith.constant 42 : i32
      %lt3A_79 = arith.cmpi slt, %add3A_78, %lt3A : i32
      %and3A = arith.andi %ge3A_75, %lt3A_79 : i1
      %convert_element_type3A = arith.extui %and3A : i1 to i32
      %cond3A = arith.constant 0 : i32
      %cond3A_80 = arith.cmpi ne, %convert_element_type3A, %cond3A : i32
      scf.if %cond3A_80 {
        %sub3A_137 = arith.constant 1 : i32
        %sub3A_138 = arith.subi %add3A_60, %sub3A_137 : i32
        %dma_wait3A_139 = arith.constant 1 : i32
        %dma_wait3A_140 = arith.constant 0 : i32
        %dma_wait3A_141 = tpu.memref_slice %arg6[%sub3A_138, %dma_wait3A_139, %dma_wait3A_140] : memref<42x2x128xi32, #tpu.memory_space<vmem>> -> memref<1x1x128xi32, #tpu.memory_space<vmem>>
        %dma_wait3A_142 = tpu.memref_squeeze %dma_wait3A_141 : memref<1x1x128xi32, #tpu.memory_space<vmem>> -> memref<128xi32, #tpu.memory_space<vmem>>
        %dma_wait3A_143 = arith.constant 0 : i32
        %dma_wait3A_144 = arith.constant 0 : i32
        %dma_wait3A_145 = tpu.memref_slice %arg10[%dma_wait3A_143, %dma_wait3A_144] : memref<10240x16xf32, #tpu.memory_space<vmem_shared>> -> memref<10240x16xf32, #tpu.memory_space<vmem_shared>>
        tpu.wait_indirect_dma semaphore(%arg16 : memref<!tpu.dma_semaphore, #tpu.memory_space<semaphore_mem>>) src(%arg9 : memref<128x16xf32, #tpu.memory_space<vmem>>) dst(%dma_wait3A_145 : memref<10240x16xf32, #tpu.memory_space<vmem_shared>>)
        %sub3A_146 = arith.constant 1 : i32
        %sub3A_147 = arith.subi %add3A_60, %sub3A_146 : i32
        %add3A_148 = arith.constant 3 : i32
        %add3A_149 = arith.addi %sub3A_147, %add3A_148 : i32
        %dma_start3A_150 = arith.constant 0 : i32
        %dma_start3A_151 = arith.constant 0 : i32
        %dma_start3A_152 = tpu.memref_slice %arg6[%add3A_149, %dma_start3A_150, %dma_start3A_151] : memref<42x2x128xi32, #tpu.memory_space<vmem>> -> memref<1x1x128xi32, #tpu.memory_space<vmem>>
        %dma_start3A_153 = tpu.memref_squeeze %dma_start3A_152 : memref<1x1x128xi32, #tpu.memory_space<vmem>> -> memref<128xi32, #tpu.memory_space<vmem>>
        %dma_start3A_154 = arith.constant 0 : i32
        %dma_start3A_155 = arith.constant 0 : i32
        %dma_start3A_156 = tpu.memref_slice %arg2[%dma_start3A_154, %dma_start3A_155] : memref<10240x16xf32, #tpu.memory_space<hbm>> -> memref<10240x16xf32, #tpu.memory_space<hbm>>
        tpu.enqueue_indirect_dma source(%dma_start3A_156 : memref<10240x16xf32, #tpu.memory_space<hbm>>) target(%arg9 : memref<128x16xf32, #tpu.memory_space<vmem>>) offsets(%dma_start3A_153 : memref<128xi32, #tpu.memory_space<vmem>>) semaphore(%arg13 : memref<!tpu.dma_semaphore, #tpu.memory_space<semaphore_mem>>)
      } else {
      }
      %add3A_81 = arith.constant 1 : i32
      %add3A_82 = arith.addi %add3A_58, %add3A_81 : i32
      %dma_wait3A_83 = arith.constant 0 : i32
      %dma_wait3A_84 = arith.constant 0 : i32
      %dma_wait3A_85 = tpu.memref_slice %arg6[%add3A_82, %dma_wait3A_83, %dma_wait3A_84] : memref<42x2x128xi32, #tpu.memory_space<vmem>> -> memref<1x1x128xi32, #tpu.memory_space<vmem>>
      %dma_wait3A_86 = tpu.memref_squeeze %dma_wait3A_85 : memref<1x1x128xi32, #tpu.memory_space<vmem>> -> memref<128xi32, #tpu.memory_space<vmem>>
      %dma_wait3A_87 = arith.constant 0 : i32
      %dma_wait3A_88 = arith.constant 0 : i32
      %dma_wait3A_89 = tpu.memref_slice %arg2[%dma_wait3A_87, %dma_wait3A_88] : memref<10240x16xf32, #tpu.memory_space<hbm>> -> memref<10240x16xf32, #tpu.memory_space<hbm>>
      tpu.wait_indirect_dma semaphore(%arg12 : memref<!tpu.dma_semaphore, #tpu.memory_space<semaphore_mem>>) src(%dma_wait3A_89 : memref<10240x16xf32, #tpu.memory_space<hbm>>) dst(%arg8 : memref<128x16xf32, #tpu.memory_space<vmem>>)
      %dma_start3A_90 = arith.constant 1 : i32
      %dma_start3A_91 = arith.constant 0 : i32
      %dma_start3A_92 = tpu.memref_slice %arg6[%add3A_82, %dma_start3A_90, %dma_start3A_91] : memref<42x2x128xi32, #tpu.memory_space<vmem>> -> memref<1x1x128xi32, #tpu.memory_space<vmem>>
      %dma_start3A_93 = tpu.memref_squeeze %dma_start3A_92 : memref<1x1x128xi32, #tpu.memory_space<vmem>> -> memref<128xi32, #tpu.memory_space<vmem>>
      %dma_start3A_94 = arith.constant 0 : i32
      %dma_start3A_95 = arith.constant 0 : i32
      %dma_start3A_96 = tpu.memref_slice %arg10[%dma_start3A_94, %dma_start3A_95] : memref<10240x16xf32, #tpu.memory_space<vmem_shared>> -> memref<10240x16xf32, #tpu.memory_space<vmem_shared>>
      tpu.enqueue_indirect_dma source(%arg8 : memref<128x16xf32, #tpu.memory_space<vmem>>) target(%dma_start3A_96 : memref<10240x16xf32, #tpu.memory_space<vmem_shared>>) offsets(%dma_start3A_93 : memref<128xi32, #tpu.memory_space<vmem>>) semaphore(%arg15 : memref<!tpu.dma_semaphore, #tpu.memory_space<semaphore_mem>>) {add = true}
      %ge3A_97 = arith.constant 1 : i32
      %ge3A_98 = arith.cmpi sge, %add3A_82, %ge3A_97 : i32
      %sub3A_99 = arith.constant 1 : i32
      %sub3A_100 = arith.subi %add3A_82, %sub3A_99 : i32
      %add3A_101 = arith.constant 3 : i32
      %add3A_102 = arith.addi %sub3A_100, %add3A_101 : i32
      %lt3A_103 = arith.constant 42 : i32
      %lt3A_104 = arith.cmpi slt, %add3A_102, %lt3A_103 : i32
      %and3A_105 = arith.andi %ge3A_98, %lt3A_104 : i1
      %convert_element_type3A_106 = arith.extui %and3A_105 : i1 to i32
      %cond3A_107 = arith.constant 0 : i32
      %cond3A_108 = arith.cmpi ne, %convert_element_type3A_106, %cond3A_107 : i32
      scf.if %cond3A_108 {
        %sub3A_137 = arith.constant 1 : i32
        %sub3A_138 = arith.subi %add3A_82, %sub3A_137 : i32
        %dma_wait3A_139 = arith.constant 1 : i32
        %dma_wait3A_140 = arith.constant 0 : i32
        %dma_wait3A_141 = tpu.memref_slice %arg6[%sub3A_138, %dma_wait3A_139, %dma_wait3A_140] : memref<42x2x128xi32, #tpu.memory_space<vmem>> -> memref<1x1x128xi32, #tpu.memory_space<vmem>>
        %dma_wait3A_142 = tpu.memref_squeeze %dma_wait3A_141 : memref<1x1x128xi32, #tpu.memory_space<vmem>> -> memref<128xi32, #tpu.memory_space<vmem>>
        %dma_wait3A_143 = arith.constant 0 : i32
        %dma_wait3A_144 = arith.constant 0 : i32
        %dma_wait3A_145 = tpu.memref_slice %arg10[%dma_wait3A_143, %dma_wait3A_144] : memref<10240x16xf32, #tpu.memory_space<vmem_shared>> -> memref<10240x16xf32, #tpu.memory_space<vmem_shared>>
        tpu.wait_indirect_dma semaphore(%arg14 : memref<!tpu.dma_semaphore, #tpu.memory_space<semaphore_mem>>) src(%arg7 : memref<128x16xf32, #tpu.memory_space<vmem>>) dst(%dma_wait3A_145 : memref<10240x16xf32, #tpu.memory_space<vmem_shared>>)
        %sub3A_146 = arith.constant 1 : i32
        %sub3A_147 = arith.subi %add3A_82, %sub3A_146 : i32
        %add3A_148 = arith.constant 3 : i32
        %add3A_149 = arith.addi %sub3A_147, %add3A_148 : i32
        %dma_start3A_150 = arith.constant 0 : i32
        %dma_start3A_151 = arith.constant 0 : i32
        %dma_start3A_152 = tpu.memref_slice %arg6[%add3A_149, %dma_start3A_150, %dma_start3A_151] : memref<42x2x128xi32, #tpu.memory_space<vmem>> -> memref<1x1x128xi32, #tpu.memory_space<vmem>>
        %dma_start3A_153 = tpu.memref_squeeze %dma_start3A_152 : memref<1x1x128xi32, #tpu.memory_space<vmem>> -> memref<128xi32, #tpu.memory_space<vmem>>
        %dma_start3A_154 = arith.constant 0 : i32
        %dma_start3A_155 = arith.constant 0 : i32
        %dma_start3A_156 = tpu.memref_slice %arg2[%dma_start3A_154, %dma_start3A_155] : memref<10240x16xf32, #tpu.memory_space<hbm>> -> memref<10240x16xf32, #tpu.memory_space<hbm>>
        tpu.enqueue_indirect_dma source(%dma_start3A_156 : memref<10240x16xf32, #tpu.memory_space<hbm>>) target(%arg7 : memref<128x16xf32, #tpu.memory_space<vmem>>) offsets(%dma_start3A_153 : memref<128xi32, #tpu.memory_space<vmem>>) semaphore(%arg11 : memref<!tpu.dma_semaphore, #tpu.memory_space<semaphore_mem>>)
      } else {
      }
      %add3A_109 = arith.constant 2 : i32
      %add3A_110 = arith.addi %add3A_58, %add3A_109 : i32
      %dma_wait3A_111 = arith.constant 0 : i32
      %dma_wait3A_112 = arith.constant 0 : i32
      %dma_wait3A_113 = tpu.memref_slice %arg6[%add3A_110, %dma_wait3A_111, %dma_wait3A_112] : memref<42x2x128xi32, #tpu.memory_space<vmem>> -> memref<1x1x128xi32, #tpu.memory_space<vmem>>
      %dma_wait3A_114 = tpu.memref_squeeze %dma_wait3A_113 : memref<1x1x128xi32, #tpu.memory_space<vmem>> -> memref<128xi32, #tpu.memory_space<vmem>>
      %dma_wait3A_115 = arith.constant 0 : i32
      %dma_wait3A_116 = arith.constant 0 : i32
      %dma_wait3A_117 = tpu.memref_slice %arg2[%dma_wait3A_115, %dma_wait3A_116] : memref<10240x16xf32, #tpu.memory_space<hbm>> -> memref<10240x16xf32, #tpu.memory_space<hbm>>
      tpu.wait_indirect_dma semaphore(%arg13 : memref<!tpu.dma_semaphore, #tpu.memory_space<semaphore_mem>>) src(%dma_wait3A_117 : memref<10240x16xf32, #tpu.memory_space<hbm>>) dst(%arg9 : memref<128x16xf32, #tpu.memory_space<vmem>>)
      %dma_start3A_118 = arith.constant 1 : i32
      %dma_start3A_119 = arith.constant 0 : i32
      %dma_start3A_120 = tpu.memref_slice %arg6[%add3A_110, %dma_start3A_118, %dma_start3A_119] : memref<42x2x128xi32, #tpu.memory_space<vmem>> -> memref<1x1x128xi32, #tpu.memory_space<vmem>>
      %dma_start3A_121 = tpu.memref_squeeze %dma_start3A_120 : memref<1x1x128xi32, #tpu.memory_space<vmem>> -> memref<128xi32, #tpu.memory_space<vmem>>
      %dma_start3A_122 = arith.constant 0 : i32
      %dma_start3A_123 = arith.constant 0 : i32
      %dma_start3A_124 = tpu.memref_slice %arg10[%dma_start3A_122, %dma_start3A_123] : memref<10240x16xf32, #tpu.memory_space<vmem_shared>> -> memref<10240x16xf32, #tpu.memory_space<vmem_shared>>
      tpu.enqueue_indirect_dma source(%arg9 : memref<128x16xf32, #tpu.memory_space<vmem>>) target(%dma_start3A_124 : memref<10240x16xf32, #tpu.memory_space<vmem_shared>>) offsets(%dma_start3A_121 : memref<128xi32, #tpu.memory_space<vmem>>) semaphore(%arg16 : memref<!tpu.dma_semaphore, #tpu.memory_space<semaphore_mem>>) {add = true}
      %ge3A_125 = arith.constant 1 : i32
      %ge3A_126 = arith.cmpi sge, %add3A_110, %ge3A_125 : i32
      %sub3A_127 = arith.constant 1 : i32
      %sub3A_128 = arith.subi %add3A_110, %sub3A_127 : i32
      %add3A_129 = arith.constant 3 : i32
      %add3A_130 = arith.addi %sub3A_128, %add3A_129 : i32
      %lt3A_131 = arith.constant 42 : i32
      %lt3A_132 = arith.cmpi slt, %add3A_130, %lt3A_131 : i32
      %and3A_133 = arith.andi %ge3A_126, %lt3A_132 : i1
      %convert_element_type3A_134 = arith.extui %and3A_133 : i1 to i32
      %cond3A_135 = arith.constant 0 : i32
      %cond3A_136 = arith.cmpi ne, %convert_element_type3A_134, %cond3A_135 : i32
      scf.if %cond3A_136 {
        %sub3A_137 = arith.constant 1 : i32
        %sub3A_138 = arith.subi %add3A_110, %sub3A_137 : i32
        %dma_wait3A_139 = arith.constant 1 : i32
        %dma_wait3A_140 = arith.constant 0 : i32
        %dma_wait3A_141 = tpu.memref_slice %arg6[%sub3A_138, %dma_wait3A_139, %dma_wait3A_140] : memref<42x2x128xi32, #tpu.memory_space<vmem>> -> memref<1x1x128xi32, #tpu.memory_space<vmem>>
        %dma_wait3A_142 = tpu.memref_squeeze %dma_wait3A_141 : memref<1x1x128xi32, #tpu.memory_space<vmem>> -> memref<128xi32, #tpu.memory_space<vmem>>
        %dma_wait3A_143 = arith.constant 0 : i32
        %dma_wait3A_144 = arith.constant 0 : i32
        %dma_wait3A_145 = tpu.memref_slice %arg10[%dma_wait3A_143, %dma_wait3A_144] : memref<10240x16xf32, #tpu.memory_space<vmem_shared>> -> memref<10240x16xf32, #tpu.memory_space<vmem_shared>>
        tpu.wait_indirect_dma semaphore(%arg15 : memref<!tpu.dma_semaphore, #tpu.memory_space<semaphore_mem>>) src(%arg8 : memref<128x16xf32, #tpu.memory_space<vmem>>) dst(%dma_wait3A_145 : memref<10240x16xf32, #tpu.memory_space<vmem_shared>>)
        %sub3A_146 = arith.constant 1 : i32
        %sub3A_147 = arith.subi %add3A_110, %sub3A_146 : i32
        %add3A_148 = arith.constant 3 : i32
        %add3A_149 = arith.addi %sub3A_147, %add3A_148 : i32
        %dma_start3A_150 = arith.constant 0 : i32
        %dma_start3A_151 = arith.constant 0 : i32
        %dma_start3A_152 = tpu.memref_slice %arg6[%add3A_149, %dma_start3A_150, %dma_start3A_151] : memref<42x2x128xi32, #tpu.memory_space<vmem>> -> memref<1x1x128xi32, #tpu.memory_space<vmem>>
        %dma_start3A_153 = tpu.memref_squeeze %dma_start3A_152 : memref<1x1x128xi32, #tpu.memory_space<vmem>> -> memref<128xi32, #tpu.memory_space<vmem>>
        %dma_start3A_154 = arith.constant 0 : i32
        %dma_start3A_155 = arith.constant 0 : i32
        %dma_start3A_156 = tpu.memref_slice %arg2[%dma_start3A_154, %dma_start3A_155] : memref<10240x16xf32, #tpu.memory_space<hbm>> -> memref<10240x16xf32, #tpu.memory_space<hbm>>
        tpu.enqueue_indirect_dma source(%dma_start3A_156 : memref<10240x16xf32, #tpu.memory_space<hbm>>) target(%arg8 : memref<128x16xf32, #tpu.memory_space<vmem>>) offsets(%dma_start3A_153 : memref<128xi32, #tpu.memory_space<vmem>>) semaphore(%arg12 : memref<!tpu.dma_semaphore, #tpu.memory_space<semaphore_mem>>)
      } else {
      }
    }
    %scan3A_29 = arith.constant 14 : i32
    %dma_wait3A = arith.constant 39 : i32
    %dma_wait3A_30 = arith.constant 1 : i32
    %dma_wait3A_31 = arith.constant 0 : i32
    %dma_wait3A_32 = tpu.memref_slice %arg6[%dma_wait3A, %dma_wait3A_30, %dma_wait3A_31] : memref<42x2x128xi32, #tpu.memory_space<vmem>> -> memref<1x1x128xi32, #tpu.memory_space<vmem>>
    %dma_wait3A_33 = tpu.memref_squeeze %dma_wait3A_32 : memref<1x1x128xi32, #tpu.memory_space<vmem>> -> memref<128xi32, #tpu.memory_space<vmem>>
    %dma_wait3A_34 = arith.constant 0 : i32
    %dma_wait3A_35 = arith.constant 0 : i32
    %dma_wait3A_36 = tpu.memref_slice %arg10[%dma_wait3A_34, %dma_wait3A_35] : memref<10240x16xf32, #tpu.memory_space<vmem_shared>> -> memref<10240x16xf32, #tpu.memory_space<vmem_shared>>
    tpu.wait_indirect_dma semaphore(%arg14 : memref<!tpu.dma_semaphore, #tpu.memory_space<semaphore_mem>>) src(%arg7 : memref<128x16xf32, #tpu.memory_space<vmem>>) dst(%dma_wait3A_36 : memref<10240x16xf32, #tpu.memory_space<vmem_shared>>)
    %dma_wait3A_37 = arith.constant 40 : i32
    %dma_wait3A_38 = arith.constant 1 : i32
    %dma_wait3A_39 = arith.constant 0 : i32
    %dma_wait3A_40 = tpu.memref_slice %arg6[%dma_wait3A_37, %dma_wait3A_38, %dma_wait3A_39] : memref<42x2x128xi32, #tpu.memory_space<vmem>> -> memref<1x1x128xi32, #tpu.memory_space<vmem>>
    %dma_wait3A_41 = tpu.memref_squeeze %dma_wait3A_40 : memref<1x1x128xi32, #tpu.memory_space<vmem>> -> memref<128xi32, #tpu.memory_space<vmem>>
    %dma_wait3A_42 = arith.constant 0 : i32
    %dma_wait3A_43 = arith.constant 0 : i32
    %dma_wait3A_44 = tpu.memref_slice %arg10[%dma_wait3A_42, %dma_wait3A_43] : memref<10240x16xf32, #tpu.memory_space<vmem_shared>> -> memref<10240x16xf32, #tpu.memory_space<vmem_shared>>
    tpu.wait_indirect_dma semaphore(%arg15 : memref<!tpu.dma_semaphore, #tpu.memory_space<semaphore_mem>>) src(%arg8 : memref<128x16xf32, #tpu.memory_space<vmem>>) dst(%dma_wait3A_44 : memref<10240x16xf32, #tpu.memory_space<vmem_shared>>)
    %dma_wait3A_45 = arith.constant 41 : i32
    %dma_wait3A_46 = arith.constant 1 : i32
    %dma_wait3A_47 = arith.constant 0 : i32
    %dma_wait3A_48 = tpu.memref_slice %arg6[%dma_wait3A_45, %dma_wait3A_46, %dma_wait3A_47] : memref<42x2x128xi32, #tpu.memory_space<vmem>> -> memref<1x1x128xi32, #tpu.memory_space<vmem>>
    %dma_wait3A_49 = tpu.memref_squeeze %dma_wait3A_48 : memref<1x1x128xi32, #tpu.memory_space<vmem>> -> memref<128xi32, #tpu.memory_space<vmem>>
    %dma_wait3A_50 = arith.constant 0 : i32
    %dma_wait3A_51 = arith.constant 0 : i32
    %dma_wait3A_52 = tpu.memref_slice %arg10[%dma_wait3A_50, %dma_wait3A_51] : memref<10240x16xf32, #tpu.memory_space<vmem_shared>> -> memref<10240x16xf32, #tpu.memory_space<vmem_shared>>
    tpu.wait_indirect_dma semaphore(%arg16 : memref<!tpu.dma_semaphore, #tpu.memory_space<semaphore_mem>>) src(%arg9 : memref<128x16xf32, #tpu.memory_space<vmem>>) dst(%dma_wait3A_52 : memref<10240x16xf32, #tpu.memory_space<vmem_shared>>)
    %barrier3A_53 = arith.constant 0 : index
    tpu.barrier barrier_id(%barrier3A_53)
    "tpu.region"() ({
      %run_scoped3A = tpu.sem_alloc : memref<!tpu.dma_semaphore, #tpu.memory_space<semaphore_mem>>
      %dma_start3A_54 = arith.constant 0 : i32
      %dma_start3A_55 = tpu.memref_slice %arg5[%arg0, %mul3A_2, %dma_start3A_54] : memref<2x10240x16xf32, #tpu.memory_space<hbm>> -> memref<1x640x16xf32, #tpu.memory_space<hbm>>
      %dma_start3A_56 = tpu.memref_squeeze %dma_start3A_55 : memref<1x640x16xf32, #tpu.memory_space<hbm>> -> memref<640x16xf32, #tpu.memory_space<hbm>>
      %dma_start3A_57 = arith.constant 0 : i32
      %dma_start3A_58 = tpu.memref_slice %arg10[%mul3A_2, %dma_start3A_57] : memref<10240x16xf32, #tpu.memory_space<vmem_shared>> -> memref<640x16xf32, #tpu.memory_space<vmem_shared>>
      tpu.enqueue_dma source(%dma_start3A_58 : memref<640x16xf32, #tpu.memory_space<vmem_shared>>) target(%dma_start3A_56 : memref<640x16xf32, #tpu.memory_space<hbm>>) target_semaphore(%run_scoped3A : memref<!tpu.dma_semaphore, #tpu.memory_space<semaphore_mem>>)
      %dma_wait3A_59 = arith.constant 0 : i32
      %dma_wait3A_60 = tpu.memref_slice %arg5[%arg0, %mul3A_2, %dma_wait3A_59] : memref<2x10240x16xf32, #tpu.memory_space<hbm>> -> memref<1x640x16xf32, #tpu.memory_space<hbm>>
      %dma_wait3A_61 = tpu.memref_squeeze %dma_wait3A_60 : memref<1x640x16xf32, #tpu.memory_space<hbm>> -> memref<640x16xf32, #tpu.memory_space<hbm>>
      %dma_wait3A_62 = arith.constant 0 : i32
      %dma_wait3A_63 = tpu.memref_slice %arg10[%mul3A_2, %dma_wait3A_62] : memref<10240x16xf32, #tpu.memory_space<vmem_shared>> -> memref<640x16xf32, #tpu.memory_space<vmem_shared>>
      tpu.wait_dma2 semaphore(%run_scoped3A : memref<!tpu.dma_semaphore, #tpu.memory_space<semaphore_mem>>) src(%dma_wait3A_63 : memref<640x16xf32, #tpu.memory_space<vmem_shared>>) dst(%dma_wait3A_61 : memref<640x16xf32, #tpu.memory_space<hbm>>)
      tpu.yield
    }) : () -> ()
    return
  }
}

#map = affine_map<(d0, d1) -> (0, 0)>
#map1 = affine_map<(d0, d1) -> (0, 0, 0, 0)>
#map2 = affine_map<(d0, d1) -> (0, 0, 0)>
module attributes {stable_mosaic.version = 14 : i64} {
  func.func @agg(%arg0: i32, %arg1: i32, %arg2: memref<10240x128xf32, #tpu.memory_space<hbm>>, %arg3: memref<32x84x2x64xi32, #tpu.memory_space<hbm>>, %arg4: memref<640x128xf32, #tpu.memory_space<hbm>>, %arg5: memref<2x10240x128xf32, #tpu.memory_space<hbm>>, %arg6: memref<84x2x64xi32, #tpu.memory_space<vmem>>, %arg7: memref<64x128xf32, #tpu.memory_space<vmem>>, %arg8: memref<64x128xf32, #tpu.memory_space<vmem>>, %arg9: memref<64x128xf32, #tpu.memory_space<vmem>>, %arg10: memref<10240x128xf32, #tpu.memory_space<vmem_shared>>, %arg11: memref<!tpu.dma_semaphore, #tpu.memory_space<semaphore_mem>>, %arg12: memref<!tpu.dma_semaphore, #tpu.memory_space<semaphore_mem>>, %arg13: memref<!tpu.dma_semaphore, #tpu.memory_space<semaphore_mem>>, %arg14: memref<!tpu.dma_semaphore, #tpu.memory_space<semaphore_mem>>, %arg15: memref<!tpu.dma_semaphore, #tpu.memory_space<semaphore_mem>>, %arg16: memref<!tpu.dma_semaphore, #tpu.memory_space<semaphore_mem>>) attributes {dimension_semantics = [#tpu.dimension_semantics<core_parallel>, #tpu.dimension_semantics<subcore_parallel>], iteration_bounds = array<i64: 2, 16>, scalar_prefetch = 0 : i64, scratch_operands = 11 : i64, tpu.core_type = #tpu.core_type<sc_vector_subcore>, window_params = [{transform_indices = #map}, {transform_indices = #map1}, {transform_indices = #map}, {transform_indices = #map2}]} {
    %mul3A = arith.constant 2 : i32
    %mul3A_0 = arith.muli %arg1, %mul3A : i32
    %add3A = arith.addi %mul3A_0, %arg0 : i32
    %mul3A_1 = arith.constant 640 : i32
    %mul3A_2 = arith.muli %arg1, %mul3A_1 : i32
    "tpu.region"() ({
      %run_scoped3A = tpu.sem_alloc : memref<!tpu.dma_semaphore, #tpu.memory_space<semaphore_mem>>
      %dma_start3A_54 = arith.constant 0 : i32
      %dma_start3A_55 = arith.constant 0 : i32
      %dma_start3A_56 = arith.constant 0 : i32
      %dma_start3A_57 = tpu.memref_slice %arg3[%add3A, %dma_start3A_54, %dma_start3A_55, %dma_start3A_56] : memref<32x84x2x64xi32, #tpu.memory_space<hbm>> -> memref<1x84x2x64xi32, #tpu.memory_space<hbm>>
      %dma_start3A_58 = tpu.memref_squeeze %dma_start3A_57 : memref<1x84x2x64xi32, #tpu.memory_space<hbm>> -> memref<84x2x64xi32, #tpu.memory_space<hbm>>
      %dma_start3A_59 = arith.constant 0 : i32
      %dma_start3A_60 = arith.constant 0 : i32
      %dma_start3A_61 = arith.constant 0 : i32
      %dma_start3A_62 = tpu.memref_slice %arg3[%add3A, %dma_start3A_59, %dma_start3A_60, %dma_start3A_61] : memref<32x84x2x64xi32, #tpu.memory_space<hbm>> -> memref<1x84x2x64xi32, #tpu.memory_space<hbm>>
      %dma_start3A_63 = tpu.memref_squeeze %dma_start3A_62 : memref<1x84x2x64xi32, #tpu.memory_space<hbm>> -> memref<84x2x64xi32, #tpu.memory_space<hbm>>
      tpu.enqueue_dma source(%dma_start3A_63 : memref<84x2x64xi32, #tpu.memory_space<hbm>>) target(%arg6 : memref<84x2x64xi32, #tpu.memory_space<vmem>>) target_semaphore(%run_scoped3A : memref<!tpu.dma_semaphore, #tpu.memory_space<semaphore_mem>>)
      %dma_wait3A_64 = arith.constant 0 : i32
      %dma_wait3A_65 = arith.constant 0 : i32
      %dma_wait3A_66 = arith.constant 0 : i32
      %dma_wait3A_67 = tpu.memref_slice %arg3[%add3A, %dma_wait3A_64, %dma_wait3A_65, %dma_wait3A_66] : memref<32x84x2x64xi32, #tpu.memory_space<hbm>> -> memref<1x84x2x64xi32, #tpu.memory_space<hbm>>
      %dma_wait3A_68 = tpu.memref_squeeze %dma_wait3A_67 : memref<1x84x2x64xi32, #tpu.memory_space<hbm>> -> memref<84x2x64xi32, #tpu.memory_space<hbm>>
      %dma_wait3A_69 = arith.constant 0 : i32
      %dma_wait3A_70 = arith.constant 0 : i32
      %dma_wait3A_71 = arith.constant 0 : i32
      %dma_wait3A_72 = tpu.memref_slice %arg3[%add3A, %dma_wait3A_69, %dma_wait3A_70, %dma_wait3A_71] : memref<32x84x2x64xi32, #tpu.memory_space<hbm>> -> memref<1x84x2x64xi32, #tpu.memory_space<hbm>>
      %dma_wait3A_73 = tpu.memref_squeeze %dma_wait3A_72 : memref<1x84x2x64xi32, #tpu.memory_space<hbm>> -> memref<84x2x64xi32, #tpu.memory_space<hbm>>
      tpu.wait_dma2 semaphore(%run_scoped3A : memref<!tpu.dma_semaphore, #tpu.memory_space<semaphore_mem>>) src(%dma_wait3A_73 : memref<84x2x64xi32, #tpu.memory_space<hbm>>) dst(%arg6 : memref<84x2x64xi32, #tpu.memory_space<vmem>>)
      tpu.yield
    }) : () -> ()
    %dma_start3A = arith.constant 0 : i32
    %dma_start3A_3 = arith.constant 0 : i32
    %dma_start3A_4 = arith.constant 0 : i32
    %dma_start3A_5 = tpu.memref_slice %arg6[%dma_start3A, %dma_start3A_3, %dma_start3A_4] : memref<84x2x64xi32, #tpu.memory_space<vmem>> -> memref<1x1x64xi32, #tpu.memory_space<vmem>>
    %dma_start3A_6 = tpu.memref_squeeze %dma_start3A_5 : memref<1x1x64xi32, #tpu.memory_space<vmem>> -> memref<64xi32, #tpu.memory_space<vmem>>
    %dma_start3A_7 = arith.constant 0 : i32
    %dma_start3A_8 = arith.constant 0 : i32
    %dma_start3A_9 = tpu.memref_slice %arg2[%dma_start3A_7, %dma_start3A_8] : memref<10240x128xf32, #tpu.memory_space<hbm>> -> memref<10240x128xf32, #tpu.memory_space<hbm>>
    tpu.enqueue_indirect_dma source(%dma_start3A_9 : memref<10240x128xf32, #tpu.memory_space<hbm>>) target(%arg7 : memref<64x128xf32, #tpu.memory_space<vmem>>) offsets(%dma_start3A_6 : memref<64xi32, #tpu.memory_space<vmem>>) semaphore(%arg11 : memref<!tpu.dma_semaphore, #tpu.memory_space<semaphore_mem>>)
    %dma_start3A_10 = arith.constant 1 : i32
    %dma_start3A_11 = arith.constant 0 : i32
    %dma_start3A_12 = arith.constant 0 : i32
    %dma_start3A_13 = tpu.memref_slice %arg6[%dma_start3A_10, %dma_start3A_11, %dma_start3A_12] : memref<84x2x64xi32, #tpu.memory_space<vmem>> -> memref<1x1x64xi32, #tpu.memory_space<vmem>>
    %dma_start3A_14 = tpu.memref_squeeze %dma_start3A_13 : memref<1x1x64xi32, #tpu.memory_space<vmem>> -> memref<64xi32, #tpu.memory_space<vmem>>
    %dma_start3A_15 = arith.constant 0 : i32
    %dma_start3A_16 = arith.constant 0 : i32
    %dma_start3A_17 = tpu.memref_slice %arg2[%dma_start3A_15, %dma_start3A_16] : memref<10240x128xf32, #tpu.memory_space<hbm>> -> memref<10240x128xf32, #tpu.memory_space<hbm>>
    tpu.enqueue_indirect_dma source(%dma_start3A_17 : memref<10240x128xf32, #tpu.memory_space<hbm>>) target(%arg8 : memref<64x128xf32, #tpu.memory_space<vmem>>) offsets(%dma_start3A_14 : memref<64xi32, #tpu.memory_space<vmem>>) semaphore(%arg12 : memref<!tpu.dma_semaphore, #tpu.memory_space<semaphore_mem>>)
    %dma_start3A_18 = arith.constant 2 : i32
    %dma_start3A_19 = arith.constant 0 : i32
    %dma_start3A_20 = arith.constant 0 : i32
    %dma_start3A_21 = tpu.memref_slice %arg6[%dma_start3A_18, %dma_start3A_19, %dma_start3A_20] : memref<84x2x64xi32, #tpu.memory_space<vmem>> -> memref<1x1x64xi32, #tpu.memory_space<vmem>>
    %dma_start3A_22 = tpu.memref_squeeze %dma_start3A_21 : memref<1x1x64xi32, #tpu.memory_space<vmem>> -> memref<64xi32, #tpu.memory_space<vmem>>
    %dma_start3A_23 = arith.constant 0 : i32
    %dma_start3A_24 = arith.constant 0 : i32
    %dma_start3A_25 = tpu.memref_slice %arg2[%dma_start3A_23, %dma_start3A_24] : memref<10240x128xf32, #tpu.memory_space<hbm>> -> memref<10240x128xf32, #tpu.memory_space<hbm>>
    tpu.enqueue_indirect_dma source(%dma_start3A_25 : memref<10240x128xf32, #tpu.memory_space<hbm>>) target(%arg9 : memref<64x128xf32, #tpu.memory_space<vmem>>) offsets(%dma_start3A_22 : memref<64xi32, #tpu.memory_space<vmem>>) semaphore(%arg13 : memref<!tpu.dma_semaphore, #tpu.memory_space<semaphore_mem>>)
    "tpu.region"() ({
      %run_scoped3A = tpu.sem_alloc : memref<!tpu.dma_semaphore, #tpu.memory_space<semaphore_mem>>
      %dma_start3A_54 = arith.constant 0 : i32
      %dma_start3A_55 = tpu.memref_slice %arg10[%mul3A_2, %dma_start3A_54] : memref<10240x128xf32, #tpu.memory_space<vmem_shared>> -> memref<640x128xf32, #tpu.memory_space<vmem_shared>>
      tpu.enqueue_dma source(%arg4 : memref<640x128xf32, #tpu.memory_space<hbm>>) target(%dma_start3A_55 : memref<640x128xf32, #tpu.memory_space<vmem_shared>>) target_semaphore(%run_scoped3A : memref<!tpu.dma_semaphore, #tpu.memory_space<semaphore_mem>>)
      %dma_wait3A_56 = arith.constant 0 : i32
      %dma_wait3A_57 = tpu.memref_slice %arg10[%mul3A_2, %dma_wait3A_56] : memref<10240x128xf32, #tpu.memory_space<vmem_shared>> -> memref<640x128xf32, #tpu.memory_space<vmem_shared>>
      tpu.wait_dma2 semaphore(%run_scoped3A : memref<!tpu.dma_semaphore, #tpu.memory_space<semaphore_mem>>) src(%arg4 : memref<640x128xf32, #tpu.memory_space<hbm>>) dst(%dma_wait3A_57 : memref<640x128xf32, #tpu.memory_space<vmem_shared>>)
      tpu.yield
    }) : () -> ()
    %barrier3A = arith.constant 0 : index
    tpu.barrier barrier_id(%barrier3A)
    %scan3A = arith.constant 0 : i32
    %scan3A_26 = arith.constant 28 : i32
    %scan3A_27 = arith.addi %scan3A, %scan3A_26 : i32
    %scan3A_28 = arith.constant 1 : i32
    scf.for %scan3A_54 = %scan3A to %scan3A_27 step %scan3A_28  : i32 {
      %mul3A_55 = arith.constant 3 : i32
      %mul3A_56 = arith.muli %scan3A_54, %mul3A_55 : i32
      %add3A_57 = arith.constant 0 : i32
      %add3A_58 = arith.addi %add3A_57, %mul3A_56 : i32
      %add3A_59 = arith.constant 0 : i32
      %add3A_60 = arith.addi %add3A_58, %add3A_59 : i32
      %dma_wait3A_61 = arith.constant 0 : i32
      %dma_wait3A_62 = arith.constant 0 : i32
      %dma_wait3A_63 = tpu.memref_slice %arg6[%add3A_60, %dma_wait3A_61, %dma_wait3A_62] : memref<84x2x64xi32, #tpu.memory_space<vmem>> -> memref<1x1x64xi32, #tpu.memory_space<vmem>>
      %dma_wait3A_64 = tpu.memref_squeeze %dma_wait3A_63 : memref<1x1x64xi32, #tpu.memory_space<vmem>> -> memref<64xi32, #tpu.memory_space<vmem>>
      %dma_wait3A_65 = arith.constant 0 : i32
      %dma_wait3A_66 = arith.constant 0 : i32
      %dma_wait3A_67 = tpu.memref_slice %arg2[%dma_wait3A_65, %dma_wait3A_66] : memref<10240x128xf32, #tpu.memory_space<hbm>> -> memref<10240x128xf32, #tpu.memory_space<hbm>>
      tpu.wait_indirect_dma semaphore(%arg11 : memref<!tpu.dma_semaphore, #tpu.memory_space<semaphore_mem>>) src(%dma_wait3A_67 : memref<10240x128xf32, #tpu.memory_space<hbm>>) dst(%arg7 : memref<64x128xf32, #tpu.memory_space<vmem>>)
      %dma_start3A_68 = arith.constant 1 : i32
      %dma_start3A_69 = arith.constant 0 : i32
      %dma_start3A_70 = tpu.memref_slice %arg6[%add3A_60, %dma_start3A_68, %dma_start3A_69] : memref<84x2x64xi32, #tpu.memory_space<vmem>> -> memref<1x1x64xi32, #tpu.memory_space<vmem>>
      %dma_start3A_71 = tpu.memref_squeeze %dma_start3A_70 : memref<1x1x64xi32, #tpu.memory_space<vmem>> -> memref<64xi32, #tpu.memory_space<vmem>>
      %dma_start3A_72 = arith.constant 0 : i32
      %dma_start3A_73 = arith.constant 0 : i32
      %dma_start3A_74 = tpu.memref_slice %arg10[%dma_start3A_72, %dma_start3A_73] : memref<10240x128xf32, #tpu.memory_space<vmem_shared>> -> memref<10240x128xf32, #tpu.memory_space<vmem_shared>>
      tpu.enqueue_indirect_dma source(%arg7 : memref<64x128xf32, #tpu.memory_space<vmem>>) target(%dma_start3A_74 : memref<10240x128xf32, #tpu.memory_space<vmem_shared>>) offsets(%dma_start3A_71 : memref<64xi32, #tpu.memory_space<vmem>>) semaphore(%arg14 : memref<!tpu.dma_semaphore, #tpu.memory_space<semaphore_mem>>) {add = true}
      %ge3A = arith.constant 1 : i32
      %ge3A_75 = arith.cmpi sge, %add3A_60, %ge3A : i32
      %sub3A = arith.constant 1 : i32
      %sub3A_76 = arith.subi %add3A_60, %sub3A : i32
      %add3A_77 = arith.constant 3 : i32
      %add3A_78 = arith.addi %sub3A_76, %add3A_77 : i32
      %lt3A = arith.constant 84 : i32
      %lt3A_79 = arith.cmpi slt, %add3A_78, %lt3A : i32
      %and3A = arith.andi %ge3A_75, %lt3A_79 : i1
      %convert_element_type3A = arith.extui %and3A : i1 to i32
      %cond3A = arith.constant 0 : i32
      %cond3A_80 = arith.cmpi ne, %convert_element_type3A, %cond3A : i32
      scf.if %cond3A_80 {
        %sub3A_137 = arith.constant 1 : i32
        %sub3A_138 = arith.subi %add3A_60, %sub3A_137 : i32
        %dma_wait3A_139 = arith.constant 1 : i32
        %dma_wait3A_140 = arith.constant 0 : i32
        %dma_wait3A_141 = tpu.memref_slice %arg6[%sub3A_138, %dma_wait3A_139, %dma_wait3A_140] : memref<84x2x64xi32, #tpu.memory_space<vmem>> -> memref<1x1x64xi32, #tpu.memory_space<vmem>>
        %dma_wait3A_142 = tpu.memref_squeeze %dma_wait3A_141 : memref<1x1x64xi32, #tpu.memory_space<vmem>> -> memref<64xi32, #tpu.memory_space<vmem>>
        %dma_wait3A_143 = arith.constant 0 : i32
        %dma_wait3A_144 = arith.constant 0 : i32
        %dma_wait3A_145 = tpu.memref_slice %arg10[%dma_wait3A_143, %dma_wait3A_144] : memref<10240x128xf32, #tpu.memory_space<vmem_shared>> -> memref<10240x128xf32, #tpu.memory_space<vmem_shared>>
        tpu.wait_indirect_dma semaphore(%arg16 : memref<!tpu.dma_semaphore, #tpu.memory_space<semaphore_mem>>) src(%arg9 : memref<64x128xf32, #tpu.memory_space<vmem>>) dst(%dma_wait3A_145 : memref<10240x128xf32, #tpu.memory_space<vmem_shared>>)
        %sub3A_146 = arith.constant 1 : i32
        %sub3A_147 = arith.subi %add3A_60, %sub3A_146 : i32
        %add3A_148 = arith.constant 3 : i32
        %add3A_149 = arith.addi %sub3A_147, %add3A_148 : i32
        %dma_start3A_150 = arith.constant 0 : i32
        %dma_start3A_151 = arith.constant 0 : i32
        %dma_start3A_152 = tpu.memref_slice %arg6[%add3A_149, %dma_start3A_150, %dma_start3A_151] : memref<84x2x64xi32, #tpu.memory_space<vmem>> -> memref<1x1x64xi32, #tpu.memory_space<vmem>>
        %dma_start3A_153 = tpu.memref_squeeze %dma_start3A_152 : memref<1x1x64xi32, #tpu.memory_space<vmem>> -> memref<64xi32, #tpu.memory_space<vmem>>
        %dma_start3A_154 = arith.constant 0 : i32
        %dma_start3A_155 = arith.constant 0 : i32
        %dma_start3A_156 = tpu.memref_slice %arg2[%dma_start3A_154, %dma_start3A_155] : memref<10240x128xf32, #tpu.memory_space<hbm>> -> memref<10240x128xf32, #tpu.memory_space<hbm>>
        tpu.enqueue_indirect_dma source(%dma_start3A_156 : memref<10240x128xf32, #tpu.memory_space<hbm>>) target(%arg9 : memref<64x128xf32, #tpu.memory_space<vmem>>) offsets(%dma_start3A_153 : memref<64xi32, #tpu.memory_space<vmem>>) semaphore(%arg13 : memref<!tpu.dma_semaphore, #tpu.memory_space<semaphore_mem>>)
      } else {
      }
      %add3A_81 = arith.constant 1 : i32
      %add3A_82 = arith.addi %add3A_58, %add3A_81 : i32
      %dma_wait3A_83 = arith.constant 0 : i32
      %dma_wait3A_84 = arith.constant 0 : i32
      %dma_wait3A_85 = tpu.memref_slice %arg6[%add3A_82, %dma_wait3A_83, %dma_wait3A_84] : memref<84x2x64xi32, #tpu.memory_space<vmem>> -> memref<1x1x64xi32, #tpu.memory_space<vmem>>
      %dma_wait3A_86 = tpu.memref_squeeze %dma_wait3A_85 : memref<1x1x64xi32, #tpu.memory_space<vmem>> -> memref<64xi32, #tpu.memory_space<vmem>>
      %dma_wait3A_87 = arith.constant 0 : i32
      %dma_wait3A_88 = arith.constant 0 : i32
      %dma_wait3A_89 = tpu.memref_slice %arg2[%dma_wait3A_87, %dma_wait3A_88] : memref<10240x128xf32, #tpu.memory_space<hbm>> -> memref<10240x128xf32, #tpu.memory_space<hbm>>
      tpu.wait_indirect_dma semaphore(%arg12 : memref<!tpu.dma_semaphore, #tpu.memory_space<semaphore_mem>>) src(%dma_wait3A_89 : memref<10240x128xf32, #tpu.memory_space<hbm>>) dst(%arg8 : memref<64x128xf32, #tpu.memory_space<vmem>>)
      %dma_start3A_90 = arith.constant 1 : i32
      %dma_start3A_91 = arith.constant 0 : i32
      %dma_start3A_92 = tpu.memref_slice %arg6[%add3A_82, %dma_start3A_90, %dma_start3A_91] : memref<84x2x64xi32, #tpu.memory_space<vmem>> -> memref<1x1x64xi32, #tpu.memory_space<vmem>>
      %dma_start3A_93 = tpu.memref_squeeze %dma_start3A_92 : memref<1x1x64xi32, #tpu.memory_space<vmem>> -> memref<64xi32, #tpu.memory_space<vmem>>
      %dma_start3A_94 = arith.constant 0 : i32
      %dma_start3A_95 = arith.constant 0 : i32
      %dma_start3A_96 = tpu.memref_slice %arg10[%dma_start3A_94, %dma_start3A_95] : memref<10240x128xf32, #tpu.memory_space<vmem_shared>> -> memref<10240x128xf32, #tpu.memory_space<vmem_shared>>
      tpu.enqueue_indirect_dma source(%arg8 : memref<64x128xf32, #tpu.memory_space<vmem>>) target(%dma_start3A_96 : memref<10240x128xf32, #tpu.memory_space<vmem_shared>>) offsets(%dma_start3A_93 : memref<64xi32, #tpu.memory_space<vmem>>) semaphore(%arg15 : memref<!tpu.dma_semaphore, #tpu.memory_space<semaphore_mem>>) {add = true}
      %ge3A_97 = arith.constant 1 : i32
      %ge3A_98 = arith.cmpi sge, %add3A_82, %ge3A_97 : i32
      %sub3A_99 = arith.constant 1 : i32
      %sub3A_100 = arith.subi %add3A_82, %sub3A_99 : i32
      %add3A_101 = arith.constant 3 : i32
      %add3A_102 = arith.addi %sub3A_100, %add3A_101 : i32
      %lt3A_103 = arith.constant 84 : i32
      %lt3A_104 = arith.cmpi slt, %add3A_102, %lt3A_103 : i32
      %and3A_105 = arith.andi %ge3A_98, %lt3A_104 : i1
      %convert_element_type3A_106 = arith.extui %and3A_105 : i1 to i32
      %cond3A_107 = arith.constant 0 : i32
      %cond3A_108 = arith.cmpi ne, %convert_element_type3A_106, %cond3A_107 : i32
      scf.if %cond3A_108 {
        %sub3A_137 = arith.constant 1 : i32
        %sub3A_138 = arith.subi %add3A_82, %sub3A_137 : i32
        %dma_wait3A_139 = arith.constant 1 : i32
        %dma_wait3A_140 = arith.constant 0 : i32
        %dma_wait3A_141 = tpu.memref_slice %arg6[%sub3A_138, %dma_wait3A_139, %dma_wait3A_140] : memref<84x2x64xi32, #tpu.memory_space<vmem>> -> memref<1x1x64xi32, #tpu.memory_space<vmem>>
        %dma_wait3A_142 = tpu.memref_squeeze %dma_wait3A_141 : memref<1x1x64xi32, #tpu.memory_space<vmem>> -> memref<64xi32, #tpu.memory_space<vmem>>
        %dma_wait3A_143 = arith.constant 0 : i32
        %dma_wait3A_144 = arith.constant 0 : i32
        %dma_wait3A_145 = tpu.memref_slice %arg10[%dma_wait3A_143, %dma_wait3A_144] : memref<10240x128xf32, #tpu.memory_space<vmem_shared>> -> memref<10240x128xf32, #tpu.memory_space<vmem_shared>>
        tpu.wait_indirect_dma semaphore(%arg14 : memref<!tpu.dma_semaphore, #tpu.memory_space<semaphore_mem>>) src(%arg7 : memref<64x128xf32, #tpu.memory_space<vmem>>) dst(%dma_wait3A_145 : memref<10240x128xf32, #tpu.memory_space<vmem_shared>>)
        %sub3A_146 = arith.constant 1 : i32
        %sub3A_147 = arith.subi %add3A_82, %sub3A_146 : i32
        %add3A_148 = arith.constant 3 : i32
        %add3A_149 = arith.addi %sub3A_147, %add3A_148 : i32
        %dma_start3A_150 = arith.constant 0 : i32
        %dma_start3A_151 = arith.constant 0 : i32
        %dma_start3A_152 = tpu.memref_slice %arg6[%add3A_149, %dma_start3A_150, %dma_start3A_151] : memref<84x2x64xi32, #tpu.memory_space<vmem>> -> memref<1x1x64xi32, #tpu.memory_space<vmem>>
        %dma_start3A_153 = tpu.memref_squeeze %dma_start3A_152 : memref<1x1x64xi32, #tpu.memory_space<vmem>> -> memref<64xi32, #tpu.memory_space<vmem>>
        %dma_start3A_154 = arith.constant 0 : i32
        %dma_start3A_155 = arith.constant 0 : i32
        %dma_start3A_156 = tpu.memref_slice %arg2[%dma_start3A_154, %dma_start3A_155] : memref<10240x128xf32, #tpu.memory_space<hbm>> -> memref<10240x128xf32, #tpu.memory_space<hbm>>
        tpu.enqueue_indirect_dma source(%dma_start3A_156 : memref<10240x128xf32, #tpu.memory_space<hbm>>) target(%arg7 : memref<64x128xf32, #tpu.memory_space<vmem>>) offsets(%dma_start3A_153 : memref<64xi32, #tpu.memory_space<vmem>>) semaphore(%arg11 : memref<!tpu.dma_semaphore, #tpu.memory_space<semaphore_mem>>)
      } else {
      }
      %add3A_109 = arith.constant 2 : i32
      %add3A_110 = arith.addi %add3A_58, %add3A_109 : i32
      %dma_wait3A_111 = arith.constant 0 : i32
      %dma_wait3A_112 = arith.constant 0 : i32
      %dma_wait3A_113 = tpu.memref_slice %arg6[%add3A_110, %dma_wait3A_111, %dma_wait3A_112] : memref<84x2x64xi32, #tpu.memory_space<vmem>> -> memref<1x1x64xi32, #tpu.memory_space<vmem>>
      %dma_wait3A_114 = tpu.memref_squeeze %dma_wait3A_113 : memref<1x1x64xi32, #tpu.memory_space<vmem>> -> memref<64xi32, #tpu.memory_space<vmem>>
      %dma_wait3A_115 = arith.constant 0 : i32
      %dma_wait3A_116 = arith.constant 0 : i32
      %dma_wait3A_117 = tpu.memref_slice %arg2[%dma_wait3A_115, %dma_wait3A_116] : memref<10240x128xf32, #tpu.memory_space<hbm>> -> memref<10240x128xf32, #tpu.memory_space<hbm>>
      tpu.wait_indirect_dma semaphore(%arg13 : memref<!tpu.dma_semaphore, #tpu.memory_space<semaphore_mem>>) src(%dma_wait3A_117 : memref<10240x128xf32, #tpu.memory_space<hbm>>) dst(%arg9 : memref<64x128xf32, #tpu.memory_space<vmem>>)
      %dma_start3A_118 = arith.constant 1 : i32
      %dma_start3A_119 = arith.constant 0 : i32
      %dma_start3A_120 = tpu.memref_slice %arg6[%add3A_110, %dma_start3A_118, %dma_start3A_119] : memref<84x2x64xi32, #tpu.memory_space<vmem>> -> memref<1x1x64xi32, #tpu.memory_space<vmem>>
      %dma_start3A_121 = tpu.memref_squeeze %dma_start3A_120 : memref<1x1x64xi32, #tpu.memory_space<vmem>> -> memref<64xi32, #tpu.memory_space<vmem>>
      %dma_start3A_122 = arith.constant 0 : i32
      %dma_start3A_123 = arith.constant 0 : i32
      %dma_start3A_124 = tpu.memref_slice %arg10[%dma_start3A_122, %dma_start3A_123] : memref<10240x128xf32, #tpu.memory_space<vmem_shared>> -> memref<10240x128xf32, #tpu.memory_space<vmem_shared>>
      tpu.enqueue_indirect_dma source(%arg9 : memref<64x128xf32, #tpu.memory_space<vmem>>) target(%dma_start3A_124 : memref<10240x128xf32, #tpu.memory_space<vmem_shared>>) offsets(%dma_start3A_121 : memref<64xi32, #tpu.memory_space<vmem>>) semaphore(%arg16 : memref<!tpu.dma_semaphore, #tpu.memory_space<semaphore_mem>>) {add = true}
      %ge3A_125 = arith.constant 1 : i32
      %ge3A_126 = arith.cmpi sge, %add3A_110, %ge3A_125 : i32
      %sub3A_127 = arith.constant 1 : i32
      %sub3A_128 = arith.subi %add3A_110, %sub3A_127 : i32
      %add3A_129 = arith.constant 3 : i32
      %add3A_130 = arith.addi %sub3A_128, %add3A_129 : i32
      %lt3A_131 = arith.constant 84 : i32
      %lt3A_132 = arith.cmpi slt, %add3A_130, %lt3A_131 : i32
      %and3A_133 = arith.andi %ge3A_126, %lt3A_132 : i1
      %convert_element_type3A_134 = arith.extui %and3A_133 : i1 to i32
      %cond3A_135 = arith.constant 0 : i32
      %cond3A_136 = arith.cmpi ne, %convert_element_type3A_134, %cond3A_135 : i32
      scf.if %cond3A_136 {
        %sub3A_137 = arith.constant 1 : i32
        %sub3A_138 = arith.subi %add3A_110, %sub3A_137 : i32
        %dma_wait3A_139 = arith.constant 1 : i32
        %dma_wait3A_140 = arith.constant 0 : i32
        %dma_wait3A_141 = tpu.memref_slice %arg6[%sub3A_138, %dma_wait3A_139, %dma_wait3A_140] : memref<84x2x64xi32, #tpu.memory_space<vmem>> -> memref<1x1x64xi32, #tpu.memory_space<vmem>>
        %dma_wait3A_142 = tpu.memref_squeeze %dma_wait3A_141 : memref<1x1x64xi32, #tpu.memory_space<vmem>> -> memref<64xi32, #tpu.memory_space<vmem>>
        %dma_wait3A_143 = arith.constant 0 : i32
        %dma_wait3A_144 = arith.constant 0 : i32
        %dma_wait3A_145 = tpu.memref_slice %arg10[%dma_wait3A_143, %dma_wait3A_144] : memref<10240x128xf32, #tpu.memory_space<vmem_shared>> -> memref<10240x128xf32, #tpu.memory_space<vmem_shared>>
        tpu.wait_indirect_dma semaphore(%arg15 : memref<!tpu.dma_semaphore, #tpu.memory_space<semaphore_mem>>) src(%arg8 : memref<64x128xf32, #tpu.memory_space<vmem>>) dst(%dma_wait3A_145 : memref<10240x128xf32, #tpu.memory_space<vmem_shared>>)
        %sub3A_146 = arith.constant 1 : i32
        %sub3A_147 = arith.subi %add3A_110, %sub3A_146 : i32
        %add3A_148 = arith.constant 3 : i32
        %add3A_149 = arith.addi %sub3A_147, %add3A_148 : i32
        %dma_start3A_150 = arith.constant 0 : i32
        %dma_start3A_151 = arith.constant 0 : i32
        %dma_start3A_152 = tpu.memref_slice %arg6[%add3A_149, %dma_start3A_150, %dma_start3A_151] : memref<84x2x64xi32, #tpu.memory_space<vmem>> -> memref<1x1x64xi32, #tpu.memory_space<vmem>>
        %dma_start3A_153 = tpu.memref_squeeze %dma_start3A_152 : memref<1x1x64xi32, #tpu.memory_space<vmem>> -> memref<64xi32, #tpu.memory_space<vmem>>
        %dma_start3A_154 = arith.constant 0 : i32
        %dma_start3A_155 = arith.constant 0 : i32
        %dma_start3A_156 = tpu.memref_slice %arg2[%dma_start3A_154, %dma_start3A_155] : memref<10240x128xf32, #tpu.memory_space<hbm>> -> memref<10240x128xf32, #tpu.memory_space<hbm>>
        tpu.enqueue_indirect_dma source(%dma_start3A_156 : memref<10240x128xf32, #tpu.memory_space<hbm>>) target(%arg8 : memref<64x128xf32, #tpu.memory_space<vmem>>) offsets(%dma_start3A_153 : memref<64xi32, #tpu.memory_space<vmem>>) semaphore(%arg12 : memref<!tpu.dma_semaphore, #tpu.memory_space<semaphore_mem>>)
      } else {
      }
    }
    %scan3A_29 = arith.constant 28 : i32
    %dma_wait3A = arith.constant 81 : i32
    %dma_wait3A_30 = arith.constant 1 : i32
    %dma_wait3A_31 = arith.constant 0 : i32
    %dma_wait3A_32 = tpu.memref_slice %arg6[%dma_wait3A, %dma_wait3A_30, %dma_wait3A_31] : memref<84x2x64xi32, #tpu.memory_space<vmem>> -> memref<1x1x64xi32, #tpu.memory_space<vmem>>
    %dma_wait3A_33 = tpu.memref_squeeze %dma_wait3A_32 : memref<1x1x64xi32, #tpu.memory_space<vmem>> -> memref<64xi32, #tpu.memory_space<vmem>>
    %dma_wait3A_34 = arith.constant 0 : i32
    %dma_wait3A_35 = arith.constant 0 : i32
    %dma_wait3A_36 = tpu.memref_slice %arg10[%dma_wait3A_34, %dma_wait3A_35] : memref<10240x128xf32, #tpu.memory_space<vmem_shared>> -> memref<10240x128xf32, #tpu.memory_space<vmem_shared>>
    tpu.wait_indirect_dma semaphore(%arg14 : memref<!tpu.dma_semaphore, #tpu.memory_space<semaphore_mem>>) src(%arg7 : memref<64x128xf32, #tpu.memory_space<vmem>>) dst(%dma_wait3A_36 : memref<10240x128xf32, #tpu.memory_space<vmem_shared>>)
    %dma_wait3A_37 = arith.constant 82 : i32
    %dma_wait3A_38 = arith.constant 1 : i32
    %dma_wait3A_39 = arith.constant 0 : i32
    %dma_wait3A_40 = tpu.memref_slice %arg6[%dma_wait3A_37, %dma_wait3A_38, %dma_wait3A_39] : memref<84x2x64xi32, #tpu.memory_space<vmem>> -> memref<1x1x64xi32, #tpu.memory_space<vmem>>
    %dma_wait3A_41 = tpu.memref_squeeze %dma_wait3A_40 : memref<1x1x64xi32, #tpu.memory_space<vmem>> -> memref<64xi32, #tpu.memory_space<vmem>>
    %dma_wait3A_42 = arith.constant 0 : i32
    %dma_wait3A_43 = arith.constant 0 : i32
    %dma_wait3A_44 = tpu.memref_slice %arg10[%dma_wait3A_42, %dma_wait3A_43] : memref<10240x128xf32, #tpu.memory_space<vmem_shared>> -> memref<10240x128xf32, #tpu.memory_space<vmem_shared>>
    tpu.wait_indirect_dma semaphore(%arg15 : memref<!tpu.dma_semaphore, #tpu.memory_space<semaphore_mem>>) src(%arg8 : memref<64x128xf32, #tpu.memory_space<vmem>>) dst(%dma_wait3A_44 : memref<10240x128xf32, #tpu.memory_space<vmem_shared>>)
    %dma_wait3A_45 = arith.constant 83 : i32
    %dma_wait3A_46 = arith.constant 1 : i32
    %dma_wait3A_47 = arith.constant 0 : i32
    %dma_wait3A_48 = tpu.memref_slice %arg6[%dma_wait3A_45, %dma_wait3A_46, %dma_wait3A_47] : memref<84x2x64xi32, #tpu.memory_space<vmem>> -> memref<1x1x64xi32, #tpu.memory_space<vmem>>
    %dma_wait3A_49 = tpu.memref_squeeze %dma_wait3A_48 : memref<1x1x64xi32, #tpu.memory_space<vmem>> -> memref<64xi32, #tpu.memory_space<vmem>>
    %dma_wait3A_50 = arith.constant 0 : i32
    %dma_wait3A_51 = arith.constant 0 : i32
    %dma_wait3A_52 = tpu.memref_slice %arg10[%dma_wait3A_50, %dma_wait3A_51] : memref<10240x128xf32, #tpu.memory_space<vmem_shared>> -> memref<10240x128xf32, #tpu.memory_space<vmem_shared>>
    tpu.wait_indirect_dma semaphore(%arg16 : memref<!tpu.dma_semaphore, #tpu.memory_space<semaphore_mem>>) src(%arg9 : memref<64x128xf32, #tpu.memory_space<vmem>>) dst(%dma_wait3A_52 : memref<10240x128xf32, #tpu.memory_space<vmem_shared>>)
    %barrier3A_53 = arith.constant 0 : index
    tpu.barrier barrier_id(%barrier3A_53)
    "tpu.region"() ({
      %run_scoped3A = tpu.sem_alloc : memref<!tpu.dma_semaphore, #tpu.memory_space<semaphore_mem>>
      %dma_start3A_54 = arith.constant 0 : i32
      %dma_start3A_55 = tpu.memref_slice %arg5[%arg0, %mul3A_2, %dma_start3A_54] : memref<2x10240x128xf32, #tpu.memory_space<hbm>> -> memref<1x640x128xf32, #tpu.memory_space<hbm>>
      %dma_start3A_56 = tpu.memref_squeeze %dma_start3A_55 : memref<1x640x128xf32, #tpu.memory_space<hbm>> -> memref<640x128xf32, #tpu.memory_space<hbm>>
      %dma_start3A_57 = arith.constant 0 : i32
      %dma_start3A_58 = tpu.memref_slice %arg10[%mul3A_2, %dma_start3A_57] : memref<10240x128xf32, #tpu.memory_space<vmem_shared>> -> memref<640x128xf32, #tpu.memory_space<vmem_shared>>
      tpu.enqueue_dma source(%dma_start3A_58 : memref<640x128xf32, #tpu.memory_space<vmem_shared>>) target(%dma_start3A_56 : memref<640x128xf32, #tpu.memory_space<hbm>>) target_semaphore(%run_scoped3A : memref<!tpu.dma_semaphore, #tpu.memory_space<semaphore_mem>>)
      %dma_wait3A_59 = arith.constant 0 : i32
      %dma_wait3A_60 = tpu.memref_slice %arg5[%arg0, %mul3A_2, %dma_wait3A_59] : memref<2x10240x128xf32, #tpu.memory_space<hbm>> -> memref<1x640x128xf32, #tpu.memory_space<hbm>>
      %dma_wait3A_61 = tpu.memref_squeeze %dma_wait3A_60 : memref<1x640x128xf32, #tpu.memory_space<hbm>> -> memref<640x128xf32, #tpu.memory_space<hbm>>
      %dma_wait3A_62 = arith.constant 0 : i32
      %dma_wait3A_63 = tpu.memref_slice %arg10[%mul3A_2, %dma_wait3A_62] : memref<10240x128xf32, #tpu.memory_space<vmem_shared>> -> memref<640x128xf32, #tpu.memory_space<vmem_shared>>
      tpu.wait_dma2 semaphore(%run_scoped3A : memref<!tpu.dma_semaphore, #tpu.memory_space<semaphore_mem>>) src(%dma_wait3A_63 : memref<640x128xf32, #tpu.memory_space<vmem_shared>>) dst(%dma_wait3A_61 : memref<640x128xf32, #tpu.memory_space<hbm>>)
      tpu.yield
    }) : () -> ()
    return
  }
}

module attributes {stable_mosaic.version = 14 : i64} {
  func.func @_tc_prep_body(%arg0: memref<2x10240x16xf32, #tpu.memory_space<vmem>>, %arg1: memref<10240x1xf32, #tpu.memory_space<vmem>>, %arg2: memref<10240x1xf32, #tpu.memory_space<vmem>>, %arg3: memref<10240x16xf32, #tpu.memory_space<vmem>>) attributes {dimension_semantics = [], scalar_prefetch = 0 : i64, scratch_operands = 0 : i64, tpu.core_type = #tpu.core_type<tc>} {
    %get3A = arith.constant 0 : index
    %get3A_0 = arith.constant 0 : index
    %get3A_1 = arith.constant 0 : index
    %get3A_2 = vector.load %arg0[%get3A, %get3A_0, %get3A_1] : memref<2x10240x16xf32, #tpu.memory_space<vmem>>, vector<1x10240x1xf32>
    %get3A_3 = vector.shape_cast %get3A_2 : vector<1x10240x1xf32> to vector<10240x1xf32>
    %get3A_4 = arith.constant 1 : index
    %get3A_5 = arith.constant 0 : index
    %get3A_6 = arith.constant 0 : index
    %get3A_7 = vector.load %arg0[%get3A_4, %get3A_5, %get3A_6] : memref<2x10240x16xf32, #tpu.memory_space<vmem>>, vector<1x10240x1xf32>
    %get3A_8 = vector.shape_cast %get3A_7 : vector<1x10240x1xf32> to vector<10240x1xf32>
    %add3A = arith.addf %get3A_3, %get3A_8 : vector<10240x1xf32>
    %gt3A = arith.constant 0.000000e+00 : f32
    %gt3A_9 = vector.broadcast %gt3A : f32 to vector<10240x1xf32>
    %gt3A_10 = arith.cmpf ogt, %add3A, %gt3A_9 : vector<10240x1xf32>
    %sqrt3A = math.sqrt %add3A : vector<10240x1xf32>
    %div3A = arith.constant 1.000000e+00 : f32
    %div3A_11 = vector.broadcast %div3A : f32 to vector<10240x1xf32>
    %div3A_12 = arith.divf %div3A_11, %sqrt3A : vector<10240x1xf32>
    %jit3A = arith.constant 0.000000e+00 : f32
    %broadcast_in_dim3A = vector.broadcast %jit3A : f32 to vector<10240x1xf32>
    %select_n3A = arith.select %gt3A_10, %div3A_12, %broadcast_in_dim3A : vector<10240x1xi1>, vector<10240x1xf32>
    %swap3A = arith.constant 0 : index
    %swap3A_13 = arith.constant 0 : index
    %swap3A_14 = vector.load %arg2[%swap3A, %swap3A_13] : memref<10240x1xf32, #tpu.memory_space<vmem>>, vector<10240x1xf32>
    tpu.vector_store %arg2[%swap3A, %swap3A_13], %select_n3A {strides = array<i32>} : memref<10240x1xf32, #tpu.memory_space<vmem>>, vector<10240x1xf32>,
    %get3A_15 = arith.constant 0 : index
    %get3A_16 = arith.constant 0 : index
    %get3A_17 = vector.load %arg1[%get3A_15, %get3A_16] : memref<10240x1xf32, #tpu.memory_space<vmem>>, vector<10240x1xf32>
    %mul3A = arith.mulf %select_n3A, %get3A_17 : vector<10240x1xf32>
    %swap3A_18 = arith.constant 0 : index
    %swap3A_19 = arith.constant 0 : index
    %swap3A_20 = vector.load %arg3[%swap3A_18, %swap3A_19] : memref<10240x16xf32, #tpu.memory_space<vmem>>, vector<10240x1xf32>
    tpu.vector_store %arg3[%swap3A_18, %swap3A_19], %mul3A {strides = array<i32>} : memref<10240x16xf32, #tpu.memory_space<vmem>>, vector<10240x1xf32>,
    %broadcast_in_dim3A_21 = arith.constant 0.000000e+00 : f32
    %broadcast_in_dim3A_22 = vector.broadcast %broadcast_in_dim3A_21 : f32 to vector<10240x15xf32>
    %swap3A_23 = arith.constant 0 : index
    %swap3A_24 = arith.constant 1 : index
    %swap3A_25 = vector.load %arg3[%swap3A_23, %swap3A_24] : memref<10240x16xf32, #tpu.memory_space<vmem>>, vector<10240x15xf32>
    tpu.vector_store %arg3[%swap3A_23, %swap3A_24], %broadcast_in_dim3A_22 {strides = array<i32>} : memref<10240x16xf32, #tpu.memory_space<vmem>>, vector<10240x15xf32>,
    return
  }
}

module attributes {stable_mosaic.version = 14 : i64} {
  func.func @_tc_a_body(%arg0: memref<2x10240x16xf32, #tpu.memory_space<vmem>>, %arg1: memref<10240x1xf32, #tpu.memory_space<vmem>>, %arg2: memref<1x64xf32, #tpu.memory_space<vmem>>, %arg3: memref<1x64xf32, #tpu.memory_space<vmem>>, %arg4: memref<1x64xf32, #tpu.memory_space<vmem>>, %arg5: memref<1x64xf32, #tpu.memory_space<vmem>>, %arg6: memref<64x64xf32, #tpu.memory_space<vmem>>, %arg7: memref<64x64xf32, #tpu.memory_space<vmem>>, %arg8: memref<10240x128xf32, #tpu.memory_space<vmem>>) attributes {dimension_semantics = [], scalar_prefetch = 0 : i64, scratch_operands = 0 : i64, tpu.core_type = #tpu.core_type<tc>} {
    %get3A = arith.constant 0 : index
    %get3A_0 = arith.constant 0 : index
    %get3A_1 = vector.load %arg1[%get3A, %get3A_0] : memref<10240x1xf32, #tpu.memory_space<vmem>>, vector<10240x1xf32>
    %get3A_2 = arith.constant 0 : index
    %get3A_3 = arith.constant 0 : index
    %get3A_4 = arith.constant 0 : index
    %get3A_5 = vector.load %arg0[%get3A_2, %get3A_3, %get3A_4] : memref<2x10240x16xf32, #tpu.memory_space<vmem>>, vector<1x10240x1xf32>
    %get3A_6 = vector.shape_cast %get3A_5 : vector<1x10240x1xf32> to vector<10240x1xf32>
    %get3A_7 = arith.constant 1 : index
    %get3A_8 = arith.constant 0 : index
    %get3A_9 = arith.constant 0 : index
    %get3A_10 = vector.load %arg0[%get3A_7, %get3A_8, %get3A_9] : memref<2x10240x16xf32, #tpu.memory_space<vmem>>, vector<1x10240x1xf32>
    %get3A_11 = vector.shape_cast %get3A_10 : vector<1x10240x1xf32> to vector<10240x1xf32>
    %add3A = arith.addf %get3A_6, %get3A_11 : vector<10240x1xf32>
    %mul3A = arith.mulf %add3A, %get3A_1 : vector<10240x1xf32>
    %get3A_12 = arith.constant 0 : index
    %get3A_13 = arith.constant 0 : index
    %get3A_14 = vector.load %arg2[%get3A_12, %get3A_13] : memref<1x64xf32, #tpu.memory_space<vmem>>, vector<1x64xf32>
    %mul3A_15 = vector.broadcast %mul3A : vector<10240x1xf32> to vector<10240x64xf32>
    %mul3A_16 = vector.broadcast %get3A_14 : vector<1x64xf32> to vector<10240x64xf32>
    %mul3A_17 = arith.mulf %mul3A_15, %mul3A_16 : vector<10240x64xf32>
    %get3A_18 = arith.constant 0 : index
    %get3A_19 = arith.constant 0 : index
    %get3A_20 = vector.load %arg3[%get3A_18, %get3A_19] : memref<1x64xf32, #tpu.memory_space<vmem>>, vector<1x64xf32>
    %add3A_21 = vector.broadcast %get3A_20 : vector<1x64xf32> to vector<10240x64xf32>
    %add3A_22 = arith.addf %mul3A_17, %add3A_21 : vector<10240x64xf32>
    %tanh3A = math.tanh %add3A_22 : vector<10240x64xf32>
    %get3A_23 = arith.constant 0 : index
    %get3A_24 = arith.constant 0 : index
    %get3A_25 = vector.load %arg4[%get3A_23, %get3A_24] : memref<1x64xf32, #tpu.memory_space<vmem>>, vector<1x64xf32>
    %mul3A_26 = vector.broadcast %mul3A : vector<10240x1xf32> to vector<10240x64xf32>
    %mul3A_27 = vector.broadcast %get3A_25 : vector<1x64xf32> to vector<10240x64xf32>
    %mul3A_28 = arith.mulf %mul3A_26, %mul3A_27 : vector<10240x64xf32>
    %get3A_29 = arith.constant 0 : index
    %get3A_30 = arith.constant 0 : index
    %get3A_31 = vector.load %arg5[%get3A_29, %get3A_30] : memref<1x64xf32, #tpu.memory_space<vmem>>, vector<1x64xf32>
    %add3A_32 = vector.broadcast %get3A_31 : vector<1x64xf32> to vector<10240x64xf32>
    %add3A_33 = arith.addf %mul3A_28, %add3A_32 : vector<10240x64xf32>
    %tanh3A_34 = math.tanh %add3A_33 : vector<10240x64xf32>
    %get3A_35 = arith.constant 0 : index
    %get3A_36 = arith.constant 0 : index
    %get3A_37 = vector.load %arg6[%get3A_35, %get3A_36] : memref<64x64xf32, #tpu.memory_space<vmem>>, vector<64x64xf32>
    %dot_general3A = arith.constant dense<0.000000e+00> : vector<10240x64xf32>
    %dot_general3A_38 = tpu.matmul %tanh3A, %get3A_37, %dot_general3A {dimension_numbers = #tpu.dot_dimension_numbers<[1], [0], [0], [1], [0, 0, 1, 1], [], []>, transpose_lhs_hint = false} : vector<10240x64xf32>, vector<64x64xf32>, vector<10240x64xf32> -> vector<10240x64xf32>
    %get3A_39 = arith.constant 0 : index
    %get3A_40 = arith.constant 0 : index
    %get3A_41 = vector.load %arg7[%get3A_39, %get3A_40] : memref<64x64xf32, #tpu.memory_space<vmem>>, vector<64x64xf32>
    %dot_general3A_42 = arith.constant dense<0.000000e+00> : vector<10240x64xf32>
    %dot_general3A_43 = tpu.matmul %tanh3A_34, %get3A_41, %dot_general3A_42 {dimension_numbers = #tpu.dot_dimension_numbers<[1], [0], [0], [1], [0, 0, 1, 1], [], []>, transpose_lhs_hint = false} : vector<10240x64xf32>, vector<64x64xf32>, vector<10240x64xf32> -> vector<10240x64xf32>
    %mul3A_44 = vector.broadcast %get3A_1 : vector<10240x1xf32> to vector<10240x64xf32>
    %mul3A_45 = arith.mulf %mul3A_44, %dot_general3A_38 : vector<10240x64xf32>
    %swap3A = arith.constant 0 : index
    %swap3A_46 = arith.constant 0 : index
    %swap3A_47 = vector.load %arg8[%swap3A, %swap3A_46] : memref<10240x128xf32, #tpu.memory_space<vmem>>, vector<10240x64xf32>
    tpu.vector_store %arg8[%swap3A, %swap3A_46], %mul3A_45 {strides = array<i32>} : memref<10240x128xf32, #tpu.memory_space<vmem>>, vector<10240x64xf32>,
    %mul3A_48 = vector.broadcast %get3A_1 : vector<10240x1xf32> to vector<10240x64xf32>
    %mul3A_49 = arith.mulf %mul3A_48, %dot_general3A_43 : vector<10240x64xf32>
    %swap3A_50 = arith.constant 0 : index
    %swap3A_51 = arith.constant 64 : index
    %swap3A_52 = vector.load %arg8[%swap3A_50, %swap3A_51] : memref<10240x128xf32, #tpu.memory_space<vmem>>, vector<10240x64xf32>
    tpu.vector_store %arg8[%swap3A_50, %swap3A_51], %mul3A_49 {strides = array<i32>} : memref<10240x128xf32, #tpu.memory_space<vmem>>, vector<10240x64xf32>,
    return
  }
}

module attributes {stable_mosaic.version = 14 : i64} {
  func.func @_tc_b_body(%arg0: memref<2x10240x128xf32, #tpu.memory_space<vmem>>, %arg1: memref<10240x1xf32, #tpu.memory_space<vmem>>, %arg2: memref<1x64xf32, #tpu.memory_space<vmem>>, %arg3: memref<1x64xf32, #tpu.memory_space<vmem>>, %arg4: memref<64x1xf32, #tpu.memory_space<vmem>>, %arg5: memref<64x1xf32, #tpu.memory_space<vmem>>, %arg6: memref<10240x16xf32, #tpu.memory_space<vmem>>) attributes {dimension_semantics = [], scalar_prefetch = 0 : i64, scratch_operands = 0 : i64, tpu.core_type = #tpu.core_type<tc>} {
    %get3A = arith.constant 0 : index
    %get3A_0 = arith.constant 0 : index
    %get3A_1 = vector.load %arg1[%get3A, %get3A_0] : memref<10240x1xf32, #tpu.memory_space<vmem>>, vector<10240x1xf32>
    %get3A_2 = arith.constant 0 : index
    %get3A_3 = arith.constant 0 : index
    %get3A_4 = arith.constant 0 : index
    %get3A_5 = vector.load %arg0[%get3A_2, %get3A_3, %get3A_4] : memref<2x10240x128xf32, #tpu.memory_space<vmem>>, vector<1x10240x128xf32>
    %get3A_6 = vector.shape_cast %get3A_5 : vector<1x10240x128xf32> to vector<10240x128xf32>
    %get3A_7 = arith.constant 1 : index
    %get3A_8 = arith.constant 0 : index
    %get3A_9 = arith.constant 0 : index
    %get3A_10 = vector.load %arg0[%get3A_7, %get3A_8, %get3A_9] : memref<2x10240x128xf32, #tpu.memory_space<vmem>>, vector<1x10240x128xf32>
    %get3A_11 = vector.shape_cast %get3A_10 : vector<1x10240x128xf32> to vector<10240x128xf32>
    %add3A = arith.addf %get3A_6, %get3A_11 : vector<10240x128xf32>
    %mul3A = vector.broadcast %get3A_1 : vector<10240x1xf32> to vector<10240x128xf32>
    %mul3A_12 = arith.mulf %add3A, %mul3A : vector<10240x128xf32>
    %slice3A = vector.extract_strided_slice %mul3A_12 {offsets = [0, 0], sizes = [10240, 64], strides = [1, 1]} : vector<10240x128xf32> to vector<10240x64xf32>
    %get3A_13 = arith.constant 0 : index
    %get3A_14 = arith.constant 0 : index
    %get3A_15 = vector.load %arg2[%get3A_13, %get3A_14] : memref<1x64xf32, #tpu.memory_space<vmem>>, vector<1x64xf32>
    %add3A_16 = vector.broadcast %get3A_15 : vector<1x64xf32> to vector<10240x64xf32>
    %add3A_17 = arith.addf %slice3A, %add3A_16 : vector<10240x64xf32>
    %tanh3A = math.tanh %add3A_17 : vector<10240x64xf32>
    %slice3A_18 = vector.extract_strided_slice %mul3A_12 {offsets = [0, 64], sizes = [10240, 64], strides = [1, 1]} : vector<10240x128xf32> to vector<10240x64xf32>
    %get3A_19 = arith.constant 0 : index
    %get3A_20 = arith.constant 0 : index
    %get3A_21 = vector.load %arg3[%get3A_19, %get3A_20] : memref<1x64xf32, #tpu.memory_space<vmem>>, vector<1x64xf32>
    %add3A_22 = vector.broadcast %get3A_21 : vector<1x64xf32> to vector<10240x64xf32>
    %add3A_23 = arith.addf %slice3A_18, %add3A_22 : vector<10240x64xf32>
    %tanh3A_24 = math.tanh %add3A_23 : vector<10240x64xf32>
    %get3A_25 = arith.constant 0 : index
    %get3A_26 = arith.constant 0 : index
    %get3A_27 = vector.load %arg4[%get3A_25, %get3A_26] : memref<64x1xf32, #tpu.memory_space<vmem>>, vector<64x1xf32>
    %dot_general3A = arith.constant dense<0.000000e+00> : vector<10240x1xf32>
    %dot_general3A_28 = tpu.matmul %tanh3A, %get3A_27, %dot_general3A {dimension_numbers = #tpu.dot_dimension_numbers<[1], [0], [0], [1], [0, 0, 1, 1], [], []>, transpose_lhs_hint = false} : vector<10240x64xf32>, vector<64x1xf32>, vector<10240x1xf32> -> vector<10240x1xf32>
    %get3A_29 = arith.constant 0 : index
    %get3A_30 = arith.constant 0 : index
    %get3A_31 = vector.load %arg5[%get3A_29, %get3A_30] : memref<64x1xf32, #tpu.memory_space<vmem>>, vector<64x1xf32>
    %dot_general3A_32 = arith.constant dense<0.000000e+00> : vector<10240x1xf32>
    %dot_general3A_33 = tpu.matmul %tanh3A_24, %get3A_31, %dot_general3A_32 {dimension_numbers = #tpu.dot_dimension_numbers<[1], [0], [0], [1], [0, 0, 1, 1], [], []>, transpose_lhs_hint = false} : vector<10240x64xf32>, vector<64x1xf32>, vector<10240x1xf32> -> vector<10240x1xf32>
    %mul3A_34 = arith.mulf %get3A_1, %dot_general3A_28 : vector<10240x1xf32>
    %swap3A = arith.constant 0 : index
    %swap3A_35 = arith.constant 0 : index
    %swap3A_36 = vector.load %arg6[%swap3A, %swap3A_35] : memref<10240x16xf32, #tpu.memory_space<vmem>>, vector<10240x1xf32>
    tpu.vector_store %arg6[%swap3A, %swap3A_35], %mul3A_34 {strides = array<i32>} : memref<10240x16xf32, #tpu.memory_space<vmem>>, vector<10240x1xf32>,
    %mul3A_37 = arith.mulf %get3A_1, %dot_general3A_33 : vector<10240x1xf32>
    %swap3A_38 = arith.constant 0 : index
    %swap3A_39 = arith.constant 1 : index
    %swap3A_40 = vector.load %arg6[%swap3A_38, %swap3A_39] : memref<10240x16xf32, #tpu.memory_space<vmem>>, vector<10240x1xf32>
    tpu.vector_store %arg6[%swap3A_38, %swap3A_39], %mul3A_37 {strides = array<i32>} : memref<10240x16xf32, #tpu.memory_space<vmem>>, vector<10240x1xf32>,
    %broadcast_in_dim3A = arith.constant 0.000000e+00 : f32
    %broadcast_in_dim3A_41 = vector.broadcast %broadcast_in_dim3A : f32 to vector<10240x14xf32>
    %swap3A_42 = arith.constant 0 : index
    %swap3A_43 = arith.constant 2 : index
    %swap3A_44 = vector.load %arg6[%swap3A_42, %swap3A_43] : memref<10240x16xf32, #tpu.memory_space<vmem>>, vector<10240x14xf32>
    tpu.vector_store %arg6[%swap3A_42, %swap3A_43], %broadcast_in_dim3A_41 {strides = array<i32>} : memref<10240x16xf32, #tpu.memory_space<vmem>>, vector<10240x14xf32>,
    return
  }
}

module attributes {stable_mosaic.version = 14 : i64} {
  func.func @_tc_c_body(%arg0: memref<2x10240x16xf32, #tpu.memory_space<vmem>>, %arg1: memref<10240x1xf32, #tpu.memory_space<vmem>>, %arg2: memref<10240x1xf32, #tpu.memory_space<vmem>>, %arg3: memref<10240x1xf32, #tpu.memory_space<vmem>>, %arg4: memref<1x1xf32, #tpu.memory_space<vmem>>, %arg5: memref<1x1xf32, #tpu.memory_space<vmem>>, %arg6: memref<10240x1xf32, #tpu.memory_space<vmem>>, %arg7: memref<10240x16xf32, #tpu.memory_space<vmem>>) attributes {dimension_semantics = [], scalar_prefetch = 0 : i64, scratch_operands = 0 : i64, tpu.core_type = #tpu.core_type<tc>} {
    %get3A = arith.constant 0 : index
    %get3A_0 = arith.constant 0 : index
    %get3A_1 = vector.load %arg2[%get3A, %get3A_0] : memref<10240x1xf32, #tpu.memory_space<vmem>>, vector<10240x1xf32>
    %get3A_2 = arith.constant 0 : index
    %get3A_3 = arith.constant 0 : index
    %get3A_4 = arith.constant 0 : index
    %get3A_5 = vector.load %arg0[%get3A_2, %get3A_3, %get3A_4] : memref<2x10240x16xf32, #tpu.memory_space<vmem>>, vector<1x10240x1xf32>
    %get3A_6 = vector.shape_cast %get3A_5 : vector<1x10240x1xf32> to vector<10240x1xf32>
    %get3A_7 = arith.constant 1 : index
    %get3A_8 = arith.constant 0 : index
    %get3A_9 = arith.constant 0 : index
    %get3A_10 = vector.load %arg0[%get3A_7, %get3A_8, %get3A_9] : memref<2x10240x16xf32, #tpu.memory_space<vmem>>, vector<1x10240x1xf32>
    %get3A_11 = vector.shape_cast %get3A_10 : vector<1x10240x1xf32> to vector<10240x1xf32>
    %add3A = arith.addf %get3A_6, %get3A_11 : vector<10240x1xf32>
    %mul3A = arith.mulf %add3A, %get3A_1 : vector<10240x1xf32>
    %get3A_12 = arith.constant 0 : index
    %get3A_13 = arith.constant 0 : index
    %get3A_14 = vector.load %arg4[%get3A_12, %get3A_13] : memref<1x1xf32, #tpu.memory_space<vmem>>, vector<1x1xf32>
    %add3A_15 = vector.broadcast %get3A_14 : vector<1x1xf32> to vector<10240x1xf32>
    %add3A_16 = arith.addf %mul3A, %add3A_15 : vector<10240x1xf32>
    %get3A_17 = arith.constant 0 : index
    %get3A_18 = arith.constant 0 : index
    %get3A_19 = arith.constant 1 : index
    %get3A_20 = vector.load %arg0[%get3A_17, %get3A_18, %get3A_19] : memref<2x10240x16xf32, #tpu.memory_space<vmem>>, vector<1x10240x1xf32>
    %get3A_21 = vector.shape_cast %get3A_20 : vector<1x10240x1xf32> to vector<10240x1xf32>
    %get3A_22 = arith.constant 1 : index
    %get3A_23 = arith.constant 0 : index
    %get3A_24 = arith.constant 1 : index
    %get3A_25 = vector.load %arg0[%get3A_22, %get3A_23, %get3A_24] : memref<2x10240x16xf32, #tpu.memory_space<vmem>>, vector<1x10240x1xf32>
    %get3A_26 = vector.shape_cast %get3A_25 : vector<1x10240x1xf32> to vector<10240x1xf32>
    %add3A_27 = arith.addf %get3A_21, %get3A_26 : vector<10240x1xf32>
    %mul3A_28 = arith.mulf %add3A_27, %get3A_1 : vector<10240x1xf32>
    %get3A_29 = arith.constant 0 : index
    %get3A_30 = arith.constant 0 : index
    %get3A_31 = vector.load %arg5[%get3A_29, %get3A_30] : memref<1x1xf32, #tpu.memory_space<vmem>>, vector<1x1xf32>
    %add3A_32 = vector.broadcast %get3A_31 : vector<1x1xf32> to vector<10240x1xf32>
    %add3A_33 = arith.addf %mul3A_28, %add3A_32 : vector<10240x1xf32>
    %abs3A = math.absf %add3A_33 : vector<10240x1xf32>
    %get3A_34 = arith.constant 0 : index
    %get3A_35 = arith.constant 0 : index
    %get3A_36 = vector.load %arg1[%get3A_34, %get3A_35] : memref<10240x1xf32, #tpu.memory_space<vmem>>, vector<10240x1xf32>
    %mul3A_37 = arith.constant 0.208333328 : f32
    %mul3A_38 = vector.broadcast %mul3A_37 : f32 to vector<10240x1xf32>
    %mul3A_39 = arith.mulf %add3A_16, %mul3A_38 : vector<10240x1xf32>
    %add3A_40 = arith.addf %get3A_36, %mul3A_39 : vector<10240x1xf32>
    %mul3A_41 = arith.constant 0.456435472 : f32
    %mul3A_42 = vector.broadcast %mul3A_41 : f32 to vector<10240x1xf32>
    %mul3A_43 = arith.mulf %abs3A, %mul3A_42 : vector<10240x1xf32>
    %get3A_44 = arith.constant 0 : index
    %get3A_45 = arith.constant 0 : index
    %get3A_46 = vector.load %arg3[%get3A_44, %get3A_45] : memref<10240x1xf32, #tpu.memory_space<vmem>>, vector<10240x1xf32>
    %mul3A_47 = arith.mulf %mul3A_43, %get3A_46 : vector<10240x1xf32>
    %add3A_48 = arith.addf %add3A_40, %mul3A_47 : vector<10240x1xf32>
    %swap3A = arith.constant 0 : index
    %swap3A_49 = arith.constant 0 : index
    %swap3A_50 = vector.load %arg6[%swap3A, %swap3A_49] : memref<10240x1xf32, #tpu.memory_space<vmem>>, vector<10240x1xf32>
    tpu.vector_store %arg6[%swap3A, %swap3A_49], %add3A_48 {strides = array<i32>} : memref<10240x1xf32, #tpu.memory_space<vmem>>, vector<10240x1xf32>,
    %mul3A_51 = arith.mulf %get3A_1, %add3A_48 : vector<10240x1xf32>
    %swap3A_52 = arith.constant 0 : index
    %swap3A_53 = arith.constant 0 : index
    %swap3A_54 = vector.load %arg7[%swap3A_52, %swap3A_53] : memref<10240x16xf32, #tpu.memory_space<vmem>>, vector<10240x1xf32>
    tpu.vector_store %arg7[%swap3A_52, %swap3A_53], %mul3A_51 {strides = array<i32>} : memref<10240x16xf32, #tpu.memory_space<vmem>>, vector<10240x1xf32>,
    %broadcast_in_dim3A = arith.constant 0.000000e+00 : f32
    %broadcast_in_dim3A_55 = vector.broadcast %broadcast_in_dim3A : f32 to vector<10240x15xf32>
    %swap3A_56 = arith.constant 0 : index
    %swap3A_57 = arith.constant 1 : index
    %swap3A_58 = vector.load %arg7[%swap3A_56, %swap3A_57] : memref<10240x16xf32, #tpu.memory_space<vmem>>, vector<10240x15xf32>
    tpu.vector_store %arg7[%swap3A_56, %swap3A_57], %broadcast_in_dim3A_55 {strides = array<i32>} : memref<10240x16xf32, #tpu.memory_space<vmem>>, vector<10240x15xf32>,
    return
  }
}

</mosaic_0001>

<sc_bundles>
// kernel: closed_call.25.cloned.1.call-start
scs
__scs_entry_jumppad:
0x0: {  	(pc) =	sbr.rel $0x88, $3  }
0x1: {  	(tag) =	ssettag $0x0;
	lr =	simm.s32 $0x1  }
0x2: {  	[smem:$0x3F93] =	sst lr;
	_ =	strace $0xD0000000  }
0x3: {  	_ = 	snop  }
0x4: {  	_ = 	snop  }
0x5: {  	_ = 	snop  }
0x6: {  	_ = 	snop  }
0x7: {  	_ = 	snop  }
__scs_overlays_trampoline_lowered:
0x8: {  	[smem:$0x3FA2] =	sst s0  }
0x9: {  	[smem:$0x3FA3] =	sst s1  }
0xa: {  	[smem:$0x3FA4] =	sst s2  }
0xb: {  	[smem:$0x3FA5] =	sst s3  }
0xc: {  	[smem:$0x3FA6] =	sst s4  }
0xd: {  	[smem:$0x3FA7] =	sst s5  }
0xe: {  	[smem:$0x3FA8] =	sst s6  }
0xf: {  	[smem:$0x3FA9] =	sst s7  }
0x10: {  	[smem:$0x3FAA] =	sst s8  }
0x11: {  	[smem:$0x3FAB] =	sst s9;
	s0 =	simm.s32 @!p0 $0x0  }
0x12: {  	s1 =	sld [smem:$0x3F91];
	s0 =	simm.s32 @p0 $0x1  }
0x13: {  	[smem:$0x3FAC] =	sst s0;
	s0 =	simm.s32 @!p1 $0x0  }
0x14: {  	s2 =	sld [smem:$0x3F90];
	s0 =	simm.s32 @p1 $0x1  }
0x15: {  	[smem:$0x3FAD] =	sst s0;
	s0 =	simm.s32 @!p2 $0x0  }
0x16: {  	s3 =	sld [smem:$0x3FDB];
	s0 =	simm.s32 @p2 $0x1  }
0x17: {  	s4 =	simm.s32 $0x1BF5;
	[smem:$0x3FAF] =	sst s0  }
0x18: {  	s0 =	sld [smem:$0x3F92];
	_ =	swait.ge [sflag:s4], $0x0  }
0x19: {  	s7 =	sld [smem:$0x3F93]  }
0x1a: {  	s8 =	sadd.s32 $0xFFFFE003, lr  }
0x1b: {  	s9 =	sadd.s32 $0xFFFFFEF7, lr;
	s5 =	simm.s32 $0xFFFFFFFF;
	p2 =	slt.u32 s8, $0xFFFFF086  }
0x1c: {  	p1 =	slt.u32 s9, $0xF7A;
	s5 =	simm.s32 @!p2 $0x0  }
0x1d: {  	s5 =	simm.s32 @p1 $0x1;
	p0 =	seq.s32 s7, s2  }
0x1e: {  	s7 =	smul.u32 @!p0 $0xF7A, s2;
	p2 =	seq.s32 @!p0 s5, $0x0  }
0x1f: {  	s9 =	smul.u32 $0xF7A, s1;
	s8 =	simm.s32 @!p0 $0x1BF5;
	p2 =	por !p2, p0  }
0x20: {  	[sflag:s8] =	ssyncset.s32 @!p0 $0xFFFFF086;
	s6 =	sadd.s32 @!p0 s3, s7;
	s7 =	simm.s32 @!p0 $0x108  }
0x21: {  	s3 =	sadd.s32 s3, s9;
	s6 =	sadd.s32 @!p0 $0x88, s6;
	s7 =	simm.s32 @p2 $0x1082  }
0x22: {  	[simem:s7], [sflag:s8] =	dma.local @!p0 [hbm:s6], $0xF7A  }
0x23: {  	s9 =	sor.u32 $0xD0000000, s2;
	s6 =	simm.s32 $0x108;
	_ =	swait.ge @!p0 [sflag:s8], $0x0  }
0x24: {  	s3 =	sadd.s32 $0x88, s3;
	s6 =	simm.s32 @!p1 $0x1082;
	[sflag:s4] =	ssyncset.s32 $0xFFFFF086  }
0x25: {  	[simem:s6], [sflag:s4] =	dma.local [hbm:s3], $0xF7A  }
0x26: {  	[smem:$0x3F93] =	sst s1;
	(tag) =	ssettag s2;
	_ =	strace s9  }
0x27: {  	s1 =	sld [smem:$0x3FA3]  }
0x28: {  	s2 =	sld [smem:$0x3FA4]  }
0x29: {  	s4 =	sld [smem:$0x3FA6]  }
0x2a: {  	p0 =	seq.s32 s5, $0x0;
	s5 =	sld [smem:$0x3FA7]  }
0x2b: {  	s6 =	sld [smem:$0x3FA8]  }
0x2c: {  	s7 =	sld [smem:$0x3FA9]  }
0x2d: {  	s3 =	simm.s32 $0x108;
	s8 =	sld [smem:$0x3FAA]  }
0x2e: {  	s3 =	simm.s32 @!p0 $0x1082;
	s9 =	sld [smem:$0x3FAB]  }
0x2f: {  	lr =	sadd.s32 s0, s3;
	s0 =	sld [smem:$0x3FA2]  }
0x30: {  	s3 =	sld [smem:$0x3FA5]  }
0x31: {  	[smem:$0x3FAE] =	sst s10  }
0x32: {  	s10 =	sld [smem:$0x3FAC];
	_ =	sdelay $0x3  }
0x33: {  	p0 =	seq.s32 s10, $0x1;
	s10 =	sld [smem:$0x3FAE];
	_ =	sdelay $0x3  }
0x34: {  	[smem:$0x3FAE] =	sst s10  }
0x35: {  	s10 =	sld [smem:$0x3FAD];
	_ =	sdelay $0x3  }
0x36: {  	p1 =	seq.s32 s10, $0x1;
	s10 =	sld [smem:$0x3FAE];
	_ =	sdelay $0x3  }
0x37: {  	[smem:$0x3FAE] =	sst s10  }
0x38: {  	s10 =	sld [smem:$0x3FAF]  }
0x39: {  	_ = 	snop;
	(pc) =	sbr.ind lr, $3  }
0x3a: {  	_ = 	snop  }
0x3b: {  	_ = 	snop  }
0x3c: {  	p2 =	seq.s32 s10, $0x1;
	s10 =	sld [smem:$0x3FAE]  }
0x3d: {  	_ =	shalt  }
0x3e: {  	_ =	shalt  }
0x3f: {  	_ =	shalt  }
0x40: {  	_ =	shalt  }
0x41: {  	_ =	shalt  }
0x42: {  	_ =	shalt  }
0x43: {  	_ =	shalt  }
0x44: {  	_ =	shalt  }
0x45: {  	_ =	shalt  }
0x46: {  	_ =	shalt  }
0x47: {  	_ =	shalt  }
0x48: {  	_ =	shalt  }
0x49: {  	_ =	shalt  }
0x4a: {  	_ =	shalt  }
0x4b: {  	_ =	shalt  }
0x4c: {  	_ =	shalt  }
0x4d: {  	_ =	shalt  }
0x4e: {  	_ =	shalt  }
0x4f: {  	_ =	shalt  }
0x50: {  	_ =	shalt  }
0x51: {  	_ =	shalt  }
0x52: {  	_ =	shalt  }
0x53: {  	_ =	shalt  }
0x54: {  	_ =	shalt  }
0x55: {  	_ =	shalt  }
0x56: {  	_ =	shalt  }
0x57: {  	_ =	shalt  }
0x58: {  	_ =	shalt  }
0x59: {  	_ =	shalt  }
0x5a: {  	_ =	shalt  }
0x5b: {  	_ =	shalt  }
0x5c: {  	_ =	shalt  }
0x5d: {  	_ =	shalt  }
0x5e: {  	_ =	shalt  }
0x5f: {  	_ =	shalt  }
0x60: {  	_ =	shalt  }
0x61: {  	_ =	shalt  }
0x62: {  	_ =	shalt  }
0x63: {  	_ =	shalt  }
0x64: {  	_ =	shalt  }
0x65: {  	_ =	shalt  }
0x66: {  	_ =	shalt  }
0x67: {  	_ =	shalt  }
0x68: {  	_ =	shalt  }
0x69: {  	_ =	shalt  }
0x6a: {  	_ =	shalt  }
0x6b: {  	_ =	shalt  }
0x6c: {  	_ =	shalt  }
0x6d: {  	_ =	shalt  }
0x6e: {  	_ =	shalt  }
0x6f: {  	_ =	shalt  }
0x70: {  	_ =	shalt  }
0x71: {  	_ =	shalt  }
0x72: {  	_ =	shalt  }
0x73: {  	_ =	shalt  }
0x74: {  	_ =	shalt  }
0x75: {  	_ =	shalt  }
0x76: {  	_ =	shalt  }
0x77: {  	_ =	shalt  }
0x78: {  	_ =	shalt  }
0x79: {  	_ =	shalt  }
0x7a: {  	_ =	shalt  }
0x7b: {  	_ =	shalt  }
0x7c: {  	_ =	shalt  }
0x7d: {  	_ =	shalt  }
0x7e: {  	_ =	shalt  }
0x7f: {  	_ =	shalt  }
0x80: {  	_ =	shalt  }
0x81: {  	_ =	shalt  }
0x82: {  	_ =	shalt  }
0x83: {  	_ =	shalt  }
0x84: {  	_ =	shalt  }
0x85: {  	_ =	shalt  }
0x86: {  	_ =	shalt  }
0x87: {  	_ =	shalt  }
.Lfunc_end0:
.L_simem_size_0:
called_computation_lowered:
.L_overlay_start_0:
0x88: {  	s2 =	sld [smem:$0x3FD9]  }
0x89: {  	s3 =	sld [smem:$0x3FFE];
	_ =	sdelay $0x1  }
0x8a: {  	s1 =	srdreg.scid  }
0x8b: {  	s0 =	sand.u32 $0x1, s1  }
0x8c: {  	s16 =	sshll.u32 s0, $0xA;
	s2 =	sadd.s32 s3, s2  }
0x8d: {  	s2 =	sadd.s32 s2, s16  }
0x8e: {  	[smem:$0x3FBA] =	sst s2  }
0x8f: {  	_ = 	snop  }
0x90: {  	(tm) =	ssettm $0x1  }
0x91: {  	s17 =	sld [smem:$0x3FFB];
	_ =	sdelay $0x3  }
0x92: {  	_ =	strace s17  }
0x93: {  	s2 =	sld [smem:$0x3FFC];
	_ =	sdelay $0x3  }
0x94: {  	_ =	strace s2  }
0x95: {  	s2 =	sld [smem:$0x3FFD];
	_ =	sdelay $0x3  }
0x96: {  	_ =	strace s2  }
0x97: {  	_ =	strace $0x8FFFFFFF  }
0x98: {  	s18 =	sld [smem:$0x3FDB];
	_ =	sdelay $0x1  }
0x99: {  	s19 =	simm.s32 $_scs_section_size  }
0x9a: {  	s4 =	simm.s32 $_size__tile_overlayer_lowered;
	s5 =	simm.s32 $_tile_overlayer_lowered  }
0x9b: {  	s22 =	simm.s32 $0x1BFF;
	s21 =	sshll.u32 s5, $0x1;
	s2 =	sadd.s32 s19, s18  }
0x9c: {  	s6 =	simm.s32 $0x0;
	s20 =	sshll.u32 s4, $0x1;
	s4 =	sadd.s32 s21, s2  }
0x9d: {  	[timem:s6], [sflag:s22] =	dma.local [hbm:s4], s20  }
0x9e: {  	_ =	swait.ge [sflag:s22], s20  }
0x9f: {  	s3 =	ssub.s32 $0x0, s20;
	[sflag:s22] =	ssyncset.done $0x0  }
0xa0: {  	[sflag:s22] =	ssyncadd.s32 s3;
	_ =	sdelay $0x1  }
0xa1: {  	s23 =	simm.s32 $0x1B8B  }
0xa2: {  	_ =	swait.ge [sflag:s23], $0x1  }
0xa3: {  	[sflag:s23] =	ssyncset.done $0x0  }
0xa4: {  	s25 =	simm.s32 $0x1B8E;
	s24 =	sld [smem:$0x3FFE];
	[sflag:s23] =	ssyncadd.s32 $0xFFFFFFFF  }
0xa5: {  	s26 =	simm.s32 $execute0_lowered;
	[smem:$0x3FD2] =	sst s25  }
0xa6: {  	s4 =	sshll.u32 s26, $0x1;
	_ =	strace $0x80000049;
	[dreg:$0x1] =	wrdreg $0xFFFFFFFF  }
0xa7: {  	s28 =	simm.s32 $_size_execute0_lowered;
	s2 =	sadd.s32 s2, s4;
	[dreg:$0x0] =	wrdreg $0x0  }
0xa8: {  	s4 =	sshll.u32 s28, $0x1;
	[dreg:$0x2] =	wrdreg s2  }
0xa9: {  	[dreg:$0x3] =	wrdreg s4  }
0xaa: {  	[dreg:$0x4] =	wrdreg $0xC0  }
0xab: {  	_ =	task [dreg:s6], $0x5FFFF  }
0xac: {  	[dreg:$0x1] =	wrdreg $0xFFFFFFFF  }
0xad: {  	[dreg:$0x0] =	wrdreg $0x60  }
0xae: {  	[dreg:$0x2] =	wrdreg s24  }
0xaf: {  	[dreg:$0x3] =	wrdreg $0x42000  }
0xb0: {  	[dreg:$0x4] =	wrdreg $0x9  }
0xb1: {  	_ =	task.clear_ibuf [dreg:s6], $0x5FFFF;
	_ =	strace $0x90000049  }
0xb2: {  	s29 =	simm.s32 $0x9;
	_ =	strace $0x8000004B  }
0xb3: {  	_ =	swait.ge [sflag:s29], $0x1  }
0xb4: {  	[sflag:s29] =	ssyncadd.s32 $0xFFFFFFFF  }
0xb5: {  	_ =	strace $0x9000004B  }
0xb6: {  	_ =	sfence  }
0xb7: {  	s30 =	sld [smem:$0x0];
	_ =	sdelay $0x2  }
0xb8: {  	s31 =	sshll.u32 s1, $0xD;
	s1 =	sshrl.u32 s1, $0x2  }
0xb9: {  	s3 =	sand.u32 $0x4000, s31;
	s1 =	sadd.s32 s1, s30  }
0xba: {  	s0 =	sor.u32 s3, s0;
	s1 =	sshll.u32 s1, $0x11  }
0xbb: {  	s0 =	sor.u32 s1, s0  }
0xbc: {  	s0 =	sadd.s32 $0x8F2B, s0  }
0xbd: {  	[sflag:s0] =	ssyncadd.remote.s32 $0x1  }
0xbe: {  	_ =	sfence.sel $0xFFFF  }
0xbf: {  	[dreg:$0x0] =	wrdreg $0xFFFFFFFF;
	(pc) =	sbr.abs _section_cstart, $3  }
0xc0: {  	[dreg:$0x1] =	wrdreg $0xFFFFFFFF  }
0xc1: {  	_ =	task.clear_ibuf [dreg:s6], $0x2FFFF;
	_ =	strace $0x9FFFFFFF  }
0xc2: {  	(tm) =	ssettm $0x7FFFFFFF  }
0xc3: {  	_ =	shalt  }
tec
execute0_lowered:
.L_overlay_start_1:
0x0: {  	(tag) =	ssettag $0x1  }
0x1: {  	s0 =	rddreg [dreg:$0x0]  }
0x2: {  	s2 =	rddreg [dreg:$0x1]  }
0x3: {  	s3 =	srdreg.scid;
	s1 =	stileid.u32  }
0x4: {  	s10 =	simm.s32 $0x80;
	s11 =	simm.s32 $0x2A00;
	s12 =	simm.s32 $0x100  }
0x5: {  	s13 =	simm.s32 $0x3200;
	s14 =	simm.s32 $0x200;
	s15 =	simm.s32 $0x3A00  }
0x6: {  	s18 =	simm.s32 $0x1;
	s19 =	simm.s32 $0x2;
	s20 =	simm.s32 $0x180  }
0x7: {  	s21 =	simm.s32 $0x4;
	s22 =	simm.s32 $0x300;
	s23 =	simm.s32 $0x3  }
0x8: {  	s24 =	simm.s32 $0x280;
	s25 =	simm.s32 $0x5;
	s28 =	simm.s32 $0x6  }
0x9: {  	s29 =	simm.s32 $0x2980;
	s30 =	simm.s32 $0x0;
	s5 =	sand.u32 $0x1, s3  }
0xa: {  	s4 =	sshll.u32 s1, $0x1;
	s7 =	smul.u32 $0x2800, s1;
	s3 =	simm.s32 $0x0  }
0xb: {  	s31 =	sshll.u32 s1, $0x6;
	s4 =	sor.u32 s5, s4;
	s6 =	smul.u32 $0x28000, s5  }
0xc: {  	[smem:$0x7FF] =	sst s3;
	s9 =	ssub.s32 $0x2, s5;
	s5 =	sadd.s32 $0x18800, s0  }
0xd: {  	s16 =	sor.u32 $0x1C07, s31;
	s8 =	smul.u32 $0x540, s4;
	_ =	strace $0x8000004A  }
.Ltmp0:
0xe: {  	s4 =	sadd.s32 $0x9000, s0;
	s26 =	sshrl.u32 s9, $0x1;
	(pc) =	sbr.rel .LBB2_1-.Ltmp0, $4  }
0xf: {  	s17 =	sadd.s32 s7, s2;
	s6 =	sadd.s32 s7, s6;
	s9 =	ssub.s32 s9, s26  }
0x10: {  	s17 =	sshrl.u32 s17, $0x3;
	s8 =	sadd.s32 s8, s0;
	s6 =	sshrl.u32 s6, $0x3  }
0x11: {  	s26 =	simm.s32 $0x400;
	s0 =	sadd.s32 s6, s0;
	s6 =	sadd.s32 $0xE000, s8  }
0x12: {  	s8 =	smax.u32 s9, $0x1;
	s9 =	simm.s32 $0x7;
	s7 =	sadd.s32 $0x18E00, s0  }
.LBB2_4:
0x13: {  	_ =	swait.ge [sflag:s23], $0x800  }
0x14: {  	[sflag:s23] =	ssyncset.done $0x0  }
0x15: {  	[sflag:s23] =	ssyncadd.s32 $0xFFFFF800  }
0x16: {  	[spmem:s2] =	stream.indirect.scatter.add.f32 [tilespmem:s15], [sflag:$0x6], $0x10, s29, s10, $0xb8;
	[tilespmem:$0x6A00] =	vst v63  }
0x17: {  	_ =	swait.ge [sflag:s21], $0x800  }
0x18: {  	[sflag:s21] =	ssyncset.done $0x0  }
0x19: {  	[sflag:s21] =	ssyncadd.s32 $0xFFFFF800  }
0x1a: {  	_ =	swait.ge [sflag:s25], $0x800  }
0x1b: {  	[sflag:s25] =	ssyncset.done $0x0  }
0x1c: {  	[sflag:s25] =	ssyncadd.s32 $0xFFFFF800  }
0x1d: {  	_ =	swait.ge [sflag:s28], $0x800  }
0x1e: {  	s30 =	sadd.s32 $0x1, s30;
	[sflag:s28] =	ssyncset.done $0x0  }
0x1f: {  	p0 =	sne.s32 s30, s8;
	[sflag:s28] =	ssyncadd.s32 $0xFFFFF800  }
.Ltmp1:
0x20: {  	[bflag:$0x0] =	sbarrier.arrive $0xFFFF;
	(pc) =	sbr.rel @!p0 .LBB2_5-.Ltmp1, $4  }
0x21: {  	[hbm:s7], [sflag:s16] =	dma.local [spmem:s17], $0x500  }
0x22: {  	_ =	swait.ge [sflag:s9], $0x500  }
0x23: {  	[sflag:s9] =	ssyncset.done $0x0  }
0x24: {  	[sflag:s9] =	ssyncadd.s32 $0xFFFFFB00  }
.LBB2_1:
0x25: {  	[tilespmem:s3], [sflag:$0x7] =	stream.linear.gather [hbm4b:s6+s3], $0x2A00, $0x38;
	[tilespmem:$0x6A00] =	vst v63  }
0x26: {  	_ =	swait.ge [sflag:s9], $0x2A00  }
0x27: {  	[sflag:s9] =	ssyncset.done $0x0  }
0x28: {  	[sflag:s9] =	ssyncadd.s32 $0xFFFFD600  }
0x29: {  	[tilespmem:s11], [sflag:$0x1] =	stream.indirect.gather [hbm4b:s4+s10], $0x10, s3, s10, $0xb8;
	[tilespmem:$0x6A00] =	vst v63  }
0x2a: {  	_ = 	snop  }
0x2b: {  	[tilespmem:s13], [sflag:$0x2] =	stream.indirect.gather [hbm4b:s4+s10], $0x10, s12, s10, $0xb8;
	[tilespmem:$0x6A00] =	vst v63  }
0x2c: {  	_ = 	snop  }
0x2d: {  	[tilespmem:s15], [sflag:$0x3] =	stream.indirect.gather [hbm4b:s4+s10], $0x10, s14, s10, $0xb8;
	[tilespmem:$0x6A00] =	vst v63  }
0x2e: {  	[spmem:s17], [sflag:s16] =	dma.local [hbm:s5], $0x500  }
0x2f: {  	_ =	swait.ge [sflag:s9], $0x500  }
0x30: {  	[sflag:s9] =	ssyncset.done $0x0  }
0x31: {  	[sflag:s9] =	ssyncadd.s32 $0xFFFFFB00  }
0x32: {  	[bflag:$0x0] =	sbarrier.arrive $0xFFFF  }
0x33: {  	_ =	swait.ge [sflag:s18], $0x800  }
0x34: {  	[sflag:s18] =	ssyncset.done $0x0  }
0x35: {  	[sflag:s18] =	ssyncadd.s32 $0xFFFFF800  }
0x36: {  	[spmem:s2] =	stream.indirect.scatter.add.f32 [tilespmem:s11], [sflag:$0x4], $0x10, s10, s10, $0xb8;
	[tilespmem:$0x6A00] =	vst v63  }
0x37: {  	_ =	swait.ge [sflag:s19], $0x800  }
0x38: {  	[sflag:s19] =	ssyncset.done $0x0  }
0x39: {  	[sflag:s19] =	ssyncadd.s32 $0xFFFFF800  }
0x3a: {  	[spmem:s2] =	stream.indirect.scatter.add.f32 [tilespmem:s13], [sflag:$0x5], $0x10, s20, s10, $0xb8;
	[tilespmem:$0x6A00] =	vst v63  }
0x3b: {  	_ =	swait.ge [sflag:s21], $0x800  }
0x3c: {  	[sflag:s21] =	ssyncset.done $0x0  }
0x3d: {  	[sflag:s21] =	ssyncadd.s32 $0xFFFFF800  }
0x3e: {  	[tilespmem:s11], [sflag:$0x1] =	stream.indirect.gather [hbm4b:s4+s10], $0x10, s22, s10, $0xb8;
	[tilespmem:$0x6A00] =	vst v63  }
0x3f: {  	_ =	swait.ge [sflag:s23], $0x800  }
0x40: {  	[sflag:s23] =	ssyncset.done $0x0  }
0x41: {  	[sflag:s23] =	ssyncadd.s32 $0xFFFFF800  }
0x42: {  	[spmem:s2] =	stream.indirect.scatter.add.f32 [tilespmem:s15], [sflag:$0x6], $0x10, s24, s10, $0xb8;
	[tilespmem:$0x6A00] =	vst v63  }
0x43: {  	_ =	swait.ge [sflag:s25], $0x800  }
0x44: {  	[sflag:s25] =	ssyncset.done $0x0  }
0x45: {  	s31 =	simm.s32 $0x0;
	[sflag:s25] =	ssyncadd.s32 $0xFFFFF800  }
0x46: {  	[tilespmem:s13], [sflag:$0x2] =	stream.indirect.gather [hbm4b:s4+s10], $0x10, s26, s10, $0xb8;
	[tilespmem:$0x6A00] =	vst v63  }
.LBB2_2:
0x47: {  	_ =	swait.ge [sflag:s18], $0x800  }
0x48: {  	s0 =	sshra.s32 s31, $0x2;
	[sflag:s18] =	ssyncset.done $0x0  }
0x49: {  	s1 =	sadd.s32 $0x380, s0;
	[sflag:s18] =	ssyncadd.s32 $0xFFFFF800  }
0x4a: {  	[spmem:s2] =	stream.indirect.scatter.add.f32 [tilespmem:s11], [sflag:$0x4], $0x10, s1, s10, $0xb8;
	[tilespmem:$0x6A00] =	vst v63  }
0x4b: {  	_ =	swait.ge [sflag:s28], $0x800  }
0x4c: {  	[sflag:s28] =	ssyncset.done $0x0  }
0x4d: {  	p0 =	seq.s32 s31, $0x9000;
	s1 =	sadd.s32 $0x500, s0;
	[sflag:s28] =	ssyncadd.s32 $0xFFFFF800  }
0x4e: {  	[tilespmem:s15], [sflag:$0x3] =	stream.indirect.gather [hbm4b:s4+s10], $0x10, s1, s10, $0xb8;
	[tilespmem:$0x6A00] =	vst v63  }
.Ltmp2:
0x4f: {  	_ = 	snop;
	(pc) =	sbr.rel @p0 .LBB2_4-.Ltmp2, $4  }
0x50: {  	_ =	swait.ge [sflag:s19], $0x800  }
0x51: {  	[sflag:s19] =	ssyncset.done $0x0  }
0x52: {  	s1 =	sadd.s32 $0x480, s0;
	[sflag:s19] =	ssyncadd.s32 $0xFFFFF800  }
0x53: {  	[spmem:s2] =	stream.indirect.scatter.add.f32 [tilespmem:s13], [sflag:$0x5], $0x10, s1, s10, $0xb8;
	[tilespmem:$0x6A00] =	vst v63  }
0x54: {  	_ =	swait.ge [sflag:s21], $0x800  }
0x55: {  	[sflag:s21] =	ssyncset.done $0x0  }
0x56: {  	s1 =	sadd.s32 $0x600, s0;
	[sflag:s21] =	ssyncadd.s32 $0xFFFFF800  }
0x57: {  	[tilespmem:s11], [sflag:$0x1] =	stream.indirect.gather [hbm4b:s4+s10], $0x10, s1, s10, $0xb8;
	[tilespmem:$0x6A00] =	vst v63  }
0x58: {  	_ =	swait.ge [sflag:s23], $0x800  }
0x59: {  	[sflag:s23] =	ssyncset.done $0x0  }
0x5a: {  	s1 =	sadd.s32 $0x580, s0;
	[sflag:s23] =	ssyncadd.s32 $0xFFFFF800  }
0x5b: {  	[spmem:s2] =	stream.indirect.scatter.add.f32 [tilespmem:s15], [sflag:$0x6], $0x10, s1, s10, $0xb8;
	[tilespmem:$0x6A00] =	vst v63  }
.Ltmp3:
0x5c: {  	_ = 	snop;
	(pc) =	sbr.rel .LBB2_2-.Ltmp3, $4  }
0x5d: {  	_ =	swait.ge [sflag:s25], $0x800  }
0x5e: {  	[sflag:s25] =	ssyncset.done $0x0  }
0x5f: {  	s31 =	sadd.s32 $0xC00, s31;
	s1 =	sadd.s32 $0x700, s0;
	[sflag:s25] =	ssyncadd.s32 $0xFFFFF800  }
0x60: {  	[tilespmem:s13], [sflag:$0x2] =	stream.indirect.gather [hbm4b:s4+s10], $0x10, s1, s10, $0xb8;
	[tilespmem:$0x6A00] =	vst v63  }
.LBB2_5:
0x61: {  	_ =	sfence.sel $0x180000  }
0x62: {  	[bflag:$0x0] =	sbarrier.arrive $0xFFFF  }
0x63: {  	_ =	strace $0x9000004A  }
0x64: {  	s0 =	stileid.u32;
	[bflag:$0x2] =	sbarrier.arrive $0xFFFF  }
0x65: {  	p0 =	sne.s32 s0, $0x0;
	s0 =	rddreg [dreg:$0x2]  }
0x66: {  	s0 =	sadd.s32 @!p0 $0x100000, s0  }
0x67: {  	[sflag:s0] =	ssyncadd.tile.s32 @!p0 $0x1;
	_ =	shalt  }
.Lfunc_end2:
_tile_overlayer_lowered:
.L_overlay_start_2:
0x68: {  	(tag) =	ssettag $0x2  }
0x69: {  	s0 =	rddreg [dreg:$0x0];
	s2 =	stileid.u32  }
0x6a: {  	s1 =	rddreg [dreg:$0x1];
	p0 =	sne.s32 s2, $0x0  }
0x6b: {  	s3 =	rddreg [dreg:$0x2];
	[bflag:$0x3] =	sbarrier.arrive $0xFFFF;
	s2 =	simm.s32 @!p0 $0x1C07  }
0x6c: {  	[timem:s3], [sflag:s2] =	dma.local @!p0 [hbm:s0], s1  }
0x6d: {  	s0 =	simm.s32 @!p0 $0x7  }
0x6e: {  	_ =	swait.ge @!p0 [sflag:s0], s1  }
0x6f: {  	s1 =	ssub.s32 @!p0 $0x0, s1;
	[sflag:s0] =	ssyncset.done @!p0 $0x0  }
0x70: {  	[sflag:s0] =	ssyncadd.s32 @!p0 s1  }
0x71: {  	[bflag:$0x3] =	sbarrier.arrive $0xFFFF  }
0x72: {  	_ =	shalt  }

// kernel: closed_call.28.cloned.1.call-start
scs
__scs_entry_jumppad:
0x0: {  	(pc) =	sbr.rel $0x88, $3  }
0x1: {  	(tag) =	ssettag $0x0;
	lr =	simm.s32 $0x1  }
0x2: {  	[smem:$0x3F93] =	sst lr;
	_ =	strace $0xD0000000  }
0x3: {  	_ = 	snop  }
0x4: {  	_ = 	snop  }
0x5: {  	_ = 	snop  }
0x6: {  	_ = 	snop  }
0x7: {  	_ = 	snop  }
__scs_overlays_trampoline_lowered:
0x8: {  	[smem:$0x3FA2] =	sst s0  }
0x9: {  	[smem:$0x3FA3] =	sst s1  }
0xa: {  	[smem:$0x3FA4] =	sst s2  }
0xb: {  	[smem:$0x3FA5] =	sst s3  }
0xc: {  	[smem:$0x3FA6] =	sst s4  }
0xd: {  	[smem:$0x3FA7] =	sst s5  }
0xe: {  	[smem:$0x3FA8] =	sst s6  }
0xf: {  	[smem:$0x3FA9] =	sst s7  }
0x10: {  	[smem:$0x3FAA] =	sst s8  }
0x11: {  	[smem:$0x3FAB] =	sst s9;
	s0 =	simm.s32 @!p0 $0x0  }
0x12: {  	s1 =	sld [smem:$0x3F91];
	s0 =	simm.s32 @p0 $0x1  }
0x13: {  	[smem:$0x3FAC] =	sst s0;
	s0 =	simm.s32 @!p1 $0x0  }
0x14: {  	s2 =	sld [smem:$0x3F90];
	s0 =	simm.s32 @p1 $0x1  }
0x15: {  	[smem:$0x3FAD] =	sst s0;
	s0 =	simm.s32 @!p2 $0x0  }
0x16: {  	s3 =	sld [smem:$0x3FDB];
	s0 =	simm.s32 @p2 $0x1  }
0x17: {  	s4 =	simm.s32 $0x1BF5;
	[smem:$0x3FAF] =	sst s0  }
0x18: {  	s0 =	sld [smem:$0x3F92];
	_ =	swait.ge [sflag:s4], $0x0  }
0x19: {  	s7 =	sld [smem:$0x3F93]  }
0x1a: {  	s8 =	sadd.s32 $0xFFFFE003, lr  }
0x1b: {  	s9 =	sadd.s32 $0xFFFFFEF7, lr;
	s5 =	simm.s32 $0xFFFFFFFF;
	p2 =	slt.u32 s8, $0xFFFFF086  }
0x1c: {  	p1 =	slt.u32 s9, $0xF7A;
	s5 =	simm.s32 @!p2 $0x0  }
0x1d: {  	s5 =	simm.s32 @p1 $0x1;
	p0 =	seq.s32 s7, s2  }
0x1e: {  	s7 =	smul.u32 @!p0 $0xF7A, s2;
	p2 =	seq.s32 @!p0 s5, $0x0  }
0x1f: {  	s9 =	smul.u32 $0xF7A, s1;
	s8 =	simm.s32 @!p0 $0x1BF5;
	p2 =	por !p2, p0  }
0x20: {  	[sflag:s8] =	ssyncset.s32 @!p0 $0xFFFFF086;
	s6 =	sadd.s32 @!p0 s3, s7;
	s7 =	simm.s32 @!p0 $0x108  }
0x21: {  	s3 =	sadd.s32 s3, s9;
	s6 =	sadd.s32 @!p0 $0x88, s6;
	s7 =	simm.s32 @p2 $0x1082  }
0x22: {  	[simem:s7], [sflag:s8] =	dma.local @!p0 [hbm:s6], $0xF7A  }
0x23: {  	s9 =	sor.u32 $0xD0000000, s2;
	s6 =	simm.s32 $0x108;
	_ =	swait.ge @!p0 [sflag:s8], $0x0  }
0x24: {  	s3 =	sadd.s32 $0x88, s3;
	s6 =	simm.s32 @!p1 $0x1082;
	[sflag:s4] =	ssyncset.s32 $0xFFFFF086  }
0x25: {  	[simem:s6], [sflag:s4] =	dma.local [hbm:s3], $0xF7A  }
0x26: {  	[smem:$0x3F93] =	sst s1;
	(tag) =	ssettag s2;
	_ =	strace s9  }
0x27: {  	s1 =	sld [smem:$0x3FA3]  }
0x28: {  	s2 =	sld [smem:$0x3FA4]  }
0x29: {  	s4 =	sld [smem:$0x3FA6]  }
0x2a: {  	p0 =	seq.s32 s5, $0x0;
	s5 =	sld [smem:$0x3FA7]  }
0x2b: {  	s6 =	sld [smem:$0x3FA8]  }
0x2c: {  	s7 =	sld [smem:$0x3FA9]  }
0x2d: {  	s3 =	simm.s32 $0x108;
	s8 =	sld [smem:$0x3FAA]  }
0x2e: {  	s3 =	simm.s32 @!p0 $0x1082;
	s9 =	sld [smem:$0x3FAB]  }
0x2f: {  	lr =	sadd.s32 s0, s3;
	s0 =	sld [smem:$0x3FA2]  }
0x30: {  	s3 =	sld [smem:$0x3FA5]  }
0x31: {  	[smem:$0x3FAE] =	sst s10  }
0x32: {  	s10 =	sld [smem:$0x3FAC];
	_ =	sdelay $0x3  }
0x33: {  	p0 =	seq.s32 s10, $0x1;
	s10 =	sld [smem:$0x3FAE];
	_ =	sdelay $0x3  }
0x34: {  	[smem:$0x3FAE] =	sst s10  }
0x35: {  	s10 =	sld [smem:$0x3FAD];
	_ =	sdelay $0x3  }
0x36: {  	p1 =	seq.s32 s10, $0x1;
	s10 =	sld [smem:$0x3FAE];
	_ =	sdelay $0x3  }
0x37: {  	[smem:$0x3FAE] =	sst s10  }
0x38: {  	s10 =	sld [smem:$0x3FAF]  }
0x39: {  	_ = 	snop;
	(pc) =	sbr.ind lr, $3  }
0x3a: {  	_ = 	snop  }
0x3b: {  	_ = 	snop  }
0x3c: {  	p2 =	seq.s32 s10, $0x1;
	s10 =	sld [smem:$0x3FAE]  }
0x3d: {  	_ =	shalt  }
0x3e: {  	_ =	shalt  }
0x3f: {  	_ =	shalt  }
0x40: {  	_ =	shalt  }
0x41: {  	_ =	shalt  }
0x42: {  	_ =	shalt  }
0x43: {  	_ =	shalt  }
0x44: {  	_ =	shalt  }
0x45: {  	_ =	shalt  }
0x46: {  	_ =	shalt  }
0x47: {  	_ =	shalt  }
0x48: {  	_ =	shalt  }
0x49: {  	_ =	shalt  }
0x4a: {  	_ =	shalt  }
0x4b: {  	_ =	shalt  }
0x4c: {  	_ =	shalt  }
0x4d: {  	_ =	shalt  }
0x4e: {  	_ =	shalt  }
0x4f: {  	_ =	shalt  }
0x50: {  	_ =	shalt  }
0x51: {  	_ =	shalt  }
0x52: {  	_ =	shalt  }
0x53: {  	_ =	shalt  }
0x54: {  	_ =	shalt  }
0x55: {  	_ =	shalt  }
0x56: {  	_ =	shalt  }
0x57: {  	_ =	shalt  }
0x58: {  	_ =	shalt  }
0x59: {  	_ =	shalt  }
0x5a: {  	_ =	shalt  }
0x5b: {  	_ =	shalt  }
0x5c: {  	_ =	shalt  }
0x5d: {  	_ =	shalt  }
0x5e: {  	_ =	shalt  }
0x5f: {  	_ =	shalt  }
0x60: {  	_ =	shalt  }
0x61: {  	_ =	shalt  }
0x62: {  	_ =	shalt  }
0x63: {  	_ =	shalt  }
0x64: {  	_ =	shalt  }
0x65: {  	_ =	shalt  }
0x66: {  	_ =	shalt  }
0x67: {  	_ =	shalt  }
0x68: {  	_ =	shalt  }
0x69: {  	_ =	shalt  }
0x6a: {  	_ =	shalt  }
0x6b: {  	_ =	shalt  }
0x6c: {  	_ =	shalt  }
0x6d: {  	_ =	shalt  }
0x6e: {  	_ =	shalt  }
0x6f: {  	_ =	shalt  }
0x70: {  	_ =	shalt  }
0x71: {  	_ =	shalt  }
0x72: {  	_ =	shalt  }
0x73: {  	_ =	shalt  }
0x74: {  	_ =	shalt  }
0x75: {  	_ =	shalt  }
0x76: {  	_ =	shalt  }
0x77: {  	_ =	shalt  }
0x78: {  	_ =	shalt  }
0x79: {  	_ =	shalt  }
0x7a: {  	_ =	shalt  }
0x7b: {  	_ =	shalt  }
0x7c: {  	_ =	shalt  }
0x7d: {  	_ =	shalt  }
0x7e: {  	_ =	shalt  }
0x7f: {  	_ =	shalt  }
0x80: {  	_ =	shalt  }
0x81: {  	_ =	shalt  }
0x82: {  	_ =	shalt  }
0x83: {  	_ =	shalt  }
0x84: {  	_ =	shalt  }
0x85: {  	_ =	shalt  }
0x86: {  	_ =	shalt  }
0x87: {  	_ =	shalt  }
.Lfunc_end0:
.L_simem_size_0:
called_computation.1_lowered:
.L_overlay_start_0:
0x88: {  	s2 =	sld [smem:$0x3FD9]  }
0x89: {  	s3 =	sld [smem:$0x3FFE];
	_ =	sdelay $0x1  }
0x8a: {  	s1 =	srdreg.scid  }
0x8b: {  	s0 =	sand.u32 $0x1, s1  }
0x8c: {  	s16 =	sshll.u32 s0, $0xA;
	s2 =	sadd.s32 s3, s2  }
0x8d: {  	s2 =	sadd.s32 s2, s16  }
0x8e: {  	[smem:$0x3FBA] =	sst s2  }
0x8f: {  	_ = 	snop  }
0x90: {  	(tm) =	ssettm $0x1  }
0x91: {  	s17 =	sld [smem:$0x3FFB];
	_ =	sdelay $0x3  }
0x92: {  	_ =	strace s17  }
0x93: {  	s2 =	sld [smem:$0x3FFC];
	_ =	sdelay $0x3  }
0x94: {  	_ =	strace s2  }
0x95: {  	s2 =	sld [smem:$0x3FFD];
	_ =	sdelay $0x3  }
0x96: {  	_ =	strace s2  }
0x97: {  	_ =	strace $0x8FFFFFFF  }
0x98: {  	s18 =	sld [smem:$0x3FDB];
	_ =	sdelay $0x1  }
0x99: {  	s19 =	simm.s32 $_scs_section_size  }
0x9a: {  	s4 =	simm.s32 $_size__tile_overlayer_lowered;
	s5 =	simm.s32 $_tile_overlayer_lowered  }
0x9b: {  	s22 =	simm.s32 $0x1BFF;
	s21 =	sshll.u32 s5, $0x1;
	s2 =	sadd.s32 s19, s18  }
0x9c: {  	s6 =	simm.s32 $0x0;
	s20 =	sshll.u32 s4, $0x1;
	s4 =	sadd.s32 s21, s2  }
0x9d: {  	[timem:s6], [sflag:s22] =	dma.local [hbm:s4], s20  }
0x9e: {  	_ =	swait.ge [sflag:s22], s20  }
0x9f: {  	s3 =	ssub.s32 $0x0, s20;
	[sflag:s22] =	ssyncset.done $0x0  }
0xa0: {  	[sflag:s22] =	ssyncadd.s32 s3;
	_ =	sdelay $0x1  }
0xa1: {  	s23 =	simm.s32 $0x1B8B  }
0xa2: {  	_ =	swait.ge [sflag:s23], $0x1  }
0xa3: {  	[sflag:s23] =	ssyncset.done $0x0  }
0xa4: {  	s25 =	simm.s32 $0x1B8E;
	s24 =	sld [smem:$0x3FFE];
	[sflag:s23] =	ssyncadd.s32 $0xFFFFFFFF  }
0xa5: {  	s26 =	simm.s32 $execute0_lowered;
	[smem:$0x3FD2] =	sst s25  }
0xa6: {  	s4 =	sshll.u32 s26, $0x1;
	_ =	strace $0x8000004C;
	[dreg:$0x1] =	wrdreg $0xFFFFFFFF  }
0xa7: {  	s28 =	simm.s32 $_size_execute0_lowered;
	s2 =	sadd.s32 s2, s4;
	[dreg:$0x0] =	wrdreg $0x0  }
0xa8: {  	s4 =	sshll.u32 s28, $0x1;
	[dreg:$0x2] =	wrdreg s2  }
0xa9: {  	[dreg:$0x3] =	wrdreg s4  }
0xaa: {  	[dreg:$0x4] =	wrdreg $0xC0  }
0xab: {  	_ =	task [dreg:s6], $0x5FFFF  }
0xac: {  	[dreg:$0x1] =	wrdreg $0xFFFFFFFF  }
0xad: {  	[dreg:$0x0] =	wrdreg $0x60  }
0xae: {  	[dreg:$0x2] =	wrdreg s24  }
0xaf: {  	[dreg:$0x3] =	wrdreg $0xB4000  }
0xb0: {  	[dreg:$0x4] =	wrdreg $0x9  }
0xb1: {  	_ =	task.clear_ibuf [dreg:s6], $0x5FFFF;
	_ =	strace $0x9000004C  }
0xb2: {  	s29 =	simm.s32 $0x9;
	_ =	strace $0x8000004E  }
0xb3: {  	_ =	swait.ge [sflag:s29], $0x1  }
0xb4: {  	[sflag:s29] =	ssyncadd.s32 $0xFFFFFFFF  }
0xb5: {  	_ =	strace $0x9000004E  }
0xb6: {  	_ =	sfence  }
0xb7: {  	s30 =	sld [smem:$0x0];
	_ =	sdelay $0x2  }
0xb8: {  	s31 =	sshll.u32 s1, $0xD;
	s1 =	sshrl.u32 s1, $0x2  }
0xb9: {  	s3 =	sand.u32 $0x4000, s31;
	s1 =	sadd.s32 s1, s30  }
0xba: {  	s0 =	sor.u32 s3, s0;
	s1 =	sshll.u32 s1, $0x11  }
0xbb: {  	s0 =	sor.u32 s1, s0  }
0xbc: {  	s0 =	sadd.s32 $0x8F2B, s0  }
0xbd: {  	[sflag:s0] =	ssyncadd.remote.s32 $0x1  }
0xbe: {  	_ =	sfence.sel $0xFFFF  }
0xbf: {  	[dreg:$0x0] =	wrdreg $0xFFFFFFFF;
	(pc) =	sbr.abs _section_cstart, $3  }
0xc0: {  	[dreg:$0x1] =	wrdreg $0xFFFFFFFF  }
0xc1: {  	_ =	task.clear_ibuf [dreg:s6], $0x2FFFF;
	_ =	strace $0x9FFFFFFF  }
0xc2: {  	(tm) =	ssettm $0x7FFFFFFF  }
0xc3: {  	_ =	shalt  }
tec
execute0_lowered:
.L_overlay_start_1:
0x0: {  	(tag) =	ssettag $0x1  }
0x1: {  	s0 =	srdreg.scid  }
0x2: {  	s12 =	stileid.u32;
	s6 =	rddreg [dreg:$0x0]  }
0x3: {  	s2 =	rddreg [dreg:$0x1];
	s3 =	simm.s32 $0x0;
	s10 =	simm.s32 $0x40  }
0x4: {  	s11 =	simm.s32 $0x5400;
	s13 =	simm.s32 $0x7400;
	s14 =	simm.s32 $0x200  }
0x5: {  	s15 =	simm.s32 $0x9400;
	s18 =	simm.s32 $0x1;
	s19 =	simm.s32 $0x80  }
0x6: {  	s20 =	simm.s32 $0x2;
	s21 =	simm.s32 $0x180;
	s22 =	simm.s32 $0x4  }
0x7: {  	s23 =	simm.s32 $0x300;
	s24 =	simm.s32 $0x3;
	s28 =	simm.s32 $0x400  }
0x8: {  	s29 =	simm.s32 $0x6;
	s30 =	simm.s32 $0x5380;
	s31 =	simm.s32 $0x0  }
0x9: {  	s0 =	sand.u32 $0x1, s0;
	s1 =	sshll.u32 s12, $0x1;
	s7 =	smul.u32 $0x14000, s12  }
0xa: {  	[smem:$0x7FF] =	sst s3;
	s4 =	sadd.s32 $0x88200, s6;
	s8 =	smul.u32 $0x50000, s12  }
0xb: {  	s26 =	sshll.u32 s12, $0x6;
	s1 =	sor.u32 s0, s1;
	s5 =	smul.u32 $0x140000, s0  }
0xc: {  	_ =	strace $0x8000004D;
	s0 =	ssub.s32 $0x2, s0;
	s16 =	sor.u32 $0x1C07, s26  }
0xd: {  	s26 =	simm.s32 $0x5;
	s1 =	smul.u32 $0xA80, s1;
	s9 =	sshrl.u32 s0, $0x1  }
.Ltmp0:
0xe: {  	s8 =	sshrl.u32 s8, $0x2;
	s7 =	sadd.s32 s7, s5;
	(pc) =	sbr.rel .LBB2_1-.Ltmp0, $4  }
0xf: {  	s5 =	sadd.s32 $0x9000, s6;
	s0 =	ssub.s32 s0, s9;
	s25 =	sadd.s32 s8, s2  }
0x10: {  	s9 =	simm.s32 $0x7;
	s1 =	sadd.s32 s1, s6;
	s7 =	sshrl.u32 s7, $0x3  }
0x11: {  	s8 =	smax.u32 s0, $0x1;
	s17 =	sshrl.u32 s25, $0x3;
	s7 =	sadd.s32 s7, s6  }
0x12: {  	s25 =	simm.s32 $0x280;
	s6 =	sadd.s32 $0x73200, s1;
	s7 =	sadd.s32 $0xB0200, s7  }
.LBB2_4:
0x13: {  	_ =	swait.ge [sflag:s24], $0x2000  }
0x14: {  	[sflag:s24] =	ssyncset.done $0x0  }
0x15: {  	[sflag:s24] =	ssyncadd.s32 $0xFFFFE000  }
0x16: {  	[spmem:s2] =	stream.indirect.scatter.add.f32 [tilespmem:s15], [sflag:$0x6], $0x80, s30, s10, $0xb8;
	[tilespmem:$0x1F400] =	vst v63  }
0x17: {  	_ =	swait.ge [sflag:s22], $0x2000  }
0x18: {  	[sflag:s22] =	ssyncset.done $0x0  }
0x19: {  	[sflag:s22] =	ssyncadd.s32 $0xFFFFE000  }
0x1a: {  	_ =	swait.ge [sflag:s26], $0x2000  }
0x1b: {  	[sflag:s26] =	ssyncset.done $0x0  }
0x1c: {  	[sflag:s26] =	ssyncadd.s32 $0xFFFFE000  }
0x1d: {  	_ =	swait.ge [sflag:s29], $0x2000  }
0x1e: {  	s31 =	sadd.s32 $0x1, s31;
	[sflag:s29] =	ssyncset.done $0x0  }
0x1f: {  	p0 =	sne.s32 s31, s8;
	[sflag:s29] =	ssyncadd.s32 $0xFFFFE000  }
.Ltmp1:
0x20: {  	[bflag:$0x0] =	sbarrier.arrive $0xFFFF;
	(pc) =	sbr.rel @!p0 .LBB2_5-.Ltmp1, $4  }
0x21: {  	[hbm:s7], [sflag:s16] =	dma.local [spmem:s17], $0x2800  }
0x22: {  	_ =	swait.ge [sflag:s9], $0x2800  }
0x23: {  	[sflag:s9] =	ssyncset.done $0x0  }
0x24: {  	[sflag:s9] =	ssyncadd.s32 $0xFFFFD800  }
.LBB2_1:
0x25: {  	[tilespmem:s3], [sflag:$0x7] =	stream.linear.gather [hbm4b:s6+s3], $0x5400, $0x38;
	[tilespmem:$0x1F400] =	vst v63  }
0x26: {  	_ =	swait.ge [sflag:s9], $0x5400  }
0x27: {  	[sflag:s9] =	ssyncset.done $0x0  }
0x28: {  	[sflag:s9] =	ssyncadd.s32 $0xFFFFAC00  }
0x29: {  	[tilespmem:s11], [sflag:$0x1] =	stream.indirect.gather [hbm4b:s4+s10], $0x80, s3, s10, $0xb8;
	[tilespmem:$0x1F400] =	vst v63  }
0x2a: {  	s0 =	simm.s32 $0x100  }
0x2b: {  	[tilespmem:s13], [sflag:$0x2] =	stream.indirect.gather [hbm4b:s4+s10], $0x80, s0, s10, $0xb8;
	[tilespmem:$0x1F400] =	vst v63  }
0x2c: {  	_ = 	snop  }
0x2d: {  	[tilespmem:s15], [sflag:$0x3] =	stream.indirect.gather [hbm4b:s4+s10], $0x80, s14, s10, $0xb8;
	[tilespmem:$0x1F400] =	vst v63  }
0x2e: {  	[spmem:s17], [sflag:s16] =	dma.local [hbm:s5], $0x2800  }
0x2f: {  	_ =	swait.ge [sflag:s9], $0x2800  }
0x30: {  	[sflag:s9] =	ssyncset.done $0x0  }
0x31: {  	[sflag:s9] =	ssyncadd.s32 $0xFFFFD800  }
0x32: {  	[bflag:$0x0] =	sbarrier.arrive $0xFFFF  }
0x33: {  	_ =	swait.ge [sflag:s18], $0x2000  }
0x34: {  	[sflag:s18] =	ssyncset.done $0x0  }
0x35: {  	[sflag:s18] =	ssyncadd.s32 $0xFFFFE000  }
0x36: {  	[spmem:s2] =	stream.indirect.scatter.add.f32 [tilespmem:s11], [sflag:$0x4], $0x80, s19, s10, $0xb8;
	[tilespmem:$0x1F400] =	vst v63  }
0x37: {  	_ =	swait.ge [sflag:s20], $0x2000  }
0x38: {  	[sflag:s20] =	ssyncset.done $0x0  }
0x39: {  	[sflag:s20] =	ssyncadd.s32 $0xFFFFE000  }
0x3a: {  	[spmem:s2] =	stream.indirect.scatter.add.f32 [tilespmem:s13], [sflag:$0x5], $0x80, s21, s10, $0xb8;
	[tilespmem:$0x1F400] =	vst v63  }
0x3b: {  	_ =	swait.ge [sflag:s22], $0x2000  }
0x3c: {  	[sflag:s22] =	ssyncset.done $0x0  }
0x3d: {  	[sflag:s22] =	ssyncadd.s32 $0xFFFFE000  }
0x3e: {  	[tilespmem:s11], [sflag:$0x1] =	stream.indirect.gather [hbm4b:s4+s10], $0x80, s23, s10, $0xb8;
	[tilespmem:$0x1F400] =	vst v63  }
0x3f: {  	_ =	swait.ge [sflag:s24], $0x2000  }
0x40: {  	[sflag:s24] =	ssyncset.done $0x0  }
0x41: {  	[sflag:s24] =	ssyncadd.s32 $0xFFFFE000  }
0x42: {  	[spmem:s2] =	stream.indirect.scatter.add.f32 [tilespmem:s15], [sflag:$0x6], $0x80, s25, s10, $0xb8;
	[tilespmem:$0x1F400] =	vst v63  }
0x43: {  	_ =	swait.ge [sflag:s26], $0x2000  }
0x44: {  	[sflag:s26] =	ssyncset.done $0x0  }
0x45: {  	s1 =	simm.s32 $0x0;
	[sflag:s26] =	ssyncadd.s32 $0xFFFFE000  }
0x46: {  	[tilespmem:s13], [sflag:$0x2] =	stream.indirect.gather [hbm4b:s4+s10], $0x80, s28, s10, $0xb8;
	[tilespmem:$0x1F400] =	vst v63  }
.LBB2_2:
0x47: {  	_ =	swait.ge [sflag:s18], $0x2000  }
0x48: {  	s0 =	sshra.s32 s1, $0x2;
	[sflag:s18] =	ssyncset.done $0x0  }
0x49: {  	s12 =	sadd.s32 $0x380, s0;
	[sflag:s18] =	ssyncadd.s32 $0xFFFFE000  }
0x4a: {  	[spmem:s2] =	stream.indirect.scatter.add.f32 [tilespmem:s11], [sflag:$0x4], $0x80, s12, s10, $0xb8;
	[tilespmem:$0x1F400] =	vst v63  }
0x4b: {  	_ =	swait.ge [sflag:s29], $0x2000  }
0x4c: {  	[sflag:s29] =	ssyncset.done $0x0  }
0x4d: {  	p0 =	seq.s32 s1, $0x13800;
	s12 =	sadd.s32 $0x500, s0;
	[sflag:s29] =	ssyncadd.s32 $0xFFFFE000  }
0x4e: {  	[tilespmem:s15], [sflag:$0x3] =	stream.indirect.gather [hbm4b:s4+s10], $0x80, s12, s10, $0xb8;
	[tilespmem:$0x1F400] =	vst v63  }
.Ltmp2:
0x4f: {  	_ = 	snop;
	(pc) =	sbr.rel @p0 .LBB2_4-.Ltmp2, $4  }
0x50: {  	_ =	swait.ge [sflag:s20], $0x2000  }
0x51: {  	[sflag:s20] =	ssyncset.done $0x0  }
0x52: {  	s12 =	sadd.s32 $0x480, s0;
	[sflag:s20] =	ssyncadd.s32 $0xFFFFE000  }
0x53: {  	[spmem:s2] =	stream.indirect.scatter.add.f32 [tilespmem:s13], [sflag:$0x5], $0x80, s12, s10, $0xb8;
	[tilespmem:$0x1F400] =	vst v63  }
0x54: {  	_ =	swait.ge [sflag:s22], $0x2000  }
0x55: {  	[sflag:s22] =	ssyncset.done $0x0  }
0x56: {  	s12 =	sadd.s32 $0x600, s0;
	[sflag:s22] =	ssyncadd.s32 $0xFFFFE000  }
0x57: {  	[tilespmem:s11], [sflag:$0x1] =	stream.indirect.gather [hbm4b:s4+s10], $0x80, s12, s10, $0xb8;
	[tilespmem:$0x1F400] =	vst v63  }
0x58: {  	_ =	swait.ge [sflag:s24], $0x2000  }
0x59: {  	[sflag:s24] =	ssyncset.done $0x0  }
0x5a: {  	s12 =	sadd.s32 $0x580, s0;
	[sflag:s24] =	ssyncadd.s32 $0xFFFFE000  }
0x5b: {  	[spmem:s2] =	stream.indirect.scatter.add.f32 [tilespmem:s15], [sflag:$0x6], $0x80, s12, s10, $0xb8;
	[tilespmem:$0x1F400] =	vst v63  }
.Ltmp3:
0x5c: {  	_ = 	snop;
	(pc) =	sbr.rel .LBB2_2-.Ltmp3, $4  }
0x5d: {  	_ =	swait.ge [sflag:s26], $0x2000  }
0x5e: {  	[sflag:s26] =	ssyncset.done $0x0  }
0x5f: {  	s1 =	sadd.s32 $0xC00, s1;
	s12 =	sadd.s32 $0x700, s0;
	[sflag:s26] =	ssyncadd.s32 $0xFFFFE000  }
0x60: {  	[tilespmem:s13], [sflag:$0x2] =	stream.indirect.gather [hbm4b:s4+s10], $0x80, s12, s10, $0xb8;
	[tilespmem:$0x1F400] =	vst v63  }
.LBB2_5:
0x61: {  	_ =	sfence.sel $0x180000  }
0x62: {  	[bflag:$0x0] =	sbarrier.arrive $0xFFFF  }
0x63: {  	_ =	strace $0x9000004D  }
0x64: {  	s0 =	stileid.u32;
	[bflag:$0x2] =	sbarrier.arrive $0xFFFF  }
0x65: {  	p0 =	sne.s32 s0, $0x0;
	s0 =	rddreg [dreg:$0x2]  }
0x66: {  	s0 =	sadd.s32 @!p0 $0x100000, s0  }
0x67: {  	[sflag:s0] =	ssyncadd.tile.s32 @!p0 $0x1;
	_ =	shalt  }
.Lfunc_end2:
_tile_overlayer_lowered:
.L_overlay_start_2:
0x68: {  	(tag) =	ssettag $0x2  }
0x69: {  	s0 =	rddreg [dreg:$0x0];
	s2 =	stileid.u32  }
0x6a: {  	s1 =	rddreg [dreg:$0x1];
	p0 =	sne.s32 s2, $0x0  }
0x6b: {  	s3 =	rddreg [dreg:$0x2];
	[bflag:$0x3] =	sbarrier.arrive $0xFFFF;
	s2 =	simm.s32 @!p0 $0x1C07  }
0x6c: {  	[timem:s3], [sflag:s2] =	dma.local @!p0 [hbm:s0], s1  }
0x6d: {  	s0 =	simm.s32 @!p0 $0x7  }
0x6e: {  	_ =	swait.ge @!p0 [sflag:s0], s1  }
0x6f: {  	s1 =	ssub.s32 @!p0 $0x0, s1;
	[sflag:s0] =	ssyncset.done @!p0 $0x0  }
0x70: {  	[sflag:s0] =	ssyncadd.s32 @!p0 s1  }
0x71: {  	[bflag:$0x3] =	sbarrier.arrive $0xFFFF  }
0x72: {  	_ =	shalt  }

// kernel: closed_call.31.cloned.1.call-start
scs
__scs_entry_jumppad:
0x0: {  	(pc) =	sbr.rel $0x88, $3  }
0x1: {  	(tag) =	ssettag $0x0;
	lr =	simm.s32 $0x1  }
0x2: {  	[smem:$0x3F93] =	sst lr;
	_ =	strace $0xD0000000  }
0x3: {  	_ = 	snop  }
0x4: {  	_ = 	snop  }
0x5: {  	_ = 	snop  }
0x6: {  	_ = 	snop  }
0x7: {  	_ = 	snop  }
__scs_overlays_trampoline_lowered:
0x8: {  	[smem:$0x3FA2] =	sst s0  }
0x9: {  	[smem:$0x3FA3] =	sst s1  }
0xa: {  	[smem:$0x3FA4] =	sst s2  }
0xb: {  	[smem:$0x3FA5] =	sst s3  }
0xc: {  	[smem:$0x3FA6] =	sst s4  }
0xd: {  	[smem:$0x3FA7] =	sst s5  }
0xe: {  	[smem:$0x3FA8] =	sst s6  }
0xf: {  	[smem:$0x3FA9] =	sst s7  }
0x10: {  	[smem:$0x3FAA] =	sst s8  }
0x11: {  	[smem:$0x3FAB] =	sst s9;
	s0 =	simm.s32 @!p0 $0x0  }
0x12: {  	s1 =	sld [smem:$0x3F91];
	s0 =	simm.s32 @p0 $0x1  }
0x13: {  	[smem:$0x3FAC] =	sst s0;
	s0 =	simm.s32 @!p1 $0x0  }
0x14: {  	s2 =	sld [smem:$0x3F90];
	s0 =	simm.s32 @p1 $0x1  }
0x15: {  	[smem:$0x3FAD] =	sst s0;
	s0 =	simm.s32 @!p2 $0x0  }
0x16: {  	s3 =	sld [smem:$0x3FDB];
	s0 =	simm.s32 @p2 $0x1  }
0x17: {  	s4 =	simm.s32 $0x1BF5;
	[smem:$0x3FAF] =	sst s0  }
0x18: {  	s0 =	sld [smem:$0x3F92];
	_ =	swait.ge [sflag:s4], $0x0  }
0x19: {  	s7 =	sld [smem:$0x3F93]  }
0x1a: {  	s8 =	sadd.s32 $0xFFFFE003, lr  }
0x1b: {  	s9 =	sadd.s32 $0xFFFFFEF7, lr;
	s5 =	simm.s32 $0xFFFFFFFF;
	p2 =	slt.u32 s8, $0xFFFFF086  }
0x1c: {  	p1 =	slt.u32 s9, $0xF7A;
	s5 =	simm.s32 @!p2 $0x0  }
0x1d: {  	s5 =	simm.s32 @p1 $0x1;
	p0 =	seq.s32 s7, s2  }
0x1e: {  	s7 =	smul.u32 @!p0 $0xF7A, s2;
	p2 =	seq.s32 @!p0 s5, $0x0  }
0x1f: {  	s9 =	smul.u32 $0xF7A, s1;
	s8 =	simm.s32 @!p0 $0x1BF5;
	p2 =	por !p2, p0  }
0x20: {  	[sflag:s8] =	ssyncset.s32 @!p0 $0xFFFFF086;
	s6 =	sadd.s32 @!p0 s3, s7;
	s7 =	simm.s32 @!p0 $0x108  }
0x21: {  	s3 =	sadd.s32 s3, s9;
	s6 =	sadd.s32 @!p0 $0x88, s6;
	s7 =	simm.s32 @p2 $0x1082  }
0x22: {  	[simem:s7], [sflag:s8] =	dma.local @!p0 [hbm:s6], $0xF7A  }
0x23: {  	s9 =	sor.u32 $0xD0000000, s2;
	s6 =	simm.s32 $0x108;
	_ =	swait.ge @!p0 [sflag:s8], $0x0  }
0x24: {  	s3 =	sadd.s32 $0x88, s3;
	s6 =	simm.s32 @!p1 $0x1082;
	[sflag:s4] =	ssyncset.s32 $0xFFFFF086  }
0x25: {  	[simem:s6], [sflag:s4] =	dma.local [hbm:s3], $0xF7A  }
0x26: {  	[smem:$0x3F93] =	sst s1;
	(tag) =	ssettag s2;
	_ =	strace s9  }
0x27: {  	s1 =	sld [smem:$0x3FA3]  }
0x28: {  	s2 =	sld [smem:$0x3FA4]  }
0x29: {  	s4 =	sld [smem:$0x3FA6]  }
0x2a: {  	p0 =	seq.s32 s5, $0x0;
	s5 =	sld [smem:$0x3FA7]  }
0x2b: {  	s6 =	sld [smem:$0x3FA8]  }
0x2c: {  	s7 =	sld [smem:$0x3FA9]  }
0x2d: {  	s3 =	simm.s32 $0x108;
	s8 =	sld [smem:$0x3FAA]  }
0x2e: {  	s3 =	simm.s32 @!p0 $0x1082;
	s9 =	sld [smem:$0x3FAB]  }
0x2f: {  	lr =	sadd.s32 s0, s3;
	s0 =	sld [smem:$0x3FA2]  }
0x30: {  	s3 =	sld [smem:$0x3FA5]  }
0x31: {  	[smem:$0x3FAE] =	sst s10  }
0x32: {  	s10 =	sld [smem:$0x3FAC];
	_ =	sdelay $0x3  }
0x33: {  	p0 =	seq.s32 s10, $0x1;
	s10 =	sld [smem:$0x3FAE];
	_ =	sdelay $0x3  }
0x34: {  	[smem:$0x3FAE] =	sst s10  }
0x35: {  	s10 =	sld [smem:$0x3FAD];
	_ =	sdelay $0x3  }
0x36: {  	p1 =	seq.s32 s10, $0x1;
	s10 =	sld [smem:$0x3FAE];
	_ =	sdelay $0x3  }
0x37: {  	[smem:$0x3FAE] =	sst s10  }
0x38: {  	s10 =	sld [smem:$0x3FAF]  }
0x39: {  	_ = 	snop;
	(pc) =	sbr.ind lr, $3  }
0x3a: {  	_ = 	snop  }
0x3b: {  	_ = 	snop  }
0x3c: {  	p2 =	seq.s32 s10, $0x1;
	s10 =	sld [smem:$0x3FAE]  }
0x3d: {  	_ =	shalt  }
0x3e: {  	_ =	shalt  }
0x3f: {  	_ =	shalt  }
0x40: {  	_ =	shalt  }
0x41: {  	_ =	shalt  }
0x42: {  	_ =	shalt  }
0x43: {  	_ =	shalt  }
0x44: {  	_ =	shalt  }
0x45: {  	_ =	shalt  }
0x46: {  	_ =	shalt  }
0x47: {  	_ =	shalt  }
0x48: {  	_ =	shalt  }
0x49: {  	_ =	shalt  }
0x4a: {  	_ =	shalt  }
0x4b: {  	_ =	shalt  }
0x4c: {  	_ =	shalt  }
0x4d: {  	_ =	shalt  }
0x4e: {  	_ =	shalt  }
0x4f: {  	_ =	shalt  }
0x50: {  	_ =	shalt  }
0x51: {  	_ =	shalt  }
0x52: {  	_ =	shalt  }
0x53: {  	_ =	shalt  }
0x54: {  	_ =	shalt  }
0x55: {  	_ =	shalt  }
0x56: {  	_ =	shalt  }
0x57: {  	_ =	shalt  }
0x58: {  	_ =	shalt  }
0x59: {  	_ =	shalt  }
0x5a: {  	_ =	shalt  }
0x5b: {  	_ =	shalt  }
0x5c: {  	_ =	shalt  }
0x5d: {  	_ =	shalt  }
0x5e: {  	_ =	shalt  }
0x5f: {  	_ =	shalt  }
0x60: {  	_ =	shalt  }
0x61: {  	_ =	shalt  }
0x62: {  	_ =	shalt  }
0x63: {  	_ =	shalt  }
0x64: {  	_ =	shalt  }
0x65: {  	_ =	shalt  }
0x66: {  	_ =	shalt  }
0x67: {  	_ =	shalt  }
0x68: {  	_ =	shalt  }
0x69: {  	_ =	shalt  }
0x6a: {  	_ =	shalt  }
0x6b: {  	_ =	shalt  }
0x6c: {  	_ =	shalt  }
0x6d: {  	_ =	shalt  }
0x6e: {  	_ =	shalt  }
0x6f: {  	_ =	shalt  }
0x70: {  	_ =	shalt  }
0x71: {  	_ =	shalt  }
0x72: {  	_ =	shalt  }
0x73: {  	_ =	shalt  }
0x74: {  	_ =	shalt  }
0x75: {  	_ =	shalt  }
0x76: {  	_ =	shalt  }
0x77: {  	_ =	shalt  }
0x78: {  	_ =	shalt  }
0x79: {  	_ =	shalt  }
0x7a: {  	_ =	shalt  }
0x7b: {  	_ =	shalt  }
0x7c: {  	_ =	shalt  }
0x7d: {  	_ =	shalt  }
0x7e: {  	_ =	shalt  }
0x7f: {  	_ =	shalt  }
0x80: {  	_ =	shalt  }
0x81: {  	_ =	shalt  }
0x82: {  	_ =	shalt  }
0x83: {  	_ =	shalt  }
0x84: {  	_ =	shalt  }
0x85: {  	_ =	shalt  }
0x86: {  	_ =	shalt  }
0x87: {  	_ =	shalt  }
.Lfunc_end0:
.L_simem_size_0:
called_computation.2_lowered:
.L_overlay_start_0:
0x88: {  	s2 =	sld [smem:$0x3FD9]  }
0x89: {  	s3 =	sld [smem:$0x3FFE];
	_ =	sdelay $0x1  }
0x8a: {  	s1 =	srdreg.scid  }
0x8b: {  	s0 =	sand.u32 $0x1, s1  }
0x8c: {  	s16 =	sshll.u32 s0, $0xA;
	s2 =	sadd.s32 s3, s2  }
0x8d: {  	s2 =	sadd.s32 s2, s16  }
0x8e: {  	[smem:$0x3FBA] =	sst s2  }
0x8f: {  	_ = 	snop  }
0x90: {  	(tm) =	ssettm $0x1  }
0x91: {  	s17 =	sld [smem:$0x3FFB];
	_ =	sdelay $0x3  }
0x92: {  	_ =	strace s17  }
0x93: {  	s2 =	sld [smem:$0x3FFC];
	_ =	sdelay $0x3  }
0x94: {  	_ =	strace s2  }
0x95: {  	s2 =	sld [smem:$0x3FFD];
	_ =	sdelay $0x3  }
0x96: {  	_ =	strace s2  }
0x97: {  	_ =	strace $0x8FFFFFFF  }
0x98: {  	s18 =	sld [smem:$0x3FDB];
	_ =	sdelay $0x1  }
0x99: {  	s19 =	simm.s32 $_scs_section_size  }
0x9a: {  	s4 =	simm.s32 $_size__tile_overlayer_lowered;
	s5 =	simm.s32 $_tile_overlayer_lowered  }
0x9b: {  	s22 =	simm.s32 $0x1BFF;
	s21 =	sshll.u32 s5, $0x1;
	s2 =	sadd.s32 s19, s18  }
0x9c: {  	s6 =	simm.s32 $0x0;
	s20 =	sshll.u32 s4, $0x1;
	s4 =	sadd.s32 s21, s2  }
0x9d: {  	[timem:s6], [sflag:s22] =	dma.local [hbm:s4], s20  }
0x9e: {  	_ =	swait.ge [sflag:s22], s20  }
0x9f: {  	s3 =	ssub.s32 $0x0, s20;
	[sflag:s22] =	ssyncset.done $0x0  }
0xa0: {  	[sflag:s22] =	ssyncadd.s32 s3;
	_ =	sdelay $0x1  }
0xa1: {  	s23 =	simm.s32 $0x1B8B  }
0xa2: {  	_ =	swait.ge [sflag:s23], $0x1  }
0xa3: {  	[sflag:s23] =	ssyncset.done $0x0  }
0xa4: {  	s25 =	simm.s32 $0x1B8E;
	s24 =	sld [smem:$0x3FFE];
	[sflag:s23] =	ssyncadd.s32 $0xFFFFFFFF  }
0xa5: {  	s26 =	simm.s32 $execute0_lowered;
	[smem:$0x3FD2] =	sst s25  }
0xa6: {  	s4 =	sshll.u32 s26, $0x1;
	_ =	strace $0x8000004F;
	[dreg:$0x1] =	wrdreg $0xFFFFFFFF  }
0xa7: {  	s28 =	simm.s32 $_size_execute0_lowered;
	s2 =	sadd.s32 s2, s4;
	[dreg:$0x0] =	wrdreg $0x0  }
0xa8: {  	s4 =	sshll.u32 s28, $0x1;
	[dreg:$0x2] =	wrdreg s2  }
0xa9: {  	[dreg:$0x3] =	wrdreg s4  }
0xaa: {  	[dreg:$0x4] =	wrdreg $0xC0  }
0xab: {  	_ =	task [dreg:s6], $0x5FFFF  }
0xac: {  	[dreg:$0x1] =	wrdreg $0xFFFFFFFF  }
0xad: {  	[dreg:$0x0] =	wrdreg $0x60  }
0xae: {  	[dreg:$0x2] =	wrdreg s24  }
0xaf: {  	[dreg:$0x3] =	wrdreg $0x42000  }
0xb0: {  	[dreg:$0x4] =	wrdreg $0x9  }
0xb1: {  	_ =	task.clear_ibuf [dreg:s6], $0x5FFFF;
	_ =	strace $0x9000004F  }
0xb2: {  	s29 =	simm.s32 $0x9;
	_ =	strace $0x80000051  }
0xb3: {  	_ =	swait.ge [sflag:s29], $0x1  }
0xb4: {  	[sflag:s29] =	ssyncadd.s32 $0xFFFFFFFF  }
0xb5: {  	_ =	strace $0x90000051  }
0xb6: {  	_ =	sfence  }
0xb7: {  	s30 =	sld [smem:$0x0];
	_ =	sdelay $0x2  }
0xb8: {  	s31 =	sshll.u32 s1, $0xD;
	s1 =	sshrl.u32 s1, $0x2  }
0xb9: {  	s3 =	sand.u32 $0x4000, s31;
	s1 =	sadd.s32 s1, s30  }
0xba: {  	s0 =	sor.u32 s3, s0;
	s1 =	sshll.u32 s1, $0x11  }
0xbb: {  	s0 =	sor.u32 s1, s0  }
0xbc: {  	s0 =	sadd.s32 $0x8F2B, s0  }
0xbd: {  	[sflag:s0] =	ssyncadd.remote.s32 $0x1  }
0xbe: {  	_ =	sfence.sel $0xFFFF  }
0xbf: {  	[dreg:$0x0] =	wrdreg $0xFFFFFFFF;
	(pc) =	sbr.abs _section_cstart, $3  }
0xc0: {  	[dreg:$0x1] =	wrdreg $0xFFFFFFFF  }
0xc1: {  	_ =	task.clear_ibuf [dreg:s6], $0x2FFFF;
	_ =	strace $0x9FFFFFFF  }
0xc2: {  	(tm) =	ssettm $0x7FFFFFFF  }
0xc3: {  	_ =	shalt  }
tec
execute0_lowered:
.L_overlay_start_1:
0x0: {  	(tag) =	ssettag $0x1  }
0x1: {  	s0 =	rddreg [dreg:$0x0]  }
0x2: {  	s2 =	rddreg [dreg:$0x1]  }
0x3: {  	s3 =	srdreg.scid;
	s1 =	stileid.u32  }
0x4: {  	s10 =	simm.s32 $0x80;
	s11 =	simm.s32 $0x2A00;
	s12 =	simm.s32 $0x100  }
0x5: {  	s13 =	simm.s32 $0x3200;
	s14 =	simm.s32 $0x200;
	s15 =	simm.s32 $0x3A00  }
0x6: {  	s18 =	simm.s32 $0x1;
	s19 =	simm.s32 $0x2;
	s20 =	simm.s32 $0x180  }
0x7: {  	s21 =	simm.s32 $0x4;
	s22 =	simm.s32 $0x300;
	s23 =	simm.s32 $0x3  }
0x8: {  	s24 =	simm.s32 $0x280;
	s25 =	simm.s32 $0x5;
	s28 =	simm.s32 $0x6  }
0x9: {  	s29 =	simm.s32 $0x2980;
	s30 =	simm.s32 $0x0;
	s5 =	sand.u32 $0x1, s3  }
0xa: {  	s4 =	sshll.u32 s1, $0x1;
	s7 =	smul.u32 $0x2800, s1;
	s3 =	simm.s32 $0x0  }
0xb: {  	s31 =	sshll.u32 s1, $0x6;
	s4 =	sor.u32 s5, s4;
	s6 =	smul.u32 $0x28000, s5  }
0xc: {  	[smem:$0x7FF] =	sst s3;
	s9 =	ssub.s32 $0x2, s5;
	s5 =	sadd.s32 $0x18800, s0  }
0xd: {  	s16 =	sor.u32 $0x1C07, s31;
	s8 =	smul.u32 $0x540, s4;
	_ =	strace $0x80000050  }
.Ltmp0:
0xe: {  	s4 =	sadd.s32 $0x9000, s0;
	s26 =	sshrl.u32 s9, $0x1;
	(pc) =	sbr.rel .LBB2_1-.Ltmp0, $4  }
0xf: {  	s17 =	sadd.s32 s7, s2;
	s6 =	sadd.s32 s7, s6;
	s9 =	ssub.s32 s9, s26  }
0x10: {  	s17 =	sshrl.u32 s17, $0x3;
	s8 =	sadd.s32 s8, s0;
	s6 =	sshrl.u32 s6, $0x3  }
0x11: {  	s26 =	simm.s32 $0x400;
	s0 =	sadd.s32 s6, s0;
	s6 =	sadd.s32 $0xE000, s8  }
0x12: {  	s8 =	smax.u32 s9, $0x1;
	s9 =	simm.s32 $0x7;
	s7 =	sadd.s32 $0x18E00, s0  }
.LBB2_4:
0x13: {  	_ =	swait.ge [sflag:s23], $0x800  }
0x14: {  	[sflag:s23] =	ssyncset.done $0x0  }
0x15: {  	[sflag:s23] =	ssyncadd.s32 $0xFFFFF800  }
0x16: {  	[spmem:s2] =	stream.indirect.scatter.add.f32 [tilespmem:s15], [sflag:$0x6], $0x10, s29, s10, $0xb8;
	[tilespmem:$0x6A00] =	vst v63  }
0x17: {  	_ =	swait.ge [sflag:s21], $0x800  }
0x18: {  	[sflag:s21] =	ssyncset.done $0x0  }
0x19: {  	[sflag:s21] =	ssyncadd.s32 $0xFFFFF800  }
0x1a: {  	_ =	swait.ge [sflag:s25], $0x800  }
0x1b: {  	[sflag:s25] =	ssyncset.done $0x0  }
0x1c: {  	[sflag:s25] =	ssyncadd.s32 $0xFFFFF800  }
0x1d: {  	_ =	swait.ge [sflag:s28], $0x800  }
0x1e: {  	s30 =	sadd.s32 $0x1, s30;
	[sflag:s28] =	ssyncset.done $0x0  }
0x1f: {  	p0 =	sne.s32 s30, s8;
	[sflag:s28] =	ssyncadd.s32 $0xFFFFF800  }
.Ltmp1:
0x20: {  	[bflag:$0x0] =	sbarrier.arrive $0xFFFF;
	(pc) =	sbr.rel @!p0 .LBB2_5-.Ltmp1, $4  }
0x21: {  	[hbm:s7], [sflag:s16] =	dma.local [spmem:s17], $0x500  }
0x22: {  	_ =	swait.ge [sflag:s9], $0x500  }
0x23: {  	[sflag:s9] =	ssyncset.done $0x0  }
0x24: {  	[sflag:s9] =	ssyncadd.s32 $0xFFFFFB00  }
.LBB2_1:
0x25: {  	[tilespmem:s3], [sflag:$0x7] =	stream.linear.gather [hbm4b:s6+s3], $0x2A00, $0x38;
	[tilespmem:$0x6A00] =	vst v63  }
0x26: {  	_ =	swait.ge [sflag:s9], $0x2A00  }
0x27: {  	[sflag:s9] =	ssyncset.done $0x0  }
0x28: {  	[sflag:s9] =	ssyncadd.s32 $0xFFFFD600  }
0x29: {  	[tilespmem:s11], [sflag:$0x1] =	stream.indirect.gather [hbm4b:s4+s10], $0x10, s3, s10, $0xb8;
	[tilespmem:$0x6A00] =	vst v63  }
0x2a: {  	_ = 	snop  }
0x2b: {  	[tilespmem:s13], [sflag:$0x2] =	stream.indirect.gather [hbm4b:s4+s10], $0x10, s12, s10, $0xb8;
	[tilespmem:$0x6A00] =	vst v63  }
0x2c: {  	_ = 	snop  }
0x2d: {  	[tilespmem:s15], [sflag:$0x3] =	stream.indirect.gather [hbm4b:s4+s10], $0x10, s14, s10, $0xb8;
	[tilespmem:$0x6A00] =	vst v63  }
0x2e: {  	[spmem:s17], [sflag:s16] =	dma.local [hbm:s5], $0x500  }
0x2f: {  	_ =	swait.ge [sflag:s9], $0x500  }
0x30: {  	[sflag:s9] =	ssyncset.done $0x0  }
0x31: {  	[sflag:s9] =	ssyncadd.s32 $0xFFFFFB00  }
0x32: {  	[bflag:$0x0] =	sbarrier.arrive $0xFFFF  }
0x33: {  	_ =	swait.ge [sflag:s18], $0x800  }
0x34: {  	[sflag:s18] =	ssyncset.done $0x0  }
0x35: {  	[sflag:s18] =	ssyncadd.s32 $0xFFFFF800  }
0x36: {  	[spmem:s2] =	stream.indirect.scatter.add.f32 [tilespmem:s11], [sflag:$0x4], $0x10, s10, s10, $0xb8;
	[tilespmem:$0x6A00] =	vst v63  }
0x37: {  	_ =	swait.ge [sflag:s19], $0x800  }
0x38: {  	[sflag:s19] =	ssyncset.done $0x0  }
0x39: {  	[sflag:s19] =	ssyncadd.s32 $0xFFFFF800  }
0x3a: {  	[spmem:s2] =	stream.indirect.scatter.add.f32 [tilespmem:s13], [sflag:$0x5], $0x10, s20, s10, $0xb8;
	[tilespmem:$0x6A00] =	vst v63  }
0x3b: {  	_ =	swait.ge [sflag:s21], $0x800  }
0x3c: {  	[sflag:s21] =	ssyncset.done $0x0  }
0x3d: {  	[sflag:s21] =	ssyncadd.s32 $0xFFFFF800  }
0x3e: {  	[tilespmem:s11], [sflag:$0x1] =	stream.indirect.gather [hbm4b:s4+s10], $0x10, s22, s10, $0xb8;
	[tilespmem:$0x6A00] =	vst v63  }
0x3f: {  	_ =	swait.ge [sflag:s23], $0x800  }
0x40: {  	[sflag:s23] =	ssyncset.done $0x0  }
0x41: {  	[sflag:s23] =	ssyncadd.s32 $0xFFFFF800  }
0x42: {  	[spmem:s2] =	stream.indirect.scatter.add.f32 [tilespmem:s15], [sflag:$0x6], $0x10, s24, s10, $0xb8;
	[tilespmem:$0x6A00] =	vst v63  }
0x43: {  	_ =	swait.ge [sflag:s25], $0x800  }
0x44: {  	[sflag:s25] =	ssyncset.done $0x0  }
0x45: {  	s31 =	simm.s32 $0x0;
	[sflag:s25] =	ssyncadd.s32 $0xFFFFF800  }
0x46: {  	[tilespmem:s13], [sflag:$0x2] =	stream.indirect.gather [hbm4b:s4+s10], $0x10, s26, s10, $0xb8;
	[tilespmem:$0x6A00] =	vst v63  }
.LBB2_2:
0x47: {  	_ =	swait.ge [sflag:s18], $0x800  }
0x48: {  	s0 =	sshra.s32 s31, $0x2;
	[sflag:s18] =	ssyncset.done $0x0  }
0x49: {  	s1 =	sadd.s32 $0x380, s0;
	[sflag:s18] =	ssyncadd.s32 $0xFFFFF800  }
0x4a: {  	[spmem:s2] =	stream.indirect.scatter.add.f32 [tilespmem:s11], [sflag:$0x4], $0x10, s1, s10, $0xb8;
	[tilespmem:$0x6A00] =	vst v63  }
0x4b: {  	_ =	swait.ge [sflag:s28], $0x800  }
0x4c: {  	[sflag:s28] =	ssyncset.done $0x0  }
0x4d: {  	p0 =	seq.s32 s31, $0x9000;
	s1 =	sadd.s32 $0x500, s0;
	[sflag:s28] =	ssyncadd.s32 $0xFFFFF800  }
0x4e: {  	[tilespmem:s15], [sflag:$0x3] =	stream.indirect.gather [hbm4b:s4+s10], $0x10, s1, s10, $0xb8;
	[tilespmem:$0x6A00] =	vst v63  }
.Ltmp2:
0x4f: {  	_ = 	snop;
	(pc) =	sbr.rel @p0 .LBB2_4-.Ltmp2, $4  }
0x50: {  	_ =	swait.ge [sflag:s19], $0x800  }
0x51: {  	[sflag:s19] =	ssyncset.done $0x0  }
0x52: {  	s1 =	sadd.s32 $0x480, s0;
	[sflag:s19] =	ssyncadd.s32 $0xFFFFF800  }
0x53: {  	[spmem:s2] =	stream.indirect.scatter.add.f32 [tilespmem:s13], [sflag:$0x5], $0x10, s1, s10, $0xb8;
	[tilespmem:$0x6A00] =	vst v63  }
0x54: {  	_ =	swait.ge [sflag:s21], $0x800  }
0x55: {  	[sflag:s21] =	ssyncset.done $0x0  }
0x56: {  	s1 =	sadd.s32 $0x600, s0;
	[sflag:s21] =	ssyncadd.s32 $0xFFFFF800  }
0x57: {  	[tilespmem:s11], [sflag:$0x1] =	stream.indirect.gather [hbm4b:s4+s10], $0x10, s1, s10, $0xb8;
	[tilespmem:$0x6A00] =	vst v63  }
0x58: {  	_ =	swait.ge [sflag:s23], $0x800  }
0x59: {  	[sflag:s23] =	ssyncset.done $0x0  }
0x5a: {  	s1 =	sadd.s32 $0x580, s0;
	[sflag:s23] =	ssyncadd.s32 $0xFFFFF800  }
0x5b: {  	[spmem:s2] =	stream.indirect.scatter.add.f32 [tilespmem:s15], [sflag:$0x6], $0x10, s1, s10, $0xb8;
	[tilespmem:$0x6A00] =	vst v63  }
.Ltmp3:
0x5c: {  	_ = 	snop;
	(pc) =	sbr.rel .LBB2_2-.Ltmp3, $4  }
0x5d: {  	_ =	swait.ge [sflag:s25], $0x800  }
0x5e: {  	[sflag:s25] =	ssyncset.done $0x0  }
0x5f: {  	s31 =	sadd.s32 $0xC00, s31;
	s1 =	sadd.s32 $0x700, s0;
	[sflag:s25] =	ssyncadd.s32 $0xFFFFF800  }
0x60: {  	[tilespmem:s13], [sflag:$0x2] =	stream.indirect.gather [hbm4b:s4+s10], $0x10, s1, s10, $0xb8;
	[tilespmem:$0x6A00] =	vst v63  }
.LBB2_5:
0x61: {  	_ =	sfence.sel $0x180000  }
0x62: {  	[bflag:$0x0] =	sbarrier.arrive $0xFFFF  }
0x63: {  	_ =	strace $0x90000050  }
0x64: {  	s0 =	stileid.u32;
	[bflag:$0x2] =	sbarrier.arrive $0xFFFF  }
0x65: {  	p0 =	sne.s32 s0, $0x0;
	s0 =	rddreg [dreg:$0x2]  }
0x66: {  	s0 =	sadd.s32 @!p0 $0x100000, s0  }
0x67: {  	[sflag:s0] =	ssyncadd.tile.s32 @!p0 $0x1;
	_ =	shalt  }
.Lfunc_end2:
_tile_overlayer_lowered:
.L_overlay_start_2:
0x68: {  	(tag) =	ssettag $0x2  }
0x69: {  	s0 =	rddreg [dreg:$0x0];
	s2 =	stileid.u32  }
0x6a: {  	s1 =	rddreg [dreg:$0x1];
	p0 =	sne.s32 s2, $0x0  }
0x6b: {  	s3 =	rddreg [dreg:$0x2];
	[bflag:$0x3] =	sbarrier.arrive $0xFFFF;
	s2 =	simm.s32 @!p0 $0x1C07  }
0x6c: {  	[timem:s3], [sflag:s2] =	dma.local @!p0 [hbm:s0], s1  }
0x6d: {  	s0 =	simm.s32 @!p0 $0x7  }
0x6e: {  	_ =	swait.ge @!p0 [sflag:s0], s1  }
0x6f: {  	s1 =	ssub.s32 @!p0 $0x0, s1;
	[sflag:s0] =	ssyncset.done @!p0 $0x0  }
0x70: {  	[sflag:s0] =	ssyncadd.s32 @!p0 s1  }
0x71: {  	[bflag:$0x3] =	sbarrier.arrive $0xFFFF  }
0x72: {  	_ =	shalt  }

// kernel: kernel.4.cloned.1.call-start
scs
__scs_entry_jumppad:
0x0: {  	(pc) =	sbr.rel $0x88, $3  }
0x1: {  	(tag) =	ssettag $0x0;
	lr =	simm.s32 $0x1  }
0x2: {  	[smem:$0x3F93] =	sst lr;
	_ =	strace $0xD0000000  }
0x3: {  	_ = 	snop  }
0x4: {  	_ = 	snop  }
0x5: {  	_ = 	snop  }
0x6: {  	_ = 	snop  }
0x7: {  	_ = 	snop  }
__scs_overlays_trampoline_lowered:
0x8: {  	[smem:$0x3FA2] =	sst s0  }
0x9: {  	[smem:$0x3FA3] =	sst s1  }
0xa: {  	[smem:$0x3FA4] =	sst s2  }
0xb: {  	[smem:$0x3FA5] =	sst s3  }
0xc: {  	[smem:$0x3FA6] =	sst s4  }
0xd: {  	[smem:$0x3FA7] =	sst s5  }
0xe: {  	[smem:$0x3FA8] =	sst s6  }
0xf: {  	[smem:$0x3FA9] =	sst s7  }
0x10: {  	[smem:$0x3FAA] =	sst s8  }
0x11: {  	[smem:$0x3FAB] =	sst s9;
	s0 =	simm.s32 @!p0 $0x0  }
0x12: {  	s1 =	sld [smem:$0x3F91];
	s0 =	simm.s32 @p0 $0x1  }
0x13: {  	[smem:$0x3FAC] =	sst s0;
	s0 =	simm.s32 @!p1 $0x0  }
0x14: {  	s2 =	sld [smem:$0x3F90];
	s0 =	simm.s32 @p1 $0x1  }
0x15: {  	[smem:$0x3FAD] =	sst s0;
	s0 =	simm.s32 @!p2 $0x0  }
0x16: {  	s3 =	sld [smem:$0x3FDB];
	s0 =	simm.s32 @p2 $0x1  }
0x17: {  	s4 =	simm.s32 $0x1BF5;
	[smem:$0x3FAF] =	sst s0  }
0x18: {  	s0 =	sld [smem:$0x3F92];
	_ =	swait.ge [sflag:s4], $0x0  }
0x19: {  	s7 =	sld [smem:$0x3F93]  }
0x1a: {  	s8 =	sadd.s32 $0xFFFFE003, lr  }
0x1b: {  	s9 =	sadd.s32 $0xFFFFFEF7, lr;
	s5 =	simm.s32 $0xFFFFFFFF;
	p2 =	slt.u32 s8, $0xFFFFF086  }
0x1c: {  	p1 =	slt.u32 s9, $0xF7A;
	s5 =	simm.s32 @!p2 $0x0  }
0x1d: {  	s5 =	simm.s32 @p1 $0x1;
	p0 =	seq.s32 s7, s2  }
0x1e: {  	s7 =	smul.u32 @!p0 $0xF7A, s2;
	p2 =	seq.s32 @!p0 s5, $0x0  }
0x1f: {  	s9 =	smul.u32 $0xF7A, s1;
	s8 =	simm.s32 @!p0 $0x1BF5;
	p2 =	por !p2, p0  }
0x20: {  	[sflag:s8] =	ssyncset.s32 @!p0 $0xFFFFF086;
	s6 =	sadd.s32 @!p0 s3, s7;
	s7 =	simm.s32 @!p0 $0x108  }
0x21: {  	s3 =	sadd.s32 s3, s9;
	s6 =	sadd.s32 @!p0 $0x88, s6;
	s7 =	simm.s32 @p2 $0x1082  }
0x22: {  	[simem:s7], [sflag:s8] =	dma.local @!p0 [hbm:s6], $0xF7A  }
0x23: {  	s9 =	sor.u32 $0xD0000000, s2;
	s6 =	simm.s32 $0x108;
	_ =	swait.ge @!p0 [sflag:s8], $0x0  }
0x24: {  	s3 =	sadd.s32 $0x88, s3;
	s6 =	simm.s32 @!p1 $0x1082;
	[sflag:s4] =	ssyncset.s32 $0xFFFFF086  }
0x25: {  	[simem:s6], [sflag:s4] =	dma.local [hbm:s3], $0xF7A  }
0x26: {  	[smem:$0x3F93] =	sst s1;
	(tag) =	ssettag s2;
	_ =	strace s9  }
0x27: {  	s1 =	sld [smem:$0x3FA3]  }
0x28: {  	s2 =	sld [smem:$0x3FA4]  }
0x29: {  	s4 =	sld [smem:$0x3FA6]  }
0x2a: {  	p0 =	seq.s32 s5, $0x0;
	s5 =	sld [smem:$0x3FA7]  }
0x2b: {  	s6 =	sld [smem:$0x3FA8]  }
0x2c: {  	s7 =	sld [smem:$0x3FA9]  }
0x2d: {  	s3 =	simm.s32 $0x108;
	s8 =	sld [smem:$0x3FAA]  }
0x2e: {  	s3 =	simm.s32 @!p0 $0x1082;
	s9 =	sld [smem:$0x3FAB]  }
0x2f: {  	lr =	sadd.s32 s0, s3;
	s0 =	sld [smem:$0x3FA2]  }
0x30: {  	s3 =	sld [smem:$0x3FA5]  }
0x31: {  	[smem:$0x3FAE] =	sst s10  }
0x32: {  	s10 =	sld [smem:$0x3FAC];
	_ =	sdelay $0x3  }
0x33: {  	p0 =	seq.s32 s10, $0x1;
	s10 =	sld [smem:$0x3FAE];
	_ =	sdelay $0x3  }
0x34: {  	[smem:$0x3FAE] =	sst s10  }
0x35: {  	s10 =	sld [smem:$0x3FAD];
	_ =	sdelay $0x3  }
0x36: {  	p1 =	seq.s32 s10, $0x1;
	s10 =	sld [smem:$0x3FAE];
	_ =	sdelay $0x3  }
0x37: {  	[smem:$0x3FAE] =	sst s10  }
0x38: {  	s10 =	sld [smem:$0x3FAF]  }
0x39: {  	_ = 	snop;
	(pc) =	sbr.ind lr, $3  }
0x3a: {  	_ = 	snop  }
0x3b: {  	_ = 	snop  }
0x3c: {  	p2 =	seq.s32 s10, $0x1;
	s10 =	sld [smem:$0x3FAE]  }
0x3d: {  	_ =	shalt  }
0x3e: {  	_ =	shalt  }
0x3f: {  	_ =	shalt  }
0x40: {  	_ =	shalt  }
0x41: {  	_ =	shalt  }
0x42: {  	_ =	shalt  }
0x43: {  	_ =	shalt  }
0x44: {  	_ =	shalt  }
0x45: {  	_ =	shalt  }
0x46: {  	_ =	shalt  }
0x47: {  	_ =	shalt  }
0x48: {  	_ =	shalt  }
0x49: {  	_ =	shalt  }
0x4a: {  	_ =	shalt  }
0x4b: {  	_ =	shalt  }
0x4c: {  	_ =	shalt  }
0x4d: {  	_ =	shalt  }
0x4e: {  	_ =	shalt  }
0x4f: {  	_ =	shalt  }
0x50: {  	_ =	shalt  }
0x51: {  	_ =	shalt  }
0x52: {  	_ =	shalt  }
0x53: {  	_ =	shalt  }
0x54: {  	_ =	shalt  }
0x55: {  	_ =	shalt  }
0x56: {  	_ =	shalt  }
0x57: {  	_ =	shalt  }
0x58: {  	_ =	shalt  }
0x59: {  	_ =	shalt  }
0x5a: {  	_ =	shalt  }
0x5b: {  	_ =	shalt  }
0x5c: {  	_ =	shalt  }
0x5d: {  	_ =	shalt  }
0x5e: {  	_ =	shalt  }
0x5f: {  	_ =	shalt  }
0x60: {  	_ =	shalt  }
0x61: {  	_ =	shalt  }
0x62: {  	_ =	shalt  }
0x63: {  	_ =	shalt  }
0x64: {  	_ =	shalt  }
0x65: {  	_ =	shalt  }
0x66: {  	_ =	shalt  }
0x67: {  	_ =	shalt  }
0x68: {  	_ =	shalt  }
0x69: {  	_ =	shalt  }
0x6a: {  	_ =	shalt  }
0x6b: {  	_ =	shalt  }
0x6c: {  	_ =	shalt  }
0x6d: {  	_ =	shalt  }
0x6e: {  	_ =	shalt  }
0x6f: {  	_ =	shalt  }
0x70: {  	_ =	shalt  }
0x71: {  	_ =	shalt  }
0x72: {  	_ =	shalt  }
0x73: {  	_ =	shalt  }
0x74: {  	_ =	shalt  }
0x75: {  	_ =	shalt  }
0x76: {  	_ =	shalt  }
0x77: {  	_ =	shalt  }
0x78: {  	_ =	shalt  }
0x79: {  	_ =	shalt  }
0x7a: {  	_ =	shalt  }
0x7b: {  	_ =	shalt  }
0x7c: {  	_ =	shalt  }
0x7d: {  	_ =	shalt  }
0x7e: {  	_ =	shalt  }
0x7f: {  	_ =	shalt  }
0x80: {  	_ =	shalt  }
0x81: {  	_ =	shalt  }
0x82: {  	_ =	shalt  }
0x83: {  	_ =	shalt  }
0x84: {  	_ =	shalt  }
0x85: {  	_ =	shalt  }
0x86: {  	_ =	shalt  }
0x87: {  	_ =	shalt  }
.Lfunc_end0:
.L_simem_size_0:
called_computation.3_lowered:
.L_overlay_start_0:
0x88: {  	s2 =	sld [smem:$0x3FD9]  }
0x89: {  	s3 =	sld [smem:$0x3FFE];
	_ =	sdelay $0x1  }
0x8a: {  	s1 =	srdreg.scid  }
0x8b: {  	s0 =	sand.u32 $0x1, s1  }
0x8c: {  	s16 =	sshll.u32 s0, $0xA;
	s2 =	sadd.s32 s3, s2  }
0x8d: {  	s2 =	sadd.s32 s2, s16  }
0x8e: {  	[smem:$0x3FBA] =	sst s2  }
0x8f: {  	_ = 	snop  }
0x90: {  	(tm) =	ssettm $0x1  }
0x91: {  	s17 =	sld [smem:$0x3FFB];
	_ =	sdelay $0x3  }
0x92: {  	_ =	strace s17  }
0x93: {  	s2 =	sld [smem:$0x3FFC];
	_ =	sdelay $0x3  }
0x94: {  	_ =	strace s2  }
0x95: {  	s2 =	sld [smem:$0x3FFD];
	_ =	sdelay $0x3  }
0x96: {  	_ =	strace s2  }
0x97: {  	_ =	strace $0x8FFFFFFF  }
0x98: {  	s18 =	sld [smem:$0x3FDB];
	_ =	sdelay $0x1  }
0x99: {  	s19 =	simm.s32 $_scs_section_size  }
0x9a: {  	s4 =	simm.s32 $_size__tile_overlayer_lowered;
	s5 =	simm.s32 $_tile_overlayer_lowered  }
0x9b: {  	s22 =	simm.s32 $0x1BFF;
	s21 =	sshll.u32 s5, $0x1;
	s2 =	sadd.s32 s19, s18  }
0x9c: {  	s6 =	simm.s32 $0x0;
	s20 =	sshll.u32 s4, $0x1;
	s4 =	sadd.s32 s21, s2  }
0x9d: {  	[timem:s6], [sflag:s22] =	dma.local [hbm:s4], s20  }
0x9e: {  	_ =	swait.ge [sflag:s22], s20  }
0x9f: {  	s3 =	ssub.s32 $0x0, s20;
	[sflag:s22] =	ssyncset.done $0x0  }
0xa0: {  	[sflag:s22] =	ssyncadd.s32 s3;
	_ =	sdelay $0x1  }
0xa1: {  	s23 =	simm.s32 $0x1B8B  }
0xa2: {  	_ =	swait.ge [sflag:s23], $0x1  }
0xa3: {  	[sflag:s23] =	ssyncset.done $0x0  }
0xa4: {  	s25 =	simm.s32 $0x1B8E;
	s24 =	sld [smem:$0x3FFE];
	[sflag:s23] =	ssyncadd.s32 $0xFFFFFFFF  }
0xa5: {  	s26 =	simm.s32 $execute0_lowered;
	[smem:$0x3FD2] =	sst s25  }
0xa6: {  	s4 =	sshll.u32 s26, $0x1;
	_ =	strace $0x80000046;
	[dreg:$0x1] =	wrdreg $0xFFFFFFFF  }
0xa7: {  	s28 =	simm.s32 $_size_execute0_lowered;
	s2 =	sadd.s32 s2, s4;
	[dreg:$0x0] =	wrdreg $0x0  }
0xa8: {  	s4 =	sshll.u32 s28, $0x1;
	[dreg:$0x2] =	wrdreg s2  }
0xa9: {  	[dreg:$0x3] =	wrdreg s4  }
0xaa: {  	[dreg:$0x4] =	wrdreg $0xC0  }
0xab: {  	_ =	task [dreg:s6], $0x5FFFF  }
0xac: {  	[dreg:$0x1] =	wrdreg $0xFFFFFFFF  }
0xad: {  	[dreg:$0x0] =	wrdreg $0x60  }
0xae: {  	[dreg:$0x2] =	wrdreg s24  }
0xaf: {  	[dreg:$0x3] =	wrdreg $0x42000  }
0xb0: {  	[dreg:$0x4] =	wrdreg $0x9  }
0xb1: {  	_ =	task.clear_ibuf [dreg:s6], $0x5FFFF;
	_ =	strace $0x90000046  }
0xb2: {  	s29 =	simm.s32 $0x9;
	_ =	strace $0x80000048  }
0xb3: {  	_ =	swait.ge [sflag:s29], $0x1  }
0xb4: {  	[sflag:s29] =	ssyncadd.s32 $0xFFFFFFFF  }
0xb5: {  	_ =	strace $0x90000048  }
0xb6: {  	_ =	sfence  }
0xb7: {  	s30 =	sld [smem:$0x0];
	_ =	sdelay $0x2  }
0xb8: {  	s31 =	sshll.u32 s1, $0xD;
	s1 =	sshrl.u32 s1, $0x2  }
0xb9: {  	s3 =	sand.u32 $0x4000, s31;
	s1 =	sadd.s32 s1, s30  }
0xba: {  	s0 =	sor.u32 s3, s0;
	s1 =	sshll.u32 s1, $0x11  }
0xbb: {  	s0 =	sor.u32 s1, s0  }
0xbc: {  	s0 =	sadd.s32 $0x8F2B, s0  }
0xbd: {  	[sflag:s0] =	ssyncadd.remote.s32 $0x1  }
0xbe: {  	_ =	sfence.sel $0xFFFF  }
0xbf: {  	[dreg:$0x0] =	wrdreg $0xFFFFFFFF;
	(pc) =	sbr.abs _section_cstart, $3  }
0xc0: {  	[dreg:$0x1] =	wrdreg $0xFFFFFFFF  }
0xc1: {  	_ =	task.clear_ibuf [dreg:s6], $0x2FFFF;
	_ =	strace $0x9FFFFFFF  }
0xc2: {  	(tm) =	ssettm $0x7FFFFFFF  }
0xc3: {  	_ =	shalt  }
tec
execute0_lowered:
.L_overlay_start_1:
0x0: {  	(tag) =	ssettag $0x1  }
0x1: {  	s0 =	rddreg [dreg:$0x0]  }
0x2: {  	s2 =	rddreg [dreg:$0x1]  }
0x3: {  	s3 =	srdreg.scid;
	s1 =	stileid.u32  }
0x4: {  	s10 =	simm.s32 $0x80;
	s11 =	simm.s32 $0x2A00;
	s12 =	simm.s32 $0x100  }
0x5: {  	s13 =	simm.s32 $0x3200;
	s14 =	simm.s32 $0x200;
	s15 =	simm.s32 $0x3A00  }
0x6: {  	s18 =	simm.s32 $0x1;
	s19 =	simm.s32 $0x2;
	s20 =	simm.s32 $0x180  }
0x7: {  	s21 =	simm.s32 $0x4;
	s22 =	simm.s32 $0x300;
	s23 =	simm.s32 $0x3  }
0x8: {  	s24 =	simm.s32 $0x280;
	s25 =	simm.s32 $0x5;
	s28 =	simm.s32 $0x6  }
0x9: {  	s29 =	simm.s32 $0x2980;
	s30 =	simm.s32 $0x0;
	s5 =	sand.u32 $0x1, s3  }
0xa: {  	s4 =	sshll.u32 s1, $0x1;
	s7 =	smul.u32 $0x2800, s1;
	s3 =	simm.s32 $0x0  }
0xb: {  	s31 =	sshll.u32 s1, $0x6;
	s4 =	sor.u32 s5, s4;
	s6 =	smul.u32 $0x28000, s5  }
0xc: {  	[smem:$0x7FF] =	sst s3;
	s9 =	ssub.s32 $0x2, s5;
	s5 =	sadd.s32 $0x18800, s0  }
0xd: {  	s16 =	sor.u32 $0x1C07, s31;
	s8 =	smul.u32 $0x540, s4;
	_ =	strace $0x80000047  }
.Ltmp0:
0xe: {  	s4 =	sadd.s32 $0x9000, s0;
	s26 =	sshrl.u32 s9, $0x1;
	(pc) =	sbr.rel .LBB2_1-.Ltmp0, $4  }
0xf: {  	s17 =	sadd.s32 s7, s2;
	s6 =	sadd.s32 s7, s6;
	s9 =	ssub.s32 s9, s26  }
0x10: {  	s17 =	sshrl.u32 s17, $0x3;
	s8 =	sadd.s32 s8, s0;
	s6 =	sshrl.u32 s6, $0x3  }
0x11: {  	s26 =	simm.s32 $0x400;
	s0 =	sadd.s32 s6, s0;
	s6 =	sadd.s32 $0xE000, s8  }
0x12: {  	s8 =	smax.u32 s9, $0x1;
	s9 =	simm.s32 $0x7;
	s7 =	sadd.s32 $0x18E00, s0  }
.LBB2_4:
0x13: {  	_ =	swait.ge [sflag:s23], $0x800  }
0x14: {  	[sflag:s23] =	ssyncset.done $0x0  }
0x15: {  	[sflag:s23] =	ssyncadd.s32 $0xFFFFF800  }
0x16: {  	[spmem:s2] =	stream.indirect.scatter.add.f32 [tilespmem:s15], [sflag:$0x6], $0x10, s29, s10, $0xb8;
	[tilespmem:$0x6A00] =	vst v63  }
0x17: {  	_ =	swait.ge [sflag:s21], $0x800  }
0x18: {  	[sflag:s21] =	ssyncset.done $0x0  }
0x19: {  	[sflag:s21] =	ssyncadd.s32 $0xFFFFF800  }
0x1a: {  	_ =	swait.ge [sflag:s25], $0x800  }
0x1b: {  	[sflag:s25] =	ssyncset.done $0x0  }
0x1c: {  	[sflag:s25] =	ssyncadd.s32 $0xFFFFF800  }
0x1d: {  	_ =	swait.ge [sflag:s28], $0x800  }
0x1e: {  	s30 =	sadd.s32 $0x1, s30;
	[sflag:s28] =	ssyncset.done $0x0  }
0x1f: {  	p0 =	sne.s32 s30, s8;
	[sflag:s28] =	ssyncadd.s32 $0xFFFFF800  }
.Ltmp1:
0x20: {  	[bflag:$0x0] =	sbarrier.arrive $0xFFFF;
	(pc) =	sbr.rel @!p0 .LBB2_5-.Ltmp1, $4  }
0x21: {  	[hbm:s7], [sflag:s16] =	dma.local [spmem:s17], $0x500  }
0x22: {  	_ =	swait.ge [sflag:s9], $0x500  }
0x23: {  	[sflag:s9] =	ssyncset.done $0x0  }
0x24: {  	[sflag:s9] =	ssyncadd.s32 $0xFFFFFB00  }
.LBB2_1:
0x25: {  	[tilespmem:s3], [sflag:$0x7] =	stream.linear.gather [hbm4b:s6+s3], $0x2A00, $0x38;
	[tilespmem:$0x6A00] =	vst v63  }
0x26: {  	_ =	swait.ge [sflag:s9], $0x2A00  }
0x27: {  	[sflag:s9] =	ssyncset.done $0x0  }
0x28: {  	[sflag:s9] =	ssyncadd.s32 $0xFFFFD600  }
0x29: {  	[tilespmem:s11], [sflag:$0x1] =	stream.indirect.gather [hbm4b:s4+s10], $0x10, s3, s10, $0xb8;
	[tilespmem:$0x6A00] =	vst v63  }
0x2a: {  	_ = 	snop  }
0x2b: {  	[tilespmem:s13], [sflag:$0x2] =	stream.indirect.gather [hbm4b:s4+s10], $0x10, s12, s10, $0xb8;
	[tilespmem:$0x6A00] =	vst v63  }
0x2c: {  	_ = 	snop  }
0x2d: {  	[tilespmem:s15], [sflag:$0x3] =	stream.indirect.gather [hbm4b:s4+s10], $0x10, s14, s10, $0xb8;
	[tilespmem:$0x6A00] =	vst v63  }
0x2e: {  	[spmem:s17], [sflag:s16] =	dma.local [hbm:s5], $0x500  }
0x2f: {  	_ =	swait.ge [sflag:s9], $0x500  }
0x30: {  	[sflag:s9] =	ssyncset.done $0x0  }
0x31: {  	[sflag:s9] =	ssyncadd.s32 $0xFFFFFB00  }
0x32: {  	[bflag:$0x0] =	sbarrier.arrive $0xFFFF  }
0x33: {  	_ =	swait.ge [sflag:s18], $0x800  }
0x34: {  	[sflag:s18] =	ssyncset.done $0x0  }
0x35: {  	[sflag:s18] =	ssyncadd.s32 $0xFFFFF800  }
0x36: {  	[spmem:s2] =	stream.indirect.scatter.add.f32 [tilespmem:s11], [sflag:$0x4], $0x10, s10, s10, $0xb8;
	[tilespmem:$0x6A00] =	vst v63  }
0x37: {  	_ =	swait.ge [sflag:s19], $0x800  }
0x38: {  	[sflag:s19] =	ssyncset.done $0x0  }
0x39: {  	[sflag:s19] =	ssyncadd.s32 $0xFFFFF800  }
0x3a: {  	[spmem:s2] =	stream.indirect.scatter.add.f32 [tilespmem:s13], [sflag:$0x5], $0x10, s20, s10, $0xb8;
	[tilespmem:$0x6A00] =	vst v63  }
0x3b: {  	_ =	swait.ge [sflag:s21], $0x800  }
0x3c: {  	[sflag:s21] =	ssyncset.done $0x0  }
0x3d: {  	[sflag:s21] =	ssyncadd.s32 $0xFFFFF800  }
0x3e: {  	[tilespmem:s11], [sflag:$0x1] =	stream.indirect.gather [hbm4b:s4+s10], $0x10, s22, s10, $0xb8;
	[tilespmem:$0x6A00] =	vst v63  }
0x3f: {  	_ =	swait.ge [sflag:s23], $0x800  }
0x40: {  	[sflag:s23] =	ssyncset.done $0x0  }
0x41: {  	[sflag:s23] =	ssyncadd.s32 $0xFFFFF800  }
0x42: {  	[spmem:s2] =	stream.indirect.scatter.add.f32 [tilespmem:s15], [sflag:$0x6], $0x10, s24, s10, $0xb8;
	[tilespmem:$0x6A00] =	vst v63  }
0x43: {  	_ =	swait.ge [sflag:s25], $0x800  }
0x44: {  	[sflag:s25] =	ssyncset.done $0x0  }
0x45: {  	s31 =	simm.s32 $0x0;
	[sflag:s25] =	ssyncadd.s32 $0xFFFFF800  }
0x46: {  	[tilespmem:s13], [sflag:$0x2] =	stream.indirect.gather [hbm4b:s4+s10], $0x10, s26, s10, $0xb8;
	[tilespmem:$0x6A00] =	vst v63  }
.LBB2_2:
0x47: {  	_ =	swait.ge [sflag:s18], $0x800  }
0x48: {  	s0 =	sshra.s32 s31, $0x2;
	[sflag:s18] =	ssyncset.done $0x0  }
0x49: {  	s1 =	sadd.s32 $0x380, s0;
	[sflag:s18] =	ssyncadd.s32 $0xFFFFF800  }
0x4a: {  	[spmem:s2] =	stream.indirect.scatter.add.f32 [tilespmem:s11], [sflag:$0x4], $0x10, s1, s10, $0xb8;
	[tilespmem:$0x6A00] =	vst v63  }
0x4b: {  	_ =	swait.ge [sflag:s28], $0x800  }
0x4c: {  	[sflag:s28] =	ssyncset.done $0x0  }
0x4d: {  	p0 =	seq.s32 s31, $0x9000;
	s1 =	sadd.s32 $0x500, s0;
	[sflag:s28] =	ssyncadd.s32 $0xFFFFF800  }
0x4e: {  	[tilespmem:s15], [sflag:$0x3] =	stream.indirect.gather [hbm4b:s4+s10], $0x10, s1, s10, $0xb8;
	[tilespmem:$0x6A00] =	vst v63  }
.Ltmp2:
0x4f: {  	_ = 	snop;
	(pc) =	sbr.rel @p0 .LBB2_4-.Ltmp2, $4  }
0x50: {  	_ =	swait.ge [sflag:s19], $0x800  }
0x51: {  	[sflag:s19] =	ssyncset.done $0x0  }
0x52: {  	s1 =	sadd.s32 $0x480, s0;
	[sflag:s19] =	ssyncadd.s32 $0xFFFFF800  }
0x53: {  	[spmem:s2] =	stream.indirect.scatter.add.f32 [tilespmem:s13], [sflag:$0x5], $0x10, s1, s10, $0xb8;
	[tilespmem:$0x6A00] =	vst v63  }
0x54: {  	_ =	swait.ge [sflag:s21], $0x800  }
0x55: {  	[sflag:s21] =	ssyncset.done $0x0  }
0x56: {  	s1 =	sadd.s32 $0x600, s0;
	[sflag:s21] =	ssyncadd.s32 $0xFFFFF800  }
0x57: {  	[tilespmem:s11], [sflag:$0x1] =	stream.indirect.gather [hbm4b:s4+s10], $0x10, s1, s10, $0xb8;
	[tilespmem:$0x6A00] =	vst v63  }
0x58: {  	_ =	swait.ge [sflag:s23], $0x800  }
0x59: {  	[sflag:s23] =	ssyncset.done $0x0  }
0x5a: {  	s1 =	sadd.s32 $0x580, s0;
	[sflag:s23] =	ssyncadd.s32 $0xFFFFF800  }
0x5b: {  	[spmem:s2] =	stream.indirect.scatter.add.f32 [tilespmem:s15], [sflag:$0x6], $0x10, s1, s10, $0xb8;
	[tilespmem:$0x6A00] =	vst v63  }
.Ltmp3:
0x5c: {  	_ = 	snop;
	(pc) =	sbr.rel .LBB2_2-.Ltmp3, $4  }
0x5d: {  	_ =	swait.ge [sflag:s25], $0x800  }
0x5e: {  	[sflag:s25] =	ssyncset.done $0x0  }
0x5f: {  	s31 =	sadd.s32 $0xC00, s31;
	s1 =	sadd.s32 $0x700, s0;
	[sflag:s25] =	ssyncadd.s32 $0xFFFFF800  }
0x60: {  	[tilespmem:s13], [sflag:$0x2] =	stream.indirect.gather [hbm4b:s4+s10], $0x10, s1, s10, $0xb8;
	[tilespmem:$0x6A00] =	vst v63  }
.LBB2_5:
0x61: {  	_ =	sfence.sel $0x180000  }
0x62: {  	[bflag:$0x0] =	sbarrier.arrive $0xFFFF  }
0x63: {  	_ =	strace $0x90000047  }
0x64: {  	s0 =	stileid.u32;
	[bflag:$0x2] =	sbarrier.arrive $0xFFFF  }
0x65: {  	p0 =	sne.s32 s0, $0x0;
	s0 =	rddreg [dreg:$0x2]  }
0x66: {  	s0 =	sadd.s32 @!p0 $0x100000, s0  }
0x67: {  	[sflag:s0] =	ssyncadd.tile.s32 @!p0 $0x1;
	_ =	shalt  }
.Lfunc_end2:
_tile_overlayer_lowered:
.L_overlay_start_2:
0x68: {  	(tag) =	ssettag $0x2  }
0x69: {  	s0 =	rddreg [dreg:$0x0];
	s2 =	stileid.u32  }
0x6a: {  	s1 =	rddreg [dreg:$0x1];
	p0 =	sne.s32 s2, $0x0  }
0x6b: {  	s3 =	rddreg [dreg:$0x2];
	[bflag:$0x3] =	sbarrier.arrive $0xFFFF;
	s2 =	simm.s32 @!p0 $0x1C07  }
0x6c: {  	[timem:s3], [sflag:s2] =	dma.local @!p0 [hbm:s0], s1  }
0x6d: {  	s0 =	simm.s32 @!p0 $0x7  }
0x6e: {  	_ =	swait.ge @!p0 [sflag:s0], s1  }
0x6f: {  	s1 =	ssub.s32 @!p0 $0x0, s1;
	[sflag:s0] =	ssyncset.done @!p0 $0x0  }
0x70: {  	[sflag:s0] =	ssyncadd.s32 @!p0 s1  }
0x71: {  	[bflag:$0x3] =	sbarrier.arrive $0xFFFF  }
0x72: {  	_ =	shalt  }

</sc_bundles>
